<compile_context>
chip_gen: v7x
topology: tpu7x:2x2x1
jax: 0.10.2.dev20260603
libtpu: 0.0.44.dev20260713+nightly
codegen_flags: <defaults>
</compile_context>

<pallas_src>
import functools

import jax
import jax.numpy as jnp
from jax import lax
from jax.experimental import pallas as pl
from jax.experimental.pallas import tpu as pltpu
from jax.experimental.pallas import tpu_sc as plsc

_CHUNK = 128


@functools.lru_cache(maxsize=None)
def _build_gather(n_tok: int, vocab: int, d: int, n_batch: int):
    info = plsc.get_sparse_core_info()
    nc, ns, nl = info.num_cores, info.num_subcores, info.num_lanes
    nw = nc * ns
    dtr = d // 8
    tile = 8 * _CHUNK
    nbc = n_batch // _CHUNK
    n_chunks_total = n_tok * nbc
    assert n_chunks_total % nw == 0
    n_chunks = n_chunks_total // nw
    nbuf = 4
    assert n_chunks % nbuf == 0 and nbuf % 2 == 0
    n_groups = n_chunks // nbuf
    mesh = plsc.VectorSubcoreMesh(core_axis_name="c", subcore_axis_name="s")

    @functools.partial(
        pl.kernel,
        mesh=mesh,
        out_type=jax.ShapeDtypeStruct((n_tok, dtr, nbc, tile), jnp.float32),
        compiler_params=pltpu.CompilerParams(
            use_tc_tiling_on_sc=False, needs_layout_passes=False
        ),
        scratch_types=[
            pltpu.VMEM((n_chunks, _CHUNK), jnp.int32),
            pltpu.VMEM((nbuf, _CHUNK, d), jnp.float32),
            pltpu.VMEM((2, _CHUNK * d), jnp.float32),
            pltpu.SemaphoreType.DMA((nbuf,)),
            pltpu.SemaphoreType.DMA((2,)),
        ],
    )
    def gather(table_hbm, idxc_hbm, out_hbm, idx_v, rows_v, tbuf, gsem, ssem):
        wid = lax.axis_index("s") * nc + lax.axis_index("c")
        qbase = wid * n_chunks
        pltpu.sync_copy(idxc_hbm.at[pl.ds(qbase, n_chunks)], idx_v)

        for b in range(nbuf):
            pltpu.async_copy(table_hbm.at[idx_v.at[b]], rows_v.at[b], gsem.at[b])

        lane = lax.iota(jnp.int32, nl)
        lanescaled = lane * _CHUNK

        def group_body(g, carry):
            for b in range(nbuf):
                j = g * nbuf + b
                p = b % 2
                pltpu.make_async_copy(
                    table_hbm.at[idx_v.at[0]], rows_v.at[b], gsem.at[b]
                ).wait()

                @pl.when(j >= 2)
                def _():
                    for tr in range(dtr):
                        pltpu.make_async_copy(
                            tbuf.at[p, pl.ds(tr * tile, tile)],
                            out_hbm.at[0, tr, 0],
                            ssem.at[p],
                        ).wait()

                dst = tbuf.at[p]

                def k_body(k, carry2):
                    rot = lax.rem(lane + k, nl)
                    for fb in range(d // nl):
                        colv = fb * nl + rot
                        colscaled = colv * _CHUNK
                        for c0 in range(_CHUNK // nl):
                            rowv = c0 * nl + lane
                            g = plsc.load_gather(rows_v.at[b], [rowv, colv])
                            plsc.store_scatter(dst, [colscaled + rowv], g)
                    return carry2

                lax.fori_loop(0, nl, k_body, 0)

                q = qbase + j
                t = q // nbc
                bc = lax.rem(q, nbc)
                for tr in range(dtr):
                    pltpu.async_copy(
                        tbuf.at[p, pl.ds(tr * tile, tile)],
                        out_hbm.at[t, tr, bc],
                        ssem.at[p],
                    )

                @pl.when(j + nbuf < n_chunks)
                def _():
                    pltpu.async_copy(
                        table_hbm.at[idx_v.at[j + nbuf]], rows_v.at[b], gsem.at[b]
                    )

            return carry

        lax.fori_loop(0, n_groups, group_body, 0)

        for p in range(2):
            for tr in range(dtr):
                pltpu.make_async_copy(
                    tbuf.at[p, pl.ds(tr * tile, tile)],
                    out_hbm.at[0, tr, 0],
                    ssem.at[p],
                ).wait()

    return gather, nw


def kernel(context, questions, table):
    b, l_ctx = context.shape
    _, l_q = questions.shape
    vocab, d = table.shape
    l_tot = l_ctx + l_q
    idx_t = jnp.concatenate([context.T, questions.T], axis=0).astype(jnp.int32)
    idxc = idx_t.reshape(l_tot * (b // _CHUNK), _CHUNK)
    gather, nw = _build_gather(l_tot, vocab, d, b)
    out4 = gather(table, idxc)
    out5 = out4.reshape(l_tot, d // 8, b // _CHUNK, 8, _CHUNK)
    emb = out5.transpose(2, 4, 0, 1, 3).reshape(b, l_tot, d)
    return emb

# --- scband reference (transcript-rebuilt; emitter-appended) ---
"""Pipeline reference for scband-dmn-63591285785398 (READ-ONLY COPY).

The authoritative reference and input builder live on the scoring server;
editing this copy changes nothing except your own understanding.
"""

import jax, jax.numpy as jnp
import numpy as np

VOCAB = 1000000
HIDDEN = 32
B = 4096
L_CTX = 200
L_Q = 20

def setup_inputs(seed: int = 0) -> dict:
    key = jax.random.key(seed)
    k1, k2, k3 = jax.random.split(key, 3)
    context = jax.random.randint(k1, (B, L_CTX), 0, VOCAB, dtype=jnp.int64 if jax.config.read('jax_enable_x64') else jnp.int32)
    questions = jax.random.randint(k2, (B, L_Q), 0, VOCAB, dtype=context.dtype)
    # nn.Embedding weight, init.uniform_(a=-sqrt(3), b=sqrt(3)), padding_idx=0
    table = jax.random.uniform(k3, (VOCAB, HIDDEN), dtype=jnp.float32, minval=-3 ** 0.5, maxval=3 ** 0.5)
    return {"context": context, "questions": questions, "table": table}

def reference(context, questions, table):
    # Core of DMN forward: sparse embedding lookups of context and question tokens
    # (downstream GRU/episodic-memory submodules are undefined in the source; the
    #  embedding_lookup kernel is the word_embedding gather applied to both inputs).
    idx = jnp.concatenate([context, questions], axis=1)  # [B, L_CTX + L_Q]
    emb = jnp.take(table, idx, axis=0)                   # [B, L_CTX + L_Q, HIDDEN]
    return emb

if __name__ == "__main__":
    import jax
    _d = setup_inputs()
    print(jax.jit(kernel)(*tuple(_d.values())))

</pallas_src>

<mosaic_0001>
#map = affine_map<(d0, d1) -> (0, 0)>
#map1 = affine_map<(d0, d1) -> (0, 0, 0, 0)>
module attributes {stable_mosaic.version = 14 : i64} {
  func.func @gather(%arg0: i32, %arg1: i32, %arg2: memref<1000000x32xf32, #tpu.memory_space<hbm>>, %arg3: memref<7040x128xi32, #tpu.memory_space<hbm>>, %arg4: memref<220x4x32x1024xf32, #tpu.memory_space<hbm>>, %arg5: memref<220x128xi32, #tpu.memory_space<vmem>>, %arg6: memref<4x128x32xf32, #tpu.memory_space<vmem>>, %arg7: memref<2x4096xf32, #tpu.memory_space<vmem>>, %arg8: memref<4x!tpu.dma_semaphore, #tpu.memory_space<semaphore_mem>>, %arg9: memref<2x!tpu.dma_semaphore, #tpu.memory_space<semaphore_mem>>) attributes {dimension_semantics = [#tpu.dimension_semantics<core_parallel>, #tpu.dimension_semantics<subcore_parallel>], iteration_bounds = array<i64: 2, 16>, scalar_prefetch = 0 : i64, scratch_operands = 5 : i64, tpu.core_type = #tpu.core_type<sc_vector_subcore>, window_params = [{transform_indices = #map}, {transform_indices = #map}, {transform_indices = #map1}]} {
    %mul3A = arith.constant 2 : i32
    %mul3A_0 = arith.muli %arg1, %mul3A : i32
    %add3A = arith.addi %mul3A_0, %arg0 : i32
    %mul3A_1 = arith.constant 220 : i32
    %mul3A_2 = arith.muli %add3A, %mul3A_1 : i32
    "tpu.region"() ({
      %run_scoped3A = tpu.sem_alloc : memref<!tpu.dma_semaphore, #tpu.memory_space<semaphore_mem>>
      %dma_start3A_221 = arith.constant 0 : i32
      %dma_start3A_222 = tpu.memref_slice %arg3[%mul3A_2, %dma_start3A_221] : memref<7040x128xi32, #tpu.memory_space<hbm>> -> memref<220x128xi32, #tpu.memory_space<hbm>>
      %dma_start3A_223 = arith.constant 0 : i32
      %dma_start3A_224 = tpu.memref_slice %arg3[%mul3A_2, %dma_start3A_223] : memref<7040x128xi32, #tpu.memory_space<hbm>> -> memref<220x128xi32, #tpu.memory_space<hbm>>
      tpu.enqueue_dma source(%dma_start3A_224 : memref<220x128xi32, #tpu.memory_space<hbm>>) target(%arg5 : memref<220x128xi32, #tpu.memory_space<vmem>>) target_semaphore(%run_scoped3A : memref<!tpu.dma_semaphore, #tpu.memory_space<semaphore_mem>>)
      %dma_wait3A_225 = arith.constant 0 : i32
      %dma_wait3A_226 = tpu.memref_slice %arg3[%mul3A_2, %dma_wait3A_225] : memref<7040x128xi32, #tpu.memory_space<hbm>> -> memref<220x128xi32, #tpu.memory_space<hbm>>
      %dma_wait3A_227 = arith.constant 0 : i32
      %dma_wait3A_228 = tpu.memref_slice %arg3[%mul3A_2, %dma_wait3A_227] : memref<7040x128xi32, #tpu.memory_space<hbm>> -> memref<220x128xi32, #tpu.memory_space<hbm>>
      tpu.wait_dma2 semaphore(%run_scoped3A : memref<!tpu.dma_semaphore, #tpu.memory_space<semaphore_mem>>) src(%dma_wait3A_228 : memref<220x128xi32, #tpu.memory_space<hbm>>) dst(%arg5 : memref<220x128xi32, #tpu.memory_space<vmem>>)
      tpu.yield
    }) : () -> ()
    %dma_start3A = arith.constant 0 : i32
    %dma_start3A_3 = arith.constant 0 : i32
    %dma_start3A_4 = arith.constant 0 : i32
    %dma_start3A_5 = arith.constant 0 : i32
    %dma_start3A_6 = arith.constant 0 : i32
    %dma_start3A_7 = tpu.memref_slice %arg6[%dma_start3A_3, %dma_start3A_5, %dma_start3A_6] : memref<4x128x32xf32, #tpu.memory_space<vmem>> -> memref<1x128x32xf32, #tpu.memory_space<vmem>>
    %dma_start3A_8 = tpu.memref_squeeze %dma_start3A_7 : memref<1x128x32xf32, #tpu.memory_space<vmem>> -> memref<128x32xf32, #tpu.memory_space<vmem>>
    %dma_start3A_9 = arith.constant 0 : i32
    %dma_start3A_10 = tpu.memref_slice %arg5[%dma_start3A, %dma_start3A_9] : memref<220x128xi32, #tpu.memory_space<vmem>> -> memref<1x128xi32, #tpu.memory_space<vmem>>
    %dma_start3A_11 = tpu.memref_squeeze %dma_start3A_10 : memref<1x128xi32, #tpu.memory_space<vmem>> -> memref<128xi32, #tpu.memory_space<vmem>>
    %dma_start3A_12 = arith.constant 0 : i32
    %dma_start3A_13 = arith.constant 0 : i32
    %dma_start3A_14 = tpu.memref_slice %arg2[%dma_start3A_12, %dma_start3A_13] : memref<1000000x32xf32, #tpu.memory_space<hbm>> -> memref<1000000x32xf32, #tpu.memory_space<hbm>>
    %dma_start3A_15 = tpu.memref_slice %arg8[%dma_start3A_4] : memref<4x!tpu.dma_semaphore, #tpu.memory_space<semaphore_mem>> -> memref<1x!tpu.dma_semaphore, #tpu.memory_space<semaphore_mem>>
    %dma_start3A_16 = tpu.memref_squeeze %dma_start3A_15 : memref<1x!tpu.dma_semaphore, #tpu.memory_space<semaphore_mem>> -> memref<!tpu.dma_semaphore, #tpu.memory_space<semaphore_mem>>
    tpu.enqueue_indirect_dma source(%dma_start3A_14 : memref<1000000x32xf32, #tpu.memory_space<hbm>>) target(%dma_start3A_8 : memref<128x32xf32, #tpu.memory_space<vmem>>) offsets(%dma_start3A_11 : memref<128xi32, #tpu.memory_space<vmem>>) semaphore(%dma_start3A_16 : memref<!tpu.dma_semaphore, #tpu.memory_space<semaphore_mem>>)
    %dma_start3A_17 = arith.constant 1 : i32
    %dma_start3A_18 = arith.constant 1 : i32
    %dma_start3A_19 = arith.constant 1 : i32
    %dma_start3A_20 = arith.constant 0 : i32
    %dma_start3A_21 = arith.constant 0 : i32
    %dma_start3A_22 = tpu.memref_slice %arg6[%dma_start3A_18, %dma_start3A_20, %dma_start3A_21] : memref<4x128x32xf32, #tpu.memory_space<vmem>> -> memref<1x128x32xf32, #tpu.memory_space<vmem>>
    %dma_start3A_23 = tpu.memref_squeeze %dma_start3A_22 : memref<1x128x32xf32, #tpu.memory_space<vmem>> -> memref<128x32xf32, #tpu.memory_space<vmem>>
    %dma_start3A_24 = arith.constant 0 : i32
    %dma_start3A_25 = tpu.memref_slice %arg5[%dma_start3A_17, %dma_start3A_24] : memref<220x128xi32, #tpu.memory_space<vmem>> -> memref<1x128xi32, #tpu.memory_space<vmem>>
    %dma_start3A_26 = tpu.memref_squeeze %dma_start3A_25 : memref<1x128xi32, #tpu.memory_space<vmem>> -> memref<128xi32, #tpu.memory_space<vmem>>
    %dma_start3A_27 = arith.constant 0 : i32
    %dma_start3A_28 = arith.constant 0 : i32
    %dma_start3A_29 = tpu.memref_slice %arg2[%dma_start3A_27, %dma_start3A_28] : memref<1000000x32xf32, #tpu.memory_space<hbm>> -> memref<1000000x32xf32, #tpu.memory_space<hbm>>
    %dma_start3A_30 = tpu.memref_slice %arg8[%dma_start3A_19] : memref<4x!tpu.dma_semaphore, #tpu.memory_space<semaphore_mem>> -> memref<1x!tpu.dma_semaphore, #tpu.memory_space<semaphore_mem>>
    %dma_start3A_31 = tpu.memref_squeeze %dma_start3A_30 : memref<1x!tpu.dma_semaphore, #tpu.memory_space<semaphore_mem>> -> memref<!tpu.dma_semaphore, #tpu.memory_space<semaphore_mem>>
    tpu.enqueue_indirect_dma source(%dma_start3A_29 : memref<1000000x32xf32, #tpu.memory_space<hbm>>) target(%dma_start3A_23 : memref<128x32xf32, #tpu.memory_space<vmem>>) offsets(%dma_start3A_26 : memref<128xi32, #tpu.memory_space<vmem>>) semaphore(%dma_start3A_31 : memref<!tpu.dma_semaphore, #tpu.memory_space<semaphore_mem>>)
    %dma_start3A_32 = arith.constant 2 : i32
    %dma_start3A_33 = arith.constant 2 : i32
    %dma_start3A_34 = arith.constant 2 : i32
    %dma_start3A_35 = arith.constant 0 : i32
    %dma_start3A_36 = arith.constant 0 : i32
    %dma_start3A_37 = tpu.memref_slice %arg6[%dma_start3A_33, %dma_start3A_35, %dma_start3A_36] : memref<4x128x32xf32, #tpu.memory_space<vmem>> -> memref<1x128x32xf32, #tpu.memory_space<vmem>>
    %dma_start3A_38 = tpu.memref_squeeze %dma_start3A_37 : memref<1x128x32xf32, #tpu.memory_space<vmem>> -> memref<128x32xf32, #tpu.memory_space<vmem>>
    %dma_start3A_39 = arith.constant 0 : i32
    %dma_start3A_40 = tpu.memref_slice %arg5[%dma_start3A_32, %dma_start3A_39] : memref<220x128xi32, #tpu.memory_space<vmem>> -> memref<1x128xi32, #tpu.memory_space<vmem>>
    %dma_start3A_41 = tpu.memref_squeeze %dma_start3A_40 : memref<1x128xi32, #tpu.memory_space<vmem>> -> memref<128xi32, #tpu.memory_space<vmem>>
    %dma_start3A_42 = arith.constant 0 : i32
    %dma_start3A_43 = arith.constant 0 : i32
    %dma_start3A_44 = tpu.memref_slice %arg2[%dma_start3A_42, %dma_start3A_43] : memref<1000000x32xf32, #tpu.memory_space<hbm>> -> memref<1000000x32xf32, #tpu.memory_space<hbm>>
    %dma_start3A_45 = tpu.memref_slice %arg8[%dma_start3A_34] : memref<4x!tpu.dma_semaphore, #tpu.memory_space<semaphore_mem>> -> memref<1x!tpu.dma_semaphore, #tpu.memory_space<semaphore_mem>>
    %dma_start3A_46 = tpu.memref_squeeze %dma_start3A_45 : memref<1x!tpu.dma_semaphore, #tpu.memory_space<semaphore_mem>> -> memref<!tpu.dma_semaphore, #tpu.memory_space<semaphore_mem>>
    tpu.enqueue_indirect_dma source(%dma_start3A_44 : memref<1000000x32xf32, #tpu.memory_space<hbm>>) target(%dma_start3A_38 : memref<128x32xf32, #tpu.memory_space<vmem>>) offsets(%dma_start3A_41 : memref<128xi32, #tpu.memory_space<vmem>>) semaphore(%dma_start3A_46 : memref<!tpu.dma_semaphore, #tpu.memory_space<semaphore_mem>>)
    %dma_start3A_47 = arith.constant 3 : i32
    %dma_start3A_48 = arith.constant 3 : i32
    %dma_start3A_49 = arith.constant 3 : i32
    %dma_start3A_50 = arith.constant 0 : i32
    %dma_start3A_51 = arith.constant 0 : i32
    %dma_start3A_52 = tpu.memref_slice %arg6[%dma_start3A_48, %dma_start3A_50, %dma_start3A_51] : memref<4x128x32xf32, #tpu.memory_space<vmem>> -> memref<1x128x32xf32, #tpu.memory_space<vmem>>
    %dma_start3A_53 = tpu.memref_squeeze %dma_start3A_52 : memref<1x128x32xf32, #tpu.memory_space<vmem>> -> memref<128x32xf32, #tpu.memory_space<vmem>>
    %dma_start3A_54 = arith.constant 0 : i32
    %dma_start3A_55 = tpu.memref_slice %arg5[%dma_start3A_47, %dma_start3A_54] : memref<220x128xi32, #tpu.memory_space<vmem>> -> memref<1x128xi32, #tpu.memory_space<vmem>>
    %dma_start3A_56 = tpu.memref_squeeze %dma_start3A_55 : memref<1x128xi32, #tpu.memory_space<vmem>> -> memref<128xi32, #tpu.memory_space<vmem>>
    %dma_start3A_57 = arith.constant 0 : i32
    %dma_start3A_58 = arith.constant 0 : i32
    %dma_start3A_59 = tpu.memref_slice %arg2[%dma_start3A_57, %dma_start3A_58] : memref<1000000x32xf32, #tpu.memory_space<hbm>> -> memref<1000000x32xf32, #tpu.memory_space<hbm>>
    %dma_start3A_60 = tpu.memref_slice %arg8[%dma_start3A_49] : memref<4x!tpu.dma_semaphore, #tpu.memory_space<semaphore_mem>> -> memref<1x!tpu.dma_semaphore, #tpu.memory_space<semaphore_mem>>
    %dma_start3A_61 = tpu.memref_squeeze %dma_start3A_60 : memref<1x!tpu.dma_semaphore, #tpu.memory_space<semaphore_mem>> -> memref<!tpu.dma_semaphore, #tpu.memory_space<semaphore_mem>>
    tpu.enqueue_indirect_dma source(%dma_start3A_59 : memref<1000000x32xf32, #tpu.memory_space<hbm>>) target(%dma_start3A_53 : memref<128x32xf32, #tpu.memory_space<vmem>>) offsets(%dma_start3A_56 : memref<128xi32, #tpu.memory_space<vmem>>) semaphore(%dma_start3A_61 : memref<!tpu.dma_semaphore, #tpu.memory_space<semaphore_mem>>)
    %iota3A = tpu.iota {dimensions = array<i32: 0>} : vector<16xi32>
    %mul3A_62 = arith.constant 128 : i32
    %mul3A_63 = vector.broadcast %mul3A_62 : i32 to vector<16xi32>
    %mul3A_64 = arith.muli %iota3A, %mul3A_63 : vector<16xi32>
    %scan3A = arith.constant 0 : i32
    %scan3A_65 = arith.constant 0 : i32
    %scan3A_66 = arith.constant 55 : i32
    %scan3A_67 = arith.addi %scan3A_65, %scan3A_66 : i32
    %scan3A_68 = arith.constant 1 : i32
    scf.for %scan3A_221 = %scan3A_65 to %scan3A_67 step %scan3A_68  : i32 {
      %mul3A_222 = arith.constant 4 : i32
      %mul3A_223 = arith.muli %scan3A_221, %mul3A_222 : i32
      %add3A_224 = arith.constant 0 : i32
      %add3A_225 = arith.addi %mul3A_223, %add3A_224 : i32
      %dma_wait3A_226 = arith.constant 0 : i32
      %dma_wait3A_227 = arith.constant 0 : i32
      %dma_wait3A_228 = arith.constant 0 : i32
      %dma_wait3A_229 = arith.constant 0 : i32
      %dma_wait3A_230 = arith.constant 0 : i32
      %dma_wait3A_231 = tpu.memref_slice %arg6[%dma_wait3A_227, %dma_wait3A_229, %dma_wait3A_230] : memref<4x128x32xf32, #tpu.memory_space<vmem>> -> memref<1x128x32xf32, #tpu.memory_space<vmem>>
      %dma_wait3A_232 = tpu.memref_squeeze %dma_wait3A_231 : memref<1x128x32xf32, #tpu.memory_space<vmem>> -> memref<128x32xf32, #tpu.memory_space<vmem>>
      %dma_wait3A_233 = arith.constant 0 : i32
      %dma_wait3A_234 = tpu.memref_slice %arg5[%dma_wait3A_226, %dma_wait3A_233] : memref<220x128xi32, #tpu.memory_space<vmem>> -> memref<1x128xi32, #tpu.memory_space<vmem>>
      %dma_wait3A_235 = tpu.memref_squeeze %dma_wait3A_234 : memref<1x128xi32, #tpu.memory_space<vmem>> -> memref<128xi32, #tpu.memory_space<vmem>>
      %dma_wait3A_236 = arith.constant 0 : i32
      %dma_wait3A_237 = arith.constant 0 : i32
      %dma_wait3A_238 = tpu.memref_slice %arg2[%dma_wait3A_236, %dma_wait3A_237] : memref<1000000x32xf32, #tpu.memory_space<hbm>> -> memref<1000000x32xf32, #tpu.memory_space<hbm>>
      %dma_wait3A_239 = tpu.memref_slice %arg8[%dma_wait3A_228] : memref<4x!tpu.dma_semaphore, #tpu.memory_space<semaphore_mem>> -> memref<1x!tpu.dma_semaphore, #tpu.memory_space<semaphore_mem>>
      %dma_wait3A_240 = tpu.memref_squeeze %dma_wait3A_239 : memref<1x!tpu.dma_semaphore, #tpu.memory_space<semaphore_mem>> -> memref<!tpu.dma_semaphore, #tpu.memory_space<semaphore_mem>>
      tpu.wait_indirect_dma semaphore(%dma_wait3A_240 : memref<!tpu.dma_semaphore, #tpu.memory_space<semaphore_mem>>) src(%dma_wait3A_238 : memref<1000000x32xf32, #tpu.memory_space<hbm>>) dst(%dma_wait3A_232 : memref<128x32xf32, #tpu.memory_space<vmem>>)
      %ge3A = arith.constant 2 : i32
      %ge3A_241 = arith.cmpi sge, %add3A_225, %ge3A : i32
      %convert_element_type3A = arith.extui %ge3A_241 : i1 to i32
      %cond3A = arith.constant 0 : i32
      %cond3A_242 = arith.cmpi ne, %convert_element_type3A, %cond3A : i32
      scf.if %cond3A_242 {
        %dma_wait3A_742 = arith.constant 0 : i32
        %dma_wait3A_743 = arith.constant 0 : i32
        %dma_wait3A_744 = arith.constant 0 : i32
        %dma_wait3A_745 = arith.constant 0 : i32
        %dma_wait3A_746 = arith.constant 0 : i32
        %dma_wait3A_747 = arith.constant 0 : i32
        %dma_wait3A_748 = tpu.memref_slice %arg7[%dma_wait3A_742, %dma_wait3A_747] : memref<2x4096xf32, #tpu.memory_space<vmem>> -> memref<1x1024xf32, #tpu.memory_space<vmem>>
        %dma_wait3A_749 = tpu.memref_squeeze %dma_wait3A_748 : memref<1x1024xf32, #tpu.memory_space<vmem>> -> memref<1024xf32, #tpu.memory_space<vmem>>
        %dma_wait3A_750 = arith.constant 0 : i32
        %dma_wait3A_751 = tpu.memref_slice %arg4[%dma_wait3A_743, %dma_wait3A_744, %dma_wait3A_745, %dma_wait3A_750] : memref<220x4x32x1024xf32, #tpu.memory_space<hbm>> -> memref<1x1x1x1024xf32, #tpu.memory_space<hbm>>
        %dma_wait3A_752 = tpu.memref_squeeze %dma_wait3A_751 : memref<1x1x1x1024xf32, #tpu.memory_space<hbm>> -> memref<1024xf32, #tpu.memory_space<hbm>>
        %dma_wait3A_753 = tpu.memref_slice %arg9[%dma_wait3A_746] : memref<2x!tpu.dma_semaphore, #tpu.memory_space<semaphore_mem>> -> memref<1x!tpu.dma_semaphore, #tpu.memory_space<semaphore_mem>>
        %dma_wait3A_754 = tpu.memref_squeeze %dma_wait3A_753 : memref<1x!tpu.dma_semaphore, #tpu.memory_space<semaphore_mem>> -> memref<!tpu.dma_semaphore, #tpu.memory_space<semaphore_mem>>
        %dma_wait3A_755 = arith.constant 0 : i32
        %dma_wait3A_756 = tpu.memref_slice %arg4[%dma_wait3A_743, %dma_wait3A_744, %dma_wait3A_745, %dma_wait3A_755] : memref<220x4x32x1024xf32, #tpu.memory_space<hbm>> -> memref<1x1x1x1024xf32, #tpu.memory_space<hbm>>
        %dma_wait3A_757 = tpu.memref_squeeze %dma_wait3A_756 : memref<1x1x1x1024xf32, #tpu.memory_space<hbm>> -> memref<1024xf32, #tpu.memory_space<hbm>>
        %dma_wait3A_758 = arith.constant 0 : i32
        %dma_wait3A_759 = tpu.memref_slice %arg7[%dma_wait3A_742, %dma_wait3A_758] : memref<2x4096xf32, #tpu.memory_space<vmem>> -> memref<1x1024xf32, #tpu.memory_space<vmem>>
        %dma_wait3A_760 = tpu.memref_squeeze %dma_wait3A_759 : memref<1x1024xf32, #tpu.memory_space<vmem>> -> memref<1024xf32, #tpu.memory_space<vmem>>
        tpu.wait_dma2 semaphore(%dma_wait3A_754 : memref<!tpu.dma_semaphore, #tpu.memory_space<semaphore_mem>>) src(%dma_wait3A_760 : memref<1024xf32, #tpu.memory_space<vmem>>) dst(%dma_wait3A_757 : memref<1024xf32, #tpu.memory_space<hbm>>)
        %dma_wait3A_761 = arith.constant 0 : i32
        %dma_wait3A_762 = arith.constant 0 : i32
        %dma_wait3A_763 = arith.constant 1 : i32
        %dma_wait3A_764 = arith.constant 0 : i32
        %dma_wait3A_765 = arith.constant 0 : i32
        %dma_wait3A_766 = arith.constant 1024 : i32
        %dma_wait3A_767 = tpu.memref_slice %arg7[%dma_wait3A_761, %dma_wait3A_766] : memref<2x4096xf32, #tpu.memory_space<vmem>> -> memref<1x1024xf32, #tpu.memory_space<vmem>>
        %dma_wait3A_768 = tpu.memref_squeeze %dma_wait3A_767 : memref<1x1024xf32, #tpu.memory_space<vmem>> -> memref<1024xf32, #tpu.memory_space<vmem>>
        %dma_wait3A_769 = arith.constant 0 : i32
        %dma_wait3A_770 = tpu.memref_slice %arg4[%dma_wait3A_762, %dma_wait3A_763, %dma_wait3A_764, %dma_wait3A_769] : memref<220x4x32x1024xf32, #tpu.memory_space<hbm>> -> memref<1x1x1x1024xf32, #tpu.memory_space<hbm>>
        %dma_wait3A_771 = tpu.memref_squeeze %dma_wait3A_770 : memref<1x1x1x1024xf32, #tpu.memory_space<hbm>> -> memref<1024xf32, #tpu.memory_space<hbm>>
        %dma_wait3A_772 = tpu.memref_slice %arg9[%dma_wait3A_765] : memref<2x!tpu.dma_semaphore, #tpu.memory_space<semaphore_mem>> -> memref<1x!tpu.dma_semaphore, #tpu.memory_space<semaphore_mem>>
        %dma_wait3A_773 = tpu.memref_squeeze %dma_wait3A_772 : memref<1x!tpu.dma_semaphore, #tpu.memory_space<semaphore_mem>> -> memref<!tpu.dma_semaphore, #tpu.memory_space<semaphore_mem>>
        %dma_wait3A_774 = arith.constant 0 : i32
        %dma_wait3A_775 = tpu.memref_slice %arg4[%dma_wait3A_762, %dma_wait3A_763, %dma_wait3A_764, %dma_wait3A_774] : memref<220x4x32x1024xf32, #tpu.memory_space<hbm>> -> memref<1x1x1x1024xf32, #tpu.memory_space<hbm>>
        %dma_wait3A_776 = tpu.memref_squeeze %dma_wait3A_775 : memref<1x1x1x1024xf32, #tpu.memory_space<hbm>> -> memref<1024xf32, #tpu.memory_space<hbm>>
        %dma_wait3A_777 = arith.constant 1024 : i32
        %dma_wait3A_778 = tpu.memref_slice %arg7[%dma_wait3A_761, %dma_wait3A_777] : memref<2x4096xf32, #tpu.memory_space<vmem>> -> memref<1x1024xf32, #tpu.memory_space<vmem>>
        %dma_wait3A_779 = tpu.memref_squeeze %dma_wait3A_778 : memref<1x1024xf32, #tpu.memory_space<vmem>> -> memref<1024xf32, #tpu.memory_space<vmem>>
        tpu.wait_dma2 semaphore(%dma_wait3A_773 : memref<!tpu.dma_semaphore, #tpu.memory_space<semaphore_mem>>) src(%dma_wait3A_779 : memref<1024xf32, #tpu.memory_space<vmem>>) dst(%dma_wait3A_776 : memref<1024xf32, #tpu.memory_space<hbm>>)
        %dma_wait3A_780 = arith.constant 0 : i32
        %dma_wait3A_781 = arith.constant 0 : i32
        %dma_wait3A_782 = arith.constant 2 : i32
        %dma_wait3A_783 = arith.constant 0 : i32
        %dma_wait3A_784 = arith.constant 0 : i32
        %dma_wait3A_785 = arith.constant 2048 : i32
        %dma_wait3A_786 = tpu.memref_slice %arg7[%dma_wait3A_780, %dma_wait3A_785] : memref<2x4096xf32, #tpu.memory_space<vmem>> -> memref<1x1024xf32, #tpu.memory_space<vmem>>
        %dma_wait3A_787 = tpu.memref_squeeze %dma_wait3A_786 : memref<1x1024xf32, #tpu.memory_space<vmem>> -> memref<1024xf32, #tpu.memory_space<vmem>>
        %dma_wait3A_788 = arith.constant 0 : i32
        %dma_wait3A_789 = tpu.memref_slice %arg4[%dma_wait3A_781, %dma_wait3A_782, %dma_wait3A_783, %dma_wait3A_788] : memref<220x4x32x1024xf32, #tpu.memory_space<hbm>> -> memref<1x1x1x1024xf32, #tpu.memory_space<hbm>>
        %dma_wait3A_790 = tpu.memref_squeeze %dma_wait3A_789 : memref<1x1x1x1024xf32, #tpu.memory_space<hbm>> -> memref<1024xf32, #tpu.memory_space<hbm>>
        %dma_wait3A_791 = tpu.memref_slice %arg9[%dma_wait3A_784] : memref<2x!tpu.dma_semaphore, #tpu.memory_space<semaphore_mem>> -> memref<1x!tpu.dma_semaphore, #tpu.memory_space<semaphore_mem>>
        %dma_wait3A_792 = tpu.memref_squeeze %dma_wait3A_791 : memref<1x!tpu.dma_semaphore, #tpu.memory_space<semaphore_mem>> -> memref<!tpu.dma_semaphore, #tpu.memory_space<semaphore_mem>>
        %dma_wait3A_793 = arith.constant 0 : i32
        %dma_wait3A_794 = tpu.memref_slice %arg4[%dma_wait3A_781, %dma_wait3A_782, %dma_wait3A_783, %dma_wait3A_793] : memref<220x4x32x1024xf32, #tpu.memory_space<hbm>> -> memref<1x1x1x1024xf32, #tpu.memory_space<hbm>>
        %dma_wait3A_795 = tpu.memref_squeeze %dma_wait3A_794 : memref<1x1x1x1024xf32, #tpu.memory_space<hbm>> -> memref<1024xf32, #tpu.memory_space<hbm>>
        %dma_wait3A_796 = arith.constant 2048 : i32
        %dma_wait3A_797 = tpu.memref_slice %arg7[%dma_wait3A_780, %dma_wait3A_796] : memref<2x4096xf32, #tpu.memory_space<vmem>> -> memref<1x1024xf32, #tpu.memory_space<vmem>>
        %dma_wait3A_798 = tpu.memref_squeeze %dma_wait3A_797 : memref<1x1024xf32, #tpu.memory_space<vmem>> -> memref<1024xf32, #tpu.memory_space<vmem>>
        tpu.wait_dma2 semaphore(%dma_wait3A_792 : memref<!tpu.dma_semaphore, #tpu.memory_space<semaphore_mem>>) src(%dma_wait3A_798 : memref<1024xf32, #tpu.memory_space<vmem>>) dst(%dma_wait3A_795 : memref<1024xf32, #tpu.memory_space<hbm>>)
        %dma_wait3A_799 = arith.constant 0 : i32
        %dma_wait3A_800 = arith.constant 0 : i32
        %dma_wait3A_801 = arith.constant 3 : i32
        %dma_wait3A_802 = arith.constant 0 : i32
        %dma_wait3A_803 = arith.constant 0 : i32
        %dma_wait3A_804 = arith.constant 3072 : i32
        %dma_wait3A_805 = tpu.memref_slice %arg7[%dma_wait3A_799, %dma_wait3A_804] : memref<2x4096xf32, #tpu.memory_space<vmem>> -> memref<1x1024xf32, #tpu.memory_space<vmem>>
        %dma_wait3A_806 = tpu.memref_squeeze %dma_wait3A_805 : memref<1x1024xf32, #tpu.memory_space<vmem>> -> memref<1024xf32, #tpu.memory_space<vmem>>
        %dma_wait3A_807 = arith.constant 0 : i32
        %dma_wait3A_808 = tpu.memref_slice %arg4[%dma_wait3A_800, %dma_wait3A_801, %dma_wait3A_802, %dma_wait3A_807] : memref<220x4x32x1024xf32, #tpu.memory_space<hbm>> -> memref<1x1x1x1024xf32, #tpu.memory_space<hbm>>
        %dma_wait3A_809 = tpu.memref_squeeze %dma_wait3A_808 : memref<1x1x1x1024xf32, #tpu.memory_space<hbm>> -> memref<1024xf32, #tpu.memory_space<hbm>>
        %dma_wait3A_810 = tpu.memref_slice %arg9[%dma_wait3A_803] : memref<2x!tpu.dma_semaphore, #tpu.memory_space<semaphore_mem>> -> memref<1x!tpu.dma_semaphore, #tpu.memory_space<semaphore_mem>>
        %dma_wait3A_811 = tpu.memref_squeeze %dma_wait3A_810 : memref<1x!tpu.dma_semaphore, #tpu.memory_space<semaphore_mem>> -> memref<!tpu.dma_semaphore, #tpu.memory_space<semaphore_mem>>
        %dma_wait3A_812 = arith.constant 0 : i32
        %dma_wait3A_813 = tpu.memref_slice %arg4[%dma_wait3A_800, %dma_wait3A_801, %dma_wait3A_802, %dma_wait3A_812] : memref<220x4x32x1024xf32, #tpu.memory_space<hbm>> -> memref<1x1x1x1024xf32, #tpu.memory_space<hbm>>
        %dma_wait3A_814 = tpu.memref_squeeze %dma_wait3A_813 : memref<1x1x1x1024xf32, #tpu.memory_space<hbm>> -> memref<1024xf32, #tpu.memory_space<hbm>>
        %dma_wait3A_815 = arith.constant 3072 : i32
        %dma_wait3A_816 = tpu.memref_slice %arg7[%dma_wait3A_799, %dma_wait3A_815] : memref<2x4096xf32, #tpu.memory_space<vmem>> -> memref<1x1024xf32, #tpu.memory_space<vmem>>
        %dma_wait3A_817 = tpu.memref_squeeze %dma_wait3A_816 : memref<1x1024xf32, #tpu.memory_space<vmem>> -> memref<1024xf32, #tpu.memory_space<vmem>>
        tpu.wait_dma2 semaphore(%dma_wait3A_811 : memref<!tpu.dma_semaphore, #tpu.memory_space<semaphore_mem>>) src(%dma_wait3A_817 : memref<1024xf32, #tpu.memory_space<vmem>>) dst(%dma_wait3A_814 : memref<1024xf32, #tpu.memory_space<hbm>>)
      } else {
      }
      %scan3A_243 = arith.constant 0 : i32
      %scan3A_244 = arith.constant 0 : i32
      %scan3A_245 = arith.constant 0 : i32
      %scan3A_246 = arith.constant 16 : i32
      %scan3A_247 = arith.addi %scan3A_245, %scan3A_246 : i32
      %scan3A_248 = arith.constant 1 : i32
      scf.for %scan3A_742 = %scan3A_245 to %scan3A_247 step %scan3A_248  : i32 {
        %add3A_743 = vector.broadcast %scan3A_742 : i32 to vector<16xi32>
        %add3A_744 = arith.addi %iota3A, %add3A_743 : vector<16xi32>
        %rem3A_745 = arith.constant 16 : i32
        %rem3A_746 = vector.broadcast %rem3A_745 : i32 to vector<16xi32>
        %rem3A_747 = arith.remsi %add3A_744, %rem3A_746 : vector<16xi32>
        %add3A_748 = arith.constant 0 : i32
        %add3A_749 = vector.broadcast %add3A_748 : i32 to vector<16xi32>
        %add3A_750 = arith.addi %add3A_749, %rem3A_747 : vector<16xi32>
        %mul3A_751 = arith.constant 128 : i32
        %mul3A_752 = vector.broadcast %mul3A_751 : i32 to vector<16xi32>
        %mul3A_753 = arith.muli %add3A_750, %mul3A_752 : vector<16xi32>
        %add3A_754 = arith.constant 0 : i32
        %add3A_755 = vector.broadcast %add3A_754 : i32 to vector<16xi32>
        %add3A_756 = arith.addi %add3A_755, %iota3A : vector<16xi32>
        %gather3A = arith.constant 0 : i32
        %gather3A_757 = arith.constant 0 : i32
        %gather3A_758 = arith.constant 0 : i32
        %gather3A_759 = tpu.memref_slice %arg6[%gather3A, %gather3A_757, %gather3A_758] : memref<4x128x32xf32, #tpu.memory_space<vmem>> -> memref<1x128x32xf32, #tpu.memory_space<vmem>>
        %gather3A_760 = tpu.memref_squeeze %gather3A_759 : memref<1x128x32xf32, #tpu.memory_space<vmem>> -> memref<128x32xf32, #tpu.memory_space<vmem>>
        %gather3A_761 = tpu.vector_load_idx %gather3A_760[%add3A_756, %add3A_750] : memref<128x32xf32, #tpu.memory_space<vmem>>[vector<16xi32>, vector<16xi32>], vector<16xf32>,
        %add3A_762 = arith.addi %mul3A_753, %add3A_756 : vector<16xi32>
        %scatter3A = arith.constant 0 : i32
        %scatter3A_763 = tpu.memref_slice %arg7[%scan3A_244, %scatter3A] : memref<2x4096xf32, #tpu.memory_space<vmem>> -> memref<1x4096xf32, #tpu.memory_space<vmem>>
        %scatter3A_764 = tpu.memref_squeeze %scatter3A_763 : memref<1x4096xf32, #tpu.memory_space<vmem>> -> memref<4096xf32, #tpu.memory_space<vmem>>
        tpu.vector_store_idx %scatter3A_764[%add3A_762], %gather3A_761 : memref<4096xf32, #tpu.memory_space<vmem>>[vector<16xi32>], vector<16xf32>,
        %add3A_765 = arith.constant 16 : i32
        %add3A_766 = vector.broadcast %add3A_765 : i32 to vector<16xi32>
        %add3A_767 = arith.addi %add3A_766, %iota3A : vector<16xi32>
        %gather3A_768 = arith.constant 0 : i32
        %gather3A_769 = arith.constant 0 : i32
        %gather3A_770 = arith.constant 0 : i32
        %gather3A_771 = tpu.memref_slice %arg6[%gather3A_768, %gather3A_769, %gather3A_770] : memref<4x128x32xf32, #tpu.memory_space<vmem>> -> memref<1x128x32xf32, #tpu.memory_space<vmem>>
        %gather3A_772 = tpu.memref_squeeze %gather3A_771 : memref<1x128x32xf32, #tpu.memory_space<vmem>> -> memref<128x32xf32, #tpu.memory_space<vmem>>
        %gather3A_773 = tpu.vector_load_idx %gather3A_772[%add3A_767, %add3A_750] : memref<128x32xf32, #tpu.memory_space<vmem>>[vector<16xi32>, vector<16xi32>], vector<16xf32>,
        %add3A_774 = arith.addi %mul3A_753, %add3A_767 : vector<16xi32>
        %scatter3A_775 = arith.constant 0 : i32
        %scatter3A_776 = tpu.memref_slice %arg7[%scan3A_244, %scatter3A_775] : memref<2x4096xf32, #tpu.memory_space<vmem>> -> memref<1x4096xf32, #tpu.memory_space<vmem>>
        %scatter3A_777 = tpu.memref_squeeze %scatter3A_776 : memref<1x4096xf32, #tpu.memory_space<vmem>> -> memref<4096xf32, #tpu.memory_space<vmem>>
        tpu.vector_store_idx %scatter3A_777[%add3A_774], %gather3A_773 : memref<4096xf32, #tpu.memory_space<vmem>>[vector<16xi32>], vector<16xf32>,
        %add3A_778 = arith.constant 32 : i32
        %add3A_779 = vector.broadcast %add3A_778 : i32 to vector<16xi32>
        %add3A_780 = arith.addi %add3A_779, %iota3A : vector<16xi32>
        %gather3A_781 = arith.constant 0 : i32
        %gather3A_782 = arith.constant 0 : i32
        %gather3A_783 = arith.constant 0 : i32
        %gather3A_784 = tpu.memref_slice %arg6[%gather3A_781, %gather3A_782, %gather3A_783] : memref<4x128x32xf32, #tpu.memory_space<vmem>> -> memref<1x128x32xf32, #tpu.memory_space<vmem>>
        %gather3A_785 = tpu.memref_squeeze %gather3A_784 : memref<1x128x32xf32, #tpu.memory_space<vmem>> -> memref<128x32xf32, #tpu.memory_space<vmem>>
        %gather3A_786 = tpu.vector_load_idx %gather3A_785[%add3A_780, %add3A_750] : memref<128x32xf32, #tpu.memory_space<vmem>>[vector<16xi32>, vector<16xi32>], vector<16xf32>,
        %add3A_787 = arith.addi %mul3A_753, %add3A_780 : vector<16xi32>
        %scatter3A_788 = arith.constant 0 : i32
        %scatter3A_789 = tpu.memref_slice %arg7[%scan3A_244, %scatter3A_788] : memref<2x4096xf32, #tpu.memory_space<vmem>> -> memref<1x4096xf32, #tpu.memory_space<vmem>>
        %scatter3A_790 = tpu.memref_squeeze %scatter3A_789 : memref<1x4096xf32, #tpu.memory_space<vmem>> -> memref<4096xf32, #tpu.memory_space<vmem>>
        tpu.vector_store_idx %scatter3A_790[%add3A_787], %gather3A_786 : memref<4096xf32, #tpu.memory_space<vmem>>[vector<16xi32>], vector<16xf32>,
        %add3A_791 = arith.constant 48 : i32
        %add3A_792 = vector.broadcast %add3A_791 : i32 to vector<16xi32>
        %add3A_793 = arith.addi %add3A_792, %iota3A : vector<16xi32>
        %gather3A_794 = arith.constant 0 : i32
        %gather3A_795 = arith.constant 0 : i32
        %gather3A_796 = arith.constant 0 : i32
        %gather3A_797 = tpu.memref_slice %arg6[%gather3A_794, %gather3A_795, %gather3A_796] : memref<4x128x32xf32, #tpu.memory_space<vmem>> -> memref<1x128x32xf32, #tpu.memory_space<vmem>>
        %gather3A_798 = tpu.memref_squeeze %gather3A_797 : memref<1x128x32xf32, #tpu.memory_space<vmem>> -> memref<128x32xf32, #tpu.memory_space<vmem>>
        %gather3A_799 = tpu.vector_load_idx %gather3A_798[%add3A_793, %add3A_750] : memref<128x32xf32, #tpu.memory_space<vmem>>[vector<16xi32>, vector<16xi32>], vector<16xf32>,
        %add3A_800 = arith.addi %mul3A_753, %add3A_793 : vector<16xi32>
        %scatter3A_801 = arith.constant 0 : i32
        %scatter3A_802 = tpu.memref_slice %arg7[%scan3A_244, %scatter3A_801] : memref<2x4096xf32, #tpu.memory_space<vmem>> -> memref<1x4096xf32, #tpu.memory_space<vmem>>
        %scatter3A_803 = tpu.memref_squeeze %scatter3A_802 : memref<1x4096xf32, #tpu.memory_space<vmem>> -> memref<4096xf32, #tpu.memory_space<vmem>>
        tpu.vector_store_idx %scatter3A_803[%add3A_800], %gather3A_799 : memref<4096xf32, #tpu.memory_space<vmem>>[vector<16xi32>], vector<16xf32>,
        %add3A_804 = arith.constant 64 : i32
        %add3A_805 = vector.broadcast %add3A_804 : i32 to vector<16xi32>
        %add3A_806 = arith.addi %add3A_805, %iota3A : vector<16xi32>
        %gather3A_807 = arith.constant 0 : i32
        %gather3A_808 = arith.constant 0 : i32
        %gather3A_809 = arith.constant 0 : i32
        %gather3A_810 = tpu.memref_slice %arg6[%gather3A_807, %gather3A_808, %gather3A_809] : memref<4x128x32xf32, #tpu.memory_space<vmem>> -> memref<1x128x32xf32, #tpu.memory_space<vmem>>
        %gather3A_811 = tpu.memref_squeeze %gather3A_810 : memref<1x128x32xf32, #tpu.memory_space<vmem>> -> memref<128x32xf32, #tpu.memory_space<vmem>>
        %gather3A_812 = tpu.vector_load_idx %gather3A_811[%add3A_806, %add3A_750] : memref<128x32xf32, #tpu.memory_space<vmem>>[vector<16xi32>, vector<16xi32>], vector<16xf32>,
        %add3A_813 = arith.addi %mul3A_753, %add3A_806 : vector<16xi32>
        %scatter3A_814 = arith.constant 0 : i32
        %scatter3A_815 = tpu.memref_slice %arg7[%scan3A_244, %scatter3A_814] : memref<2x4096xf32, #tpu.memory_space<vmem>> -> memref<1x4096xf32, #tpu.memory_space<vmem>>
        %scatter3A_816 = tpu.memref_squeeze %scatter3A_815 : memref<1x4096xf32, #tpu.memory_space<vmem>> -> memref<4096xf32, #tpu.memory_space<vmem>>
        tpu.vector_store_idx %scatter3A_816[%add3A_813], %gather3A_812 : memref<4096xf32, #tpu.memory_space<vmem>>[vector<16xi32>], vector<16xf32>,
        %add3A_817 = arith.constant 80 : i32
        %add3A_818 = vector.broadcast %add3A_817 : i32 to vector<16xi32>
        %add3A_819 = arith.addi %add3A_818, %iota3A : vector<16xi32>
        %gather3A_820 = arith.constant 0 : i32
        %gather3A_821 = arith.constant 0 : i32
        %gather3A_822 = arith.constant 0 : i32
        %gather3A_823 = tpu.memref_slice %arg6[%gather3A_820, %gather3A_821, %gather3A_822] : memref<4x128x32xf32, #tpu.memory_space<vmem>> -> memref<1x128x32xf32, #tpu.memory_space<vmem>>
        %gather3A_824 = tpu.memref_squeeze %gather3A_823 : memref<1x128x32xf32, #tpu.memory_space<vmem>> -> memref<128x32xf32, #tpu.memory_space<vmem>>
        %gather3A_825 = tpu.vector_load_idx %gather3A_824[%add3A_819, %add3A_750] : memref<128x32xf32, #tpu.memory_space<vmem>>[vector<16xi32>, vector<16xi32>], vector<16xf32>,
        %add3A_826 = arith.addi %mul3A_753, %add3A_819 : vector<16xi32>
        %scatter3A_827 = arith.constant 0 : i32
        %scatter3A_828 = tpu.memref_slice %arg7[%scan3A_244, %scatter3A_827] : memref<2x4096xf32, #tpu.memory_space<vmem>> -> memref<1x4096xf32, #tpu.memory_space<vmem>>
        %scatter3A_829 = tpu.memref_squeeze %scatter3A_828 : memref<1x4096xf32, #tpu.memory_space<vmem>> -> memref<4096xf32, #tpu.memory_space<vmem>>
        tpu.vector_store_idx %scatter3A_829[%add3A_826], %gather3A_825 : memref<4096xf32, #tpu.memory_space<vmem>>[vector<16xi32>], vector<16xf32>,
        %add3A_830 = arith.constant 96 : i32
        %add3A_831 = vector.broadcast %add3A_830 : i32 to vector<16xi32>
        %add3A_832 = arith.addi %add3A_831, %iota3A : vector<16xi32>
        %gather3A_833 = arith.constant 0 : i32
        %gather3A_834 = arith.constant 0 : i32
        %gather3A_835 = arith.constant 0 : i32
        %gather3A_836 = tpu.memref_slice %arg6[%gather3A_833, %gather3A_834, %gather3A_835] : memref<4x128x32xf32, #tpu.memory_space<vmem>> -> memref<1x128x32xf32, #tpu.memory_space<vmem>>
        %gather3A_837 = tpu.memref_squeeze %gather3A_836 : memref<1x128x32xf32, #tpu.memory_space<vmem>> -> memref<128x32xf32, #tpu.memory_space<vmem>>
        %gather3A_838 = tpu.vector_load_idx %gather3A_837[%add3A_832, %add3A_750] : memref<128x32xf32, #tpu.memory_space<vmem>>[vector<16xi32>, vector<16xi32>], vector<16xf32>,
        %add3A_839 = arith.addi %mul3A_753, %add3A_832 : vector<16xi32>
        %scatter3A_840 = arith.constant 0 : i32
        %scatter3A_841 = tpu.memref_slice %arg7[%scan3A_244, %scatter3A_840] : memref<2x4096xf32, #tpu.memory_space<vmem>> -> memref<1x4096xf32, #tpu.memory_space<vmem>>
        %scatter3A_842 = tpu.memref_squeeze %scatter3A_841 : memref<1x4096xf32, #tpu.memory_space<vmem>> -> memref<4096xf32, #tpu.memory_space<vmem>>
        tpu.vector_store_idx %scatter3A_842[%add3A_839], %gather3A_838 : memref<4096xf32, #tpu.memory_space<vmem>>[vector<16xi32>], vector<16xf32>,
        %add3A_843 = arith.constant 112 : i32
        %add3A_844 = vector.broadcast %add3A_843 : i32 to vector<16xi32>
        %add3A_845 = arith.addi %add3A_844, %iota3A : vector<16xi32>
        %gather3A_846 = arith.constant 0 : i32
        %gather3A_847 = arith.constant 0 : i32
        %gather3A_848 = arith.constant 0 : i32
        %gather3A_849 = tpu.memref_slice %arg6[%gather3A_846, %gather3A_847, %gather3A_848] : memref<4x128x32xf32, #tpu.memory_space<vmem>> -> memref<1x128x32xf32, #tpu.memory_space<vmem>>
        %gather3A_850 = tpu.memref_squeeze %gather3A_849 : memref<1x128x32xf32, #tpu.memory_space<vmem>> -> memref<128x32xf32, #tpu.memory_space<vmem>>
        %gather3A_851 = tpu.vector_load_idx %gather3A_850[%add3A_845, %add3A_750] : memref<128x32xf32, #tpu.memory_space<vmem>>[vector<16xi32>, vector<16xi32>], vector<16xf32>,
        %add3A_852 = arith.addi %mul3A_753, %add3A_845 : vector<16xi32>
        %scatter3A_853 = arith.constant 0 : i32
        %scatter3A_854 = tpu.memref_slice %arg7[%scan3A_244, %scatter3A_853] : memref<2x4096xf32, #tpu.memory_space<vmem>> -> memref<1x4096xf32, #tpu.memory_space<vmem>>
        %scatter3A_855 = tpu.memref_squeeze %scatter3A_854 : memref<1x4096xf32, #tpu.memory_space<vmem>> -> memref<4096xf32, #tpu.memory_space<vmem>>
        tpu.vector_store_idx %scatter3A_855[%add3A_852], %gather3A_851 : memref<4096xf32, #tpu.memory_space<vmem>>[vector<16xi32>], vector<16xf32>,
        %add3A_856 = arith.constant 16 : i32
        %add3A_857 = vector.broadcast %add3A_856 : i32 to vector<16xi32>
        %add3A_858 = arith.addi %add3A_857, %rem3A_747 : vector<16xi32>
        %mul3A_859 = arith.constant 128 : i32
        %mul3A_860 = vector.broadcast %mul3A_859 : i32 to vector<16xi32>
        %mul3A_861 = arith.muli %add3A_858, %mul3A_860 : vector<16xi32>
        %add3A_862 = arith.constant 0 : i32
        %add3A_863 = vector.broadcast %add3A_862 : i32 to vector<16xi32>
        %add3A_864 = arith.addi %add3A_863, %iota3A : vector<16xi32>
        %gather3A_865 = arith.constant 0 : i32
        %gather3A_866 = arith.constant 0 : i32
        %gather3A_867 = arith.constant 0 : i32
        %gather3A_868 = tpu.memref_slice %arg6[%gather3A_865, %gather3A_866, %gather3A_867] : memref<4x128x32xf32, #tpu.memory_space<vmem>> -> memref<1x128x32xf32, #tpu.memory_space<vmem>>
        %gather3A_869 = tpu.memref_squeeze %gather3A_868 : memref<1x128x32xf32, #tpu.memory_space<vmem>> -> memref<128x32xf32, #tpu.memory_space<vmem>>
        %gather3A_870 = tpu.vector_load_idx %gather3A_869[%add3A_864, %add3A_858] : memref<128x32xf32, #tpu.memory_space<vmem>>[vector<16xi32>, vector<16xi32>], vector<16xf32>,
        %add3A_871 = arith.addi %mul3A_861, %add3A_864 : vector<16xi32>
        %scatter3A_872 = arith.constant 0 : i32
        %scatter3A_873 = tpu.memref_slice %arg7[%scan3A_244, %scatter3A_872] : memref<2x4096xf32, #tpu.memory_space<vmem>> -> memref<1x4096xf32, #tpu.memory_space<vmem>>
        %scatter3A_874 = tpu.memref_squeeze %scatter3A_873 : memref<1x4096xf32, #tpu.memory_space<vmem>> -> memref<4096xf32, #tpu.memory_space<vmem>>
        tpu.vector_store_idx %scatter3A_874[%add3A_871], %gather3A_870 : memref<4096xf32, #tpu.memory_space<vmem>>[vector<16xi32>], vector<16xf32>,
        %add3A_875 = arith.constant 16 : i32
        %add3A_876 = vector.broadcast %add3A_875 : i32 to vector<16xi32>
        %add3A_877 = arith.addi %add3A_876, %iota3A : vector<16xi32>
        %gather3A_878 = arith.constant 0 : i32
        %gather3A_879 = arith.constant 0 : i32
        %gather3A_880 = arith.constant 0 : i32
        %gather3A_881 = tpu.memref_slice %arg6[%gather3A_878, %gather3A_879, %gather3A_880] : memref<4x128x32xf32, #tpu.memory_space<vmem>> -> memref<1x128x32xf32, #tpu.memory_space<vmem>>
        %gather3A_882 = tpu.memref_squeeze %gather3A_881 : memref<1x128x32xf32, #tpu.memory_space<vmem>> -> memref<128x32xf32, #tpu.memory_space<vmem>>
        %gather3A_883 = tpu.vector_load_idx %gather3A_882[%add3A_877, %add3A_858] : memref<128x32xf32, #tpu.memory_space<vmem>>[vector<16xi32>, vector<16xi32>], vector<16xf32>,
        %add3A_884 = arith.addi %mul3A_861, %add3A_877 : vector<16xi32>
        %scatter3A_885 = arith.constant 0 : i32
        %scatter3A_886 = tpu.memref_slice %arg7[%scan3A_244, %scatter3A_885] : memref<2x4096xf32, #tpu.memory_space<vmem>> -> memref<1x4096xf32, #tpu.memory_space<vmem>>
        %scatter3A_887 = tpu.memref_squeeze %scatter3A_886 : memref<1x4096xf32, #tpu.memory_space<vmem>> -> memref<4096xf32, #tpu.memory_space<vmem>>
        tpu.vector_store_idx %scatter3A_887[%add3A_884], %gather3A_883 : memref<4096xf32, #tpu.memory_space<vmem>>[vector<16xi32>], vector<16xf32>,
        %add3A_888 = arith.constant 32 : i32
        %add3A_889 = vector.broadcast %add3A_888 : i32 to vector<16xi32>
        %add3A_890 = arith.addi %add3A_889, %iota3A : vector<16xi32>
        %gather3A_891 = arith.constant 0 : i32
        %gather3A_892 = arith.constant 0 : i32
        %gather3A_893 = arith.constant 0 : i32
        %gather3A_894 = tpu.memref_slice %arg6[%gather3A_891, %gather3A_892, %gather3A_893] : memref<4x128x32xf32, #tpu.memory_space<vmem>> -> memref<1x128x32xf32, #tpu.memory_space<vmem>>
        %gather3A_895 = tpu.memref_squeeze %gather3A_894 : memref<1x128x32xf32, #tpu.memory_space<vmem>> -> memref<128x32xf32, #tpu.memory_space<vmem>>
        %gather3A_896 = tpu.vector_load_idx %gather3A_895[%add3A_890, %add3A_858] : memref<128x32xf32, #tpu.memory_space<vmem>>[vector<16xi32>, vector<16xi32>], vector<16xf32>,
        %add3A_897 = arith.addi %mul3A_861, %add3A_890 : vector<16xi32>
        %scatter3A_898 = arith.constant 0 : i32
        %scatter3A_899 = tpu.memref_slice %arg7[%scan3A_244, %scatter3A_898] : memref<2x4096xf32, #tpu.memory_space<vmem>> -> memref<1x4096xf32, #tpu.memory_space<vmem>>
        %scatter3A_900 = tpu.memref_squeeze %scatter3A_899 : memref<1x4096xf32, #tpu.memory_space<vmem>> -> memref<4096xf32, #tpu.memory_space<vmem>>
        tpu.vector_store_idx %scatter3A_900[%add3A_897], %gather3A_896 : memref<4096xf32, #tpu.memory_space<vmem>>[vector<16xi32>], vector<16xf32>,
        %add3A_901 = arith.constant 48 : i32
        %add3A_902 = vector.broadcast %add3A_901 : i32 to vector<16xi32>
        %add3A_903 = arith.addi %add3A_902, %iota3A : vector<16xi32>
        %gather3A_904 = arith.constant 0 : i32
        %gather3A_905 = arith.constant 0 : i32
        %gather3A_906 = arith.constant 0 : i32
        %gather3A_907 = tpu.memref_slice %arg6[%gather3A_904, %gather3A_905, %gather3A_906] : memref<4x128x32xf32, #tpu.memory_space<vmem>> -> memref<1x128x32xf32, #tpu.memory_space<vmem>>
        %gather3A_908 = tpu.memref_squeeze %gather3A_907 : memref<1x128x32xf32, #tpu.memory_space<vmem>> -> memref<128x32xf32, #tpu.memory_space<vmem>>
        %gather3A_909 = tpu.vector_load_idx %gather3A_908[%add3A_903, %add3A_858] : memref<128x32xf32, #tpu.memory_space<vmem>>[vector<16xi32>, vector<16xi32>], vector<16xf32>,
        %add3A_910 = arith.addi %mul3A_861, %add3A_903 : vector<16xi32>
        %scatter3A_911 = arith.constant 0 : i32
        %scatter3A_912 = tpu.memref_slice %arg7[%scan3A_244, %scatter3A_911] : memref<2x4096xf32, #tpu.memory_space<vmem>> -> memref<1x4096xf32, #tpu.memory_space<vmem>>
        %scatter3A_913 = tpu.memref_squeeze %scatter3A_912 : memref<1x4096xf32, #tpu.memory_space<vmem>> -> memref<4096xf32, #tpu.memory_space<vmem>>
        tpu.vector_store_idx %scatter3A_913[%add3A_910], %gather3A_909 : memref<4096xf32, #tpu.memory_space<vmem>>[vector<16xi32>], vector<16xf32>,
        %add3A_914 = arith.constant 64 : i32
        %add3A_915 = vector.broadcast %add3A_914 : i32 to vector<16xi32>
        %add3A_916 = arith.addi %add3A_915, %iota3A : vector<16xi32>
        %gather3A_917 = arith.constant 0 : i32
        %gather3A_918 = arith.constant 0 : i32
        %gather3A_919 = arith.constant 0 : i32
        %gather3A_920 = tpu.memref_slice %arg6[%gather3A_917, %gather3A_918, %gather3A_919] : memref<4x128x32xf32, #tpu.memory_space<vmem>> -> memref<1x128x32xf32, #tpu.memory_space<vmem>>
        %gather3A_921 = tpu.memref_squeeze %gather3A_920 : memref<1x128x32xf32, #tpu.memory_space<vmem>> -> memref<128x32xf32, #tpu.memory_space<vmem>>
        %gather3A_922 = tpu.vector_load_idx %gather3A_921[%add3A_916, %add3A_858] : memref<128x32xf32, #tpu.memory_space<vmem>>[vector<16xi32>, vector<16xi32>], vector<16xf32>,
        %add3A_923 = arith.addi %mul3A_861, %add3A_916 : vector<16xi32>
        %scatter3A_924 = arith.constant 0 : i32
        %scatter3A_925 = tpu.memref_slice %arg7[%scan3A_244, %scatter3A_924] : memref<2x4096xf32, #tpu.memory_space<vmem>> -> memref<1x4096xf32, #tpu.memory_space<vmem>>
        %scatter3A_926 = tpu.memref_squeeze %scatter3A_925 : memref<1x4096xf32, #tpu.memory_space<vmem>> -> memref<4096xf32, #tpu.memory_space<vmem>>
        tpu.vector_store_idx %scatter3A_926[%add3A_923], %gather3A_922 : memref<4096xf32, #tpu.memory_space<vmem>>[vector<16xi32>], vector<16xf32>,
        %add3A_927 = arith.constant 80 : i32
        %add3A_928 = vector.broadcast %add3A_927 : i32 to vector<16xi32>
        %add3A_929 = arith.addi %add3A_928, %iota3A : vector<16xi32>
        %gather3A_930 = arith.constant 0 : i32
        %gather3A_931 = arith.constant 0 : i32
        %gather3A_932 = arith.constant 0 : i32
        %gather3A_933 = tpu.memref_slice %arg6[%gather3A_930, %gather3A_931, %gather3A_932] : memref<4x128x32xf32, #tpu.memory_space<vmem>> -> memref<1x128x32xf32, #tpu.memory_space<vmem>>
        %gather3A_934 = tpu.memref_squeeze %gather3A_933 : memref<1x128x32xf32, #tpu.memory_space<vmem>> -> memref<128x32xf32, #tpu.memory_space<vmem>>
        %gather3A_935 = tpu.vector_load_idx %gather3A_934[%add3A_929, %add3A_858] : memref<128x32xf32, #tpu.memory_space<vmem>>[vector<16xi32>, vector<16xi32>], vector<16xf32>,
        %add3A_936 = arith.addi %mul3A_861, %add3A_929 : vector<16xi32>
        %scatter3A_937 = arith.constant 0 : i32
        %scatter3A_938 = tpu.memref_slice %arg7[%scan3A_244, %scatter3A_937] : memref<2x4096xf32, #tpu.memory_space<vmem>> -> memref<1x4096xf32, #tpu.memory_space<vmem>>
        %scatter3A_939 = tpu.memref_squeeze %scatter3A_938 : memref<1x4096xf32, #tpu.memory_space<vmem>> -> memref<4096xf32, #tpu.memory_space<vmem>>
        tpu.vector_store_idx %scatter3A_939[%add3A_936], %gather3A_935 : memref<4096xf32, #tpu.memory_space<vmem>>[vector<16xi32>], vector<16xf32>,
        %add3A_940 = arith.constant 96 : i32
        %add3A_941 = vector.broadcast %add3A_940 : i32 to vector<16xi32>
        %add3A_942 = arith.addi %add3A_941, %iota3A : vector<16xi32>
        %gather3A_943 = arith.constant 0 : i32
        %gather3A_944 = arith.constant 0 : i32
        %gather3A_945 = arith.constant 0 : i32
        %gather3A_946 = tpu.memref_slice %arg6[%gather3A_943, %gather3A_944, %gather3A_945] : memref<4x128x32xf32, #tpu.memory_space<vmem>> -> memref<1x128x32xf32, #tpu.memory_space<vmem>>
        %gather3A_947 = tpu.memref_squeeze %gather3A_946 : memref<1x128x32xf32, #tpu.memory_space<vmem>> -> memref<128x32xf32, #tpu.memory_space<vmem>>
        %gather3A_948 = tpu.vector_load_idx %gather3A_947[%add3A_942, %add3A_858] : memref<128x32xf32, #tpu.memory_space<vmem>>[vector<16xi32>, vector<16xi32>], vector<16xf32>,
        %add3A_949 = arith.addi %mul3A_861, %add3A_942 : vector<16xi32>
        %scatter3A_950 = arith.constant 0 : i32
        %scatter3A_951 = tpu.memref_slice %arg7[%scan3A_244, %scatter3A_950] : memref<2x4096xf32, #tpu.memory_space<vmem>> -> memref<1x4096xf32, #tpu.memory_space<vmem>>
        %scatter3A_952 = tpu.memref_squeeze %scatter3A_951 : memref<1x4096xf32, #tpu.memory_space<vmem>> -> memref<4096xf32, #tpu.memory_space<vmem>>
        tpu.vector_store_idx %scatter3A_952[%add3A_949], %gather3A_948 : memref<4096xf32, #tpu.memory_space<vmem>>[vector<16xi32>], vector<16xf32>,
        %add3A_953 = arith.constant 112 : i32
        %add3A_954 = vector.broadcast %add3A_953 : i32 to vector<16xi32>
        %add3A_955 = arith.addi %add3A_954, %iota3A : vector<16xi32>
        %gather3A_956 = arith.constant 0 : i32
        %gather3A_957 = arith.constant 0 : i32
        %gather3A_958 = arith.constant 0 : i32
        %gather3A_959 = tpu.memref_slice %arg6[%gather3A_956, %gather3A_957, %gather3A_958] : memref<4x128x32xf32, #tpu.memory_space<vmem>> -> memref<1x128x32xf32, #tpu.memory_space<vmem>>
        %gather3A_960 = tpu.memref_squeeze %gather3A_959 : memref<1x128x32xf32, #tpu.memory_space<vmem>> -> memref<128x32xf32, #tpu.memory_space<vmem>>
        %gather3A_961 = tpu.vector_load_idx %gather3A_960[%add3A_955, %add3A_858] : memref<128x32xf32, #tpu.memory_space<vmem>>[vector<16xi32>, vector<16xi32>], vector<16xf32>,
        %add3A_962 = arith.addi %mul3A_861, %add3A_955 : vector<16xi32>
        %scatter3A_963 = arith.constant 0 : i32
        %scatter3A_964 = tpu.memref_slice %arg7[%scan3A_244, %scatter3A_963] : memref<2x4096xf32, #tpu.memory_space<vmem>> -> memref<1x4096xf32, #tpu.memory_space<vmem>>
        %scatter3A_965 = tpu.memref_squeeze %scatter3A_964 : memref<1x4096xf32, #tpu.memory_space<vmem>> -> memref<4096xf32, #tpu.memory_space<vmem>>
        tpu.vector_store_idx %scatter3A_965[%add3A_962], %gather3A_961 : memref<4096xf32, #tpu.memory_space<vmem>>[vector<16xi32>], vector<16xf32>,
      }
      %scan3A_249 = arith.constant 16 : i32
      %add3A_250 = arith.addi %mul3A_2, %add3A_225 : i32
      %jit3A = arith.constant 32 : i32
      %div3A = arith.divsi %add3A_250, %jit3A : i32
      %sign3A = arith.constant 0 : i32
      %sign3A_251 = arith.cmpi sgt, %add3A_250, %sign3A : i32
      %sign3A_252 = arith.extui %sign3A_251 : i1 to i32
      %sign3A_253 = arith.constant 0 : i32
      %sign3A_254 = arith.cmpi slt, %add3A_250, %sign3A_253 : i32
      %sign3A_255 = arith.extui %sign3A_254 : i1 to i32
      %sign3A_256 = arith.subi %sign3A_252, %sign3A_255 : i32
      %sign3A_257 = arith.constant 0 : i32
      %sign3A_258 = arith.cmpi sgt, %jit3A, %sign3A_257 : i32
      %sign3A_259 = arith.extui %sign3A_258 : i1 to i32
      %sign3A_260 = arith.constant 0 : i32
      %sign3A_261 = arith.cmpi slt, %jit3A, %sign3A_260 : i32
      %sign3A_262 = arith.extui %sign3A_261 : i1 to i32
      %sign3A_263 = arith.subi %sign3A_259, %sign3A_262 : i32
      %ne3A = arith.cmpi ne, %sign3A_256, %sign3A_263 : i32
      %rem3A = arith.remsi %add3A_250, %jit3A : i32
      %ne3A_264 = arith.constant 0 : i32
      %ne3A_265 = arith.cmpi ne, %rem3A, %ne3A_264 : i32
      %and3A = arith.andi %ne3A, %ne3A_265 : i1
      %sub3A = arith.constant 1 : i32
      %sub3A_266 = arith.subi %div3A, %sub3A : i32
      %select_n3A = arith.select %and3A, %sub3A_266, %div3A : i32
      %rem3A_267 = arith.constant 32 : i32
      %rem3A_268 = arith.remsi %add3A_250, %rem3A_267 : i32
      %dma_start3A_269 = arith.constant 0 : i32
      %dma_start3A_270 = arith.constant 0 : i32
      %dma_start3A_271 = arith.constant 0 : i32
      %dma_start3A_272 = arith.constant 0 : i32
      %dma_start3A_273 = tpu.memref_slice %arg7[%dma_start3A_269, %dma_start3A_272] : memref<2x4096xf32, #tpu.memory_space<vmem>> -> memref<1x1024xf32, #tpu.memory_space<vmem>>
      %dma_start3A_274 = tpu.memref_squeeze %dma_start3A_273 : memref<1x1024xf32, #tpu.memory_space<vmem>> -> memref<1024xf32, #tpu.memory_space<vmem>>
      %dma_start3A_275 = arith.constant 0 : i32
      %dma_start3A_276 = tpu.memref_slice %arg4[%select_n3A, %dma_start3A_270, %rem3A_268, %dma_start3A_275] : memref<220x4x32x1024xf32, #tpu.memory_space<hbm>> -> memref<1x1x1x1024xf32, #tpu.memory_space<hbm>>
      %dma_start3A_277 = tpu.memref_squeeze %dma_start3A_276 : memref<1x1x1x1024xf32, #tpu.memory_space<hbm>> -> memref<1024xf32, #tpu.memory_space<hbm>>
      %dma_start3A_278 = tpu.memref_slice %arg9[%dma_start3A_271] : memref<2x!tpu.dma_semaphore, #tpu.memory_space<semaphore_mem>> -> memref<1x!tpu.dma_semaphore, #tpu.memory_space<semaphore_mem>>
      %dma_start3A_279 = tpu.memref_squeeze %dma_start3A_278 : memref<1x!tpu.dma_semaphore, #tpu.memory_space<semaphore_mem>> -> memref<!tpu.dma_semaphore, #tpu.memory_space<semaphore_mem>>
      %dma_start3A_280 = arith.constant 0 : i32
      %dma_start3A_281 = tpu.memref_slice %arg4[%select_n3A, %dma_start3A_270, %rem3A_268, %dma_start3A_280] : memref<220x4x32x1024xf32, #tpu.memory_space<hbm>> -> memref<1x1x1x1024xf32, #tpu.memory_space<hbm>>
      %dma_start3A_282 = tpu.memref_squeeze %dma_start3A_281 : memref<1x1x1x1024xf32, #tpu.memory_space<hbm>> -> memref<1024xf32, #tpu.memory_space<hbm>>
      %dma_start3A_283 = arith.constant 0 : i32
      %dma_start3A_284 = tpu.memref_slice %arg7[%dma_start3A_269, %dma_start3A_283] : memref<2x4096xf32, #tpu.memory_space<vmem>> -> memref<1x1024xf32, #tpu.memory_space<vmem>>
      %dma_start3A_285 = tpu.memref_squeeze %dma_start3A_284 : memref<1x1024xf32, #tpu.memory_space<vmem>> -> memref<1024xf32, #tpu.memory_space<vmem>>
      tpu.enqueue_dma source(%dma_start3A_285 : memref<1024xf32, #tpu.memory_space<vmem>>) target(%dma_start3A_282 : memref<1024xf32, #tpu.memory_space<hbm>>) target_semaphore(%dma_start3A_279 : memref<!tpu.dma_semaphore, #tpu.memory_space<semaphore_mem>>)
      %dma_start3A_286 = arith.constant 0 : i32
      %dma_start3A_287 = arith.constant 1 : i32
      %dma_start3A_288 = arith.constant 0 : i32
      %dma_start3A_289 = arith.constant 1024 : i32
      %dma_start3A_290 = tpu.memref_slice %arg7[%dma_start3A_286, %dma_start3A_289] : memref<2x4096xf32, #tpu.memory_space<vmem>> -> memref<1x1024xf32, #tpu.memory_space<vmem>>
      %dma_start3A_291 = tpu.memref_squeeze %dma_start3A_290 : memref<1x1024xf32, #tpu.memory_space<vmem>> -> memref<1024xf32, #tpu.memory_space<vmem>>
      %dma_start3A_292 = arith.constant 0 : i32
      %dma_start3A_293 = tpu.memref_slice %arg4[%select_n3A, %dma_start3A_287, %rem3A_268, %dma_start3A_292] : memref<220x4x32x1024xf32, #tpu.memory_space<hbm>> -> memref<1x1x1x1024xf32, #tpu.memory_space<hbm>>
      %dma_start3A_294 = tpu.memref_squeeze %dma_start3A_293 : memref<1x1x1x1024xf32, #tpu.memory_space<hbm>> -> memref<1024xf32, #tpu.memory_space<hbm>>
      %dma_start3A_295 = tpu.memref_slice %arg9[%dma_start3A_288] : memref<2x!tpu.dma_semaphore, #tpu.memory_space<semaphore_mem>> -> memref<1x!tpu.dma_semaphore, #tpu.memory_space<semaphore_mem>>
      %dma_start3A_296 = tpu.memref_squeeze %dma_start3A_295 : memref<1x!tpu.dma_semaphore, #tpu.memory_space<semaphore_mem>> -> memref<!tpu.dma_semaphore, #tpu.memory_space<semaphore_mem>>
      %dma_start3A_297 = arith.constant 0 : i32
      %dma_start3A_298 = tpu.memref_slice %arg4[%select_n3A, %dma_start3A_287, %rem3A_268, %dma_start3A_297] : memref<220x4x32x1024xf32, #tpu.memory_space<hbm>> -> memref<1x1x1x1024xf32, #tpu.memory_space<hbm>>
      %dma_start3A_299 = tpu.memref_squeeze %dma_start3A_298 : memref<1x1x1x1024xf32, #tpu.memory_space<hbm>> -> memref<1024xf32, #tpu.memory_space<hbm>>
      %dma_start3A_300 = arith.constant 1024 : i32
      %dma_start3A_301 = tpu.memref_slice %arg7[%dma_start3A_286, %dma_start3A_300] : memref<2x4096xf32, #tpu.memory_space<vmem>> -> memref<1x1024xf32, #tpu.memory_space<vmem>>
      %dma_start3A_302 = tpu.memref_squeeze %dma_start3A_301 : memref<1x1024xf32, #tpu.memory_space<vmem>> -> memref<1024xf32, #tpu.memory_space<vmem>>
      tpu.enqueue_dma source(%dma_start3A_302 : memref<1024xf32, #tpu.memory_space<vmem>>) target(%dma_start3A_299 : memref<1024xf32, #tpu.memory_space<hbm>>) target_semaphore(%dma_start3A_296 : memref<!tpu.dma_semaphore, #tpu.memory_space<semaphore_mem>>)
      %dma_start3A_303 = arith.constant 0 : i32
      %dma_start3A_304 = arith.constant 2 : i32
      %dma_start3A_305 = arith.constant 0 : i32
      %dma_start3A_306 = arith.constant 2048 : i32
      %dma_start3A_307 = tpu.memref_slice %arg7[%dma_start3A_303, %dma_start3A_306] : memref<2x4096xf32, #tpu.memory_space<vmem>> -> memref<1x1024xf32, #tpu.memory_space<vmem>>
      %dma_start3A_308 = tpu.memref_squeeze %dma_start3A_307 : memref<1x1024xf32, #tpu.memory_space<vmem>> -> memref<1024xf32, #tpu.memory_space<vmem>>
      %dma_start3A_309 = arith.constant 0 : i32
      %dma_start3A_310 = tpu.memref_slice %arg4[%select_n3A, %dma_start3A_304, %rem3A_268, %dma_start3A_309] : memref<220x4x32x1024xf32, #tpu.memory_space<hbm>> -> memref<1x1x1x1024xf32, #tpu.memory_space<hbm>>
      %dma_start3A_311 = tpu.memref_squeeze %dma_start3A_310 : memref<1x1x1x1024xf32, #tpu.memory_space<hbm>> -> memref<1024xf32, #tpu.memory_space<hbm>>
      %dma_start3A_312 = tpu.memref_slice %arg9[%dma_start3A_305] : memref<2x!tpu.dma_semaphore, #tpu.memory_space<semaphore_mem>> -> memref<1x!tpu.dma_semaphore, #tpu.memory_space<semaphore_mem>>
      %dma_start3A_313 = tpu.memref_squeeze %dma_start3A_312 : memref<1x!tpu.dma_semaphore, #tpu.memory_space<semaphore_mem>> -> memref<!tpu.dma_semaphore, #tpu.memory_space<semaphore_mem>>
      %dma_start3A_314 = arith.constant 0 : i32
      %dma_start3A_315 = tpu.memref_slice %arg4[%select_n3A, %dma_start3A_304, %rem3A_268, %dma_start3A_314] : memref<220x4x32x1024xf32, #tpu.memory_space<hbm>> -> memref<1x1x1x1024xf32, #tpu.memory_space<hbm>>
      %dma_start3A_316 = tpu.memref_squeeze %dma_start3A_315 : memref<1x1x1x1024xf32, #tpu.memory_space<hbm>> -> memref<1024xf32, #tpu.memory_space<hbm>>
      %dma_start3A_317 = arith.constant 2048 : i32
      %dma_start3A_318 = tpu.memref_slice %arg7[%dma_start3A_303, %dma_start3A_317] : memref<2x4096xf32, #tpu.memory_space<vmem>> -> memref<1x1024xf32, #tpu.memory_space<vmem>>
      %dma_start3A_319 = tpu.memref_squeeze %dma_start3A_318 : memref<1x1024xf32, #tpu.memory_space<vmem>> -> memref<1024xf32, #tpu.memory_space<vmem>>
      tpu.enqueue_dma source(%dma_start3A_319 : memref<1024xf32, #tpu.memory_space<vmem>>) target(%dma_start3A_316 : memref<1024xf32, #tpu.memory_space<hbm>>) target_semaphore(%dma_start3A_313 : memref<!tpu.dma_semaphore, #tpu.memory_space<semaphore_mem>>)
      %dma_start3A_320 = arith.constant 0 : i32
      %dma_start3A_321 = arith.constant 3 : i32
      %dma_start3A_322 = arith.constant 0 : i32
      %dma_start3A_323 = arith.constant 3072 : i32
      %dma_start3A_324 = tpu.memref_slice %arg7[%dma_start3A_320, %dma_start3A_323] : memref<2x4096xf32, #tpu.memory_space<vmem>> -> memref<1x1024xf32, #tpu.memory_space<vmem>>
      %dma_start3A_325 = tpu.memref_squeeze %dma_start3A_324 : memref<1x1024xf32, #tpu.memory_space<vmem>> -> memref<1024xf32, #tpu.memory_space<vmem>>
      %dma_start3A_326 = arith.constant 0 : i32
      %dma_start3A_327 = tpu.memref_slice %arg4[%select_n3A, %dma_start3A_321, %rem3A_268, %dma_start3A_326] : memref<220x4x32x1024xf32, #tpu.memory_space<hbm>> -> memref<1x1x1x1024xf32, #tpu.memory_space<hbm>>
      %dma_start3A_328 = tpu.memref_squeeze %dma_start3A_327 : memref<1x1x1x1024xf32, #tpu.memory_space<hbm>> -> memref<1024xf32, #tpu.memory_space<hbm>>
      %dma_start3A_329 = tpu.memref_slice %arg9[%dma_start3A_322] : memref<2x!tpu.dma_semaphore, #tpu.memory_space<semaphore_mem>> -> memref<1x!tpu.dma_semaphore, #tpu.memory_space<semaphore_mem>>
      %dma_start3A_330 = tpu.memref_squeeze %dma_start3A_329 : memref<1x!tpu.dma_semaphore, #tpu.memory_space<semaphore_mem>> -> memref<!tpu.dma_semaphore, #tpu.memory_space<semaphore_mem>>
      %dma_start3A_331 = arith.constant 0 : i32
      %dma_start3A_332 = tpu.memref_slice %arg4[%select_n3A, %dma_start3A_321, %rem3A_268, %dma_start3A_331] : memref<220x4x32x1024xf32, #tpu.memory_space<hbm>> -> memref<1x1x1x1024xf32, #tpu.memory_space<hbm>>
      %dma_start3A_333 = tpu.memref_squeeze %dma_start3A_332 : memref<1x1x1x1024xf32, #tpu.memory_space<hbm>> -> memref<1024xf32, #tpu.memory_space<hbm>>
      %dma_start3A_334 = arith.constant 3072 : i32
      %dma_start3A_335 = tpu.memref_slice %arg7[%dma_start3A_320, %dma_start3A_334] : memref<2x4096xf32, #tpu.memory_space<vmem>> -> memref<1x1024xf32, #tpu.memory_space<vmem>>
      %dma_start3A_336 = tpu.memref_squeeze %dma_start3A_335 : memref<1x1024xf32, #tpu.memory_space<vmem>> -> memref<1024xf32, #tpu.memory_space<vmem>>
      tpu.enqueue_dma source(%dma_start3A_336 : memref<1024xf32, #tpu.memory_space<vmem>>) target(%dma_start3A_333 : memref<1024xf32, #tpu.memory_space<hbm>>) target_semaphore(%dma_start3A_330 : memref<!tpu.dma_semaphore, #tpu.memory_space<semaphore_mem>>)
      %add3A_337 = arith.constant 4 : i32
      %add3A_338 = arith.addi %add3A_225, %add3A_337 : i32
      %lt3A = arith.constant 220 : i32
      %lt3A_339 = arith.cmpi slt, %add3A_338, %lt3A : i32
      %convert_element_type3A_340 = arith.extui %lt3A_339 : i1 to i32
      %cond3A_341 = arith.constant 0 : i32
      %cond3A_342 = arith.cmpi ne, %convert_element_type3A_340, %cond3A_341 : i32
      scf.if %cond3A_342 {
        %add3A_742 = arith.constant 4 : i32
        %add3A_743 = arith.addi %add3A_225, %add3A_742 : i32
        %dma_start3A_744 = arith.constant 0 : i32
        %dma_start3A_745 = arith.constant 0 : i32
        %dma_start3A_746 = arith.constant 0 : i32
        %dma_start3A_747 = arith.constant 0 : i32
        %dma_start3A_748 = tpu.memref_slice %arg6[%dma_start3A_744, %dma_start3A_746, %dma_start3A_747] : memref<4x128x32xf32, #tpu.memory_space<vmem>> -> memref<1x128x32xf32, #tpu.memory_space<vmem>>
        %dma_start3A_749 = tpu.memref_squeeze %dma_start3A_748 : memref<1x128x32xf32, #tpu.memory_space<vmem>> -> memref<128x32xf32, #tpu.memory_space<vmem>>
        %dma_start3A_750 = arith.constant 0 : i32
        %dma_start3A_751 = tpu.memref_slice %arg5[%add3A_743, %dma_start3A_750] : memref<220x128xi32, #tpu.memory_space<vmem>> -> memref<1x128xi32, #tpu.memory_space<vmem>>
        %dma_start3A_752 = tpu.memref_squeeze %dma_start3A_751 : memref<1x128xi32, #tpu.memory_space<vmem>> -> memref<128xi32, #tpu.memory_space<vmem>>
        %dma_start3A_753 = arith.constant 0 : i32
        %dma_start3A_754 = arith.constant 0 : i32
        %dma_start3A_755 = tpu.memref_slice %arg2[%dma_start3A_753, %dma_start3A_754] : memref<1000000x32xf32, #tpu.memory_space<hbm>> -> memref<1000000x32xf32, #tpu.memory_space<hbm>>
        %dma_start3A_756 = tpu.memref_slice %arg8[%dma_start3A_745] : memref<4x!tpu.dma_semaphore, #tpu.memory_space<semaphore_mem>> -> memref<1x!tpu.dma_semaphore, #tpu.memory_space<semaphore_mem>>
        %dma_start3A_757 = tpu.memref_squeeze %dma_start3A_756 : memref<1x!tpu.dma_semaphore, #tpu.memory_space<semaphore_mem>> -> memref<!tpu.dma_semaphore, #tpu.memory_space<semaphore_mem>>
        tpu.enqueue_indirect_dma source(%dma_start3A_755 : memref<1000000x32xf32, #tpu.memory_space<hbm>>) target(%dma_start3A_749 : memref<128x32xf32, #tpu.memory_space<vmem>>) offsets(%dma_start3A_752 : memref<128xi32, #tpu.memory_space<vmem>>) semaphore(%dma_start3A_757 : memref<!tpu.dma_semaphore, #tpu.memory_space<semaphore_mem>>)
      } else {
      }
      %mul3A_343 = arith.constant 4 : i32
      %mul3A_344 = arith.muli %scan3A_221, %mul3A_343 : i32
      %add3A_345 = arith.constant 1 : i32
      %add3A_346 = arith.addi %mul3A_344, %add3A_345 : i32
      %dma_wait3A_347 = arith.constant 0 : i32
      %dma_wait3A_348 = arith.constant 1 : i32
      %dma_wait3A_349 = arith.constant 1 : i32
      %dma_wait3A_350 = arith.constant 0 : i32
      %dma_wait3A_351 = arith.constant 0 : i32
      %dma_wait3A_352 = tpu.memref_slice %arg6[%dma_wait3A_348, %dma_wait3A_350, %dma_wait3A_351] : memref<4x128x32xf32, #tpu.memory_space<vmem>> -> memref<1x128x32xf32, #tpu.memory_space<vmem>>
      %dma_wait3A_353 = tpu.memref_squeeze %dma_wait3A_352 : memref<1x128x32xf32, #tpu.memory_space<vmem>> -> memref<128x32xf32, #tpu.memory_space<vmem>>
      %dma_wait3A_354 = arith.constant 0 : i32
      %dma_wait3A_355 = tpu.memref_slice %arg5[%dma_wait3A_347, %dma_wait3A_354] : memref<220x128xi32, #tpu.memory_space<vmem>> -> memref<1x128xi32, #tpu.memory_space<vmem>>
      %dma_wait3A_356 = tpu.memref_squeeze %dma_wait3A_355 : memref<1x128xi32, #tpu.memory_space<vmem>> -> memref<128xi32, #tpu.memory_space<vmem>>
      %dma_wait3A_357 = arith.constant 0 : i32
      %dma_wait3A_358 = arith.constant 0 : i32
      %dma_wait3A_359 = tpu.memref_slice %arg2[%dma_wait3A_357, %dma_wait3A_358] : memref<1000000x32xf32, #tpu.memory_space<hbm>> -> memref<1000000x32xf32, #tpu.memory_space<hbm>>
      %dma_wait3A_360 = tpu.memref_slice %arg8[%dma_wait3A_349] : memref<4x!tpu.dma_semaphore, #tpu.memory_space<semaphore_mem>> -> memref<1x!tpu.dma_semaphore, #tpu.memory_space<semaphore_mem>>
      %dma_wait3A_361 = tpu.memref_squeeze %dma_wait3A_360 : memref<1x!tpu.dma_semaphore, #tpu.memory_space<semaphore_mem>> -> memref<!tpu.dma_semaphore, #tpu.memory_space<semaphore_mem>>
      tpu.wait_indirect_dma semaphore(%dma_wait3A_361 : memref<!tpu.dma_semaphore, #tpu.memory_space<semaphore_mem>>) src(%dma_wait3A_359 : memref<1000000x32xf32, #tpu.memory_space<hbm>>) dst(%dma_wait3A_353 : memref<128x32xf32, #tpu.memory_space<vmem>>)
      %ge3A_362 = arith.constant 2 : i32
      %ge3A_363 = arith.cmpi sge, %add3A_346, %ge3A_362 : i32
      %convert_element_type3A_364 = arith.extui %ge3A_363 : i1 to i32
      %cond3A_365 = arith.constant 0 : i32
      %cond3A_366 = arith.cmpi ne, %convert_element_type3A_364, %cond3A_365 : i32
      scf.if %cond3A_366 {
        %dma_wait3A_742 = arith.constant 1 : i32
        %dma_wait3A_743 = arith.constant 0 : i32
        %dma_wait3A_744 = arith.constant 0 : i32
        %dma_wait3A_745 = arith.constant 0 : i32
        %dma_wait3A_746 = arith.constant 1 : i32
        %dma_wait3A_747 = arith.constant 0 : i32
        %dma_wait3A_748 = tpu.memref_slice %arg7[%dma_wait3A_742, %dma_wait3A_747] : memref<2x4096xf32, #tpu.memory_space<vmem>> -> memref<1x1024xf32, #tpu.memory_space<vmem>>
        %dma_wait3A_749 = tpu.memref_squeeze %dma_wait3A_748 : memref<1x1024xf32, #tpu.memory_space<vmem>> -> memref<1024xf32, #tpu.memory_space<vmem>>
        %dma_wait3A_750 = arith.constant 0 : i32
        %dma_wait3A_751 = tpu.memref_slice %arg4[%dma_wait3A_743, %dma_wait3A_744, %dma_wait3A_745, %dma_wait3A_750] : memref<220x4x32x1024xf32, #tpu.memory_space<hbm>> -> memref<1x1x1x1024xf32, #tpu.memory_space<hbm>>
        %dma_wait3A_752 = tpu.memref_squeeze %dma_wait3A_751 : memref<1x1x1x1024xf32, #tpu.memory_space<hbm>> -> memref<1024xf32, #tpu.memory_space<hbm>>
        %dma_wait3A_753 = tpu.memref_slice %arg9[%dma_wait3A_746] : memref<2x!tpu.dma_semaphore, #tpu.memory_space<semaphore_mem>> -> memref<1x!tpu.dma_semaphore, #tpu.memory_space<semaphore_mem>>
        %dma_wait3A_754 = tpu.memref_squeeze %dma_wait3A_753 : memref<1x!tpu.dma_semaphore, #tpu.memory_space<semaphore_mem>> -> memref<!tpu.dma_semaphore, #tpu.memory_space<semaphore_mem>>
        %dma_wait3A_755 = arith.constant 0 : i32
        %dma_wait3A_756 = tpu.memref_slice %arg4[%dma_wait3A_743, %dma_wait3A_744, %dma_wait3A_745, %dma_wait3A_755] : memref<220x4x32x1024xf32, #tpu.memory_space<hbm>> -> memref<1x1x1x1024xf32, #tpu.memory_space<hbm>>
        %dma_wait3A_757 = tpu.memref_squeeze %dma_wait3A_756 : memref<1x1x1x1024xf32, #tpu.memory_space<hbm>> -> memref<1024xf32, #tpu.memory_space<hbm>>
        %dma_wait3A_758 = arith.constant 0 : i32
        %dma_wait3A_759 = tpu.memref_slice %arg7[%dma_wait3A_742, %dma_wait3A_758] : memref<2x4096xf32, #tpu.memory_space<vmem>> -> memref<1x1024xf32, #tpu.memory_space<vmem>>
        %dma_wait3A_760 = tpu.memref_squeeze %dma_wait3A_759 : memref<1x1024xf32, #tpu.memory_space<vmem>> -> memref<1024xf32, #tpu.memory_space<vmem>>
        tpu.wait_dma2 semaphore(%dma_wait3A_754 : memref<!tpu.dma_semaphore, #tpu.memory_space<semaphore_mem>>) src(%dma_wait3A_760 : memref<1024xf32, #tpu.memory_space<vmem>>) dst(%dma_wait3A_757 : memref<1024xf32, #tpu.memory_space<hbm>>)
        %dma_wait3A_761 = arith.constant 1 : i32
        %dma_wait3A_762 = arith.constant 0 : i32
        %dma_wait3A_763 = arith.constant 1 : i32
        %dma_wait3A_764 = arith.constant 0 : i32
        %dma_wait3A_765 = arith.constant 1 : i32
        %dma_wait3A_766 = arith.constant 1024 : i32
        %dma_wait3A_767 = tpu.memref_slice %arg7[%dma_wait3A_761, %dma_wait3A_766] : memref<2x4096xf32, #tpu.memory_space<vmem>> -> memref<1x1024xf32, #tpu.memory_space<vmem>>
        %dma_wait3A_768 = tpu.memref_squeeze %dma_wait3A_767 : memref<1x1024xf32, #tpu.memory_space<vmem>> -> memref<1024xf32, #tpu.memory_space<vmem>>
        %dma_wait3A_769 = arith.constant 0 : i32
        %dma_wait3A_770 = tpu.memref_slice %arg4[%dma_wait3A_762, %dma_wait3A_763, %dma_wait3A_764, %dma_wait3A_769] : memref<220x4x32x1024xf32, #tpu.memory_space<hbm>> -> memref<1x1x1x1024xf32, #tpu.memory_space<hbm>>
        %dma_wait3A_771 = tpu.memref_squeeze %dma_wait3A_770 : memref<1x1x1x1024xf32, #tpu.memory_space<hbm>> -> memref<1024xf32, #tpu.memory_space<hbm>>
        %dma_wait3A_772 = tpu.memref_slice %arg9[%dma_wait3A_765] : memref<2x!tpu.dma_semaphore, #tpu.memory_space<semaphore_mem>> -> memref<1x!tpu.dma_semaphore, #tpu.memory_space<semaphore_mem>>
        %dma_wait3A_773 = tpu.memref_squeeze %dma_wait3A_772 : memref<1x!tpu.dma_semaphore, #tpu.memory_space<semaphore_mem>> -> memref<!tpu.dma_semaphore, #tpu.memory_space<semaphore_mem>>
        %dma_wait3A_774 = arith.constant 0 : i32
        %dma_wait3A_775 = tpu.memref_slice %arg4[%dma_wait3A_762, %dma_wait3A_763, %dma_wait3A_764, %dma_wait3A_774] : memref<220x4x32x1024xf32, #tpu.memory_space<hbm>> -> memref<1x1x1x1024xf32, #tpu.memory_space<hbm>>
        %dma_wait3A_776 = tpu.memref_squeeze %dma_wait3A_775 : memref<1x1x1x1024xf32, #tpu.memory_space<hbm>> -> memref<1024xf32, #tpu.memory_space<hbm>>
        %dma_wait3A_777 = arith.constant 1024 : i32
        %dma_wait3A_778 = tpu.memref_slice %arg7[%dma_wait3A_761, %dma_wait3A_777] : memref<2x4096xf32, #tpu.memory_space<vmem>> -> memref<1x1024xf32, #tpu.memory_space<vmem>>
        %dma_wait3A_779 = tpu.memref_squeeze %dma_wait3A_778 : memref<1x1024xf32, #tpu.memory_space<vmem>> -> memref<1024xf32, #tpu.memory_space<vmem>>
        tpu.wait_dma2 semaphore(%dma_wait3A_773 : memref<!tpu.dma_semaphore, #tpu.memory_space<semaphore_mem>>) src(%dma_wait3A_779 : memref<1024xf32, #tpu.memory_space<vmem>>) dst(%dma_wait3A_776 : memref<1024xf32, #tpu.memory_space<hbm>>)
        %dma_wait3A_780 = arith.constant 1 : i32
        %dma_wait3A_781 = arith.constant 0 : i32
        %dma_wait3A_782 = arith.constant 2 : i32
        %dma_wait3A_783 = arith.constant 0 : i32
        %dma_wait3A_784 = arith.constant 1 : i32
        %dma_wait3A_785 = arith.constant 2048 : i32
        %dma_wait3A_786 = tpu.memref_slice %arg7[%dma_wait3A_780, %dma_wait3A_785] : memref<2x4096xf32, #tpu.memory_space<vmem>> -> memref<1x1024xf32, #tpu.memory_space<vmem>>
        %dma_wait3A_787 = tpu.memref_squeeze %dma_wait3A_786 : memref<1x1024xf32, #tpu.memory_space<vmem>> -> memref<1024xf32, #tpu.memory_space<vmem>>
        %dma_wait3A_788 = arith.constant 0 : i32
        %dma_wait3A_789 = tpu.memref_slice %arg4[%dma_wait3A_781, %dma_wait3A_782, %dma_wait3A_783, %dma_wait3A_788] : memref<220x4x32x1024xf32, #tpu.memory_space<hbm>> -> memref<1x1x1x1024xf32, #tpu.memory_space<hbm>>
        %dma_wait3A_790 = tpu.memref_squeeze %dma_wait3A_789 : memref<1x1x1x1024xf32, #tpu.memory_space<hbm>> -> memref<1024xf32, #tpu.memory_space<hbm>>
        %dma_wait3A_791 = tpu.memref_slice %arg9[%dma_wait3A_784] : memref<2x!tpu.dma_semaphore, #tpu.memory_space<semaphore_mem>> -> memref<1x!tpu.dma_semaphore, #tpu.memory_space<semaphore_mem>>
        %dma_wait3A_792 = tpu.memref_squeeze %dma_wait3A_791 : memref<1x!tpu.dma_semaphore, #tpu.memory_space<semaphore_mem>> -> memref<!tpu.dma_semaphore, #tpu.memory_space<semaphore_mem>>
        %dma_wait3A_793 = arith.constant 0 : i32
        %dma_wait3A_794 = tpu.memref_slice %arg4[%dma_wait3A_781, %dma_wait3A_782, %dma_wait3A_783, %dma_wait3A_793] : memref<220x4x32x1024xf32, #tpu.memory_space<hbm>> -> memref<1x1x1x1024xf32, #tpu.memory_space<hbm>>
        %dma_wait3A_795 = tpu.memref_squeeze %dma_wait3A_794 : memref<1x1x1x1024xf32, #tpu.memory_space<hbm>> -> memref<1024xf32, #tpu.memory_space<hbm>>
        %dma_wait3A_796 = arith.constant 2048 : i32
        %dma_wait3A_797 = tpu.memref_slice %arg7[%dma_wait3A_780, %dma_wait3A_796] : memref<2x4096xf32, #tpu.memory_space<vmem>> -> memref<1x1024xf32, #tpu.memory_space<vmem>>
        %dma_wait3A_798 = tpu.memref_squeeze %dma_wait3A_797 : memref<1x1024xf32, #tpu.memory_space<vmem>> -> memref<1024xf32, #tpu.memory_space<vmem>>
        tpu.wait_dma2 semaphore(%dma_wait3A_792 : memref<!tpu.dma_semaphore, #tpu.memory_space<semaphore_mem>>) src(%dma_wait3A_798 : memref<1024xf32, #tpu.memory_space<vmem>>) dst(%dma_wait3A_795 : memref<1024xf32, #tpu.memory_space<hbm>>)
        %dma_wait3A_799 = arith.constant 1 : i32
        %dma_wait3A_800 = arith.constant 0 : i32
        %dma_wait3A_801 = arith.constant 3 : i32
        %dma_wait3A_802 = arith.constant 0 : i32
        %dma_wait3A_803 = arith.constant 1 : i32
        %dma_wait3A_804 = arith.constant 3072 : i32
        %dma_wait3A_805 = tpu.memref_slice %arg7[%dma_wait3A_799, %dma_wait3A_804] : memref<2x4096xf32, #tpu.memory_space<vmem>> -> memref<1x1024xf32, #tpu.memory_space<vmem>>
        %dma_wait3A_806 = tpu.memref_squeeze %dma_wait3A_805 : memref<1x1024xf32, #tpu.memory_space<vmem>> -> memref<1024xf32, #tpu.memory_space<vmem>>
        %dma_wait3A_807 = arith.constant 0 : i32
        %dma_wait3A_808 = tpu.memref_slice %arg4[%dma_wait3A_800, %dma_wait3A_801, %dma_wait3A_802, %dma_wait3A_807] : memref<220x4x32x1024xf32, #tpu.memory_space<hbm>> -> memref<1x1x1x1024xf32, #tpu.memory_space<hbm>>
        %dma_wait3A_809 = tpu.memref_squeeze %dma_wait3A_808 : memref<1x1x1x1024xf32, #tpu.memory_space<hbm>> -> memref<1024xf32, #tpu.memory_space<hbm>>
        %dma_wait3A_810 = tpu.memref_slice %arg9[%dma_wait3A_803] : memref<2x!tpu.dma_semaphore, #tpu.memory_space<semaphore_mem>> -> memref<1x!tpu.dma_semaphore, #tpu.memory_space<semaphore_mem>>
        %dma_wait3A_811 = tpu.memref_squeeze %dma_wait3A_810 : memref<1x!tpu.dma_semaphore, #tpu.memory_space<semaphore_mem>> -> memref<!tpu.dma_semaphore, #tpu.memory_space<semaphore_mem>>
        %dma_wait3A_812 = arith.constant 0 : i32
        %dma_wait3A_813 = tpu.memref_slice %arg4[%dma_wait3A_800, %dma_wait3A_801, %dma_wait3A_802, %dma_wait3A_812] : memref<220x4x32x1024xf32, #tpu.memory_space<hbm>> -> memref<1x1x1x1024xf32, #tpu.memory_space<hbm>>
        %dma_wait3A_814 = tpu.memref_squeeze %dma_wait3A_813 : memref<1x1x1x1024xf32, #tpu.memory_space<hbm>> -> memref<1024xf32, #tpu.memory_space<hbm>>
        %dma_wait3A_815 = arith.constant 3072 : i32
        %dma_wait3A_816 = tpu.memref_slice %arg7[%dma_wait3A_799, %dma_wait3A_815] : memref<2x4096xf32, #tpu.memory_space<vmem>> -> memref<1x1024xf32, #tpu.memory_space<vmem>>
        %dma_wait3A_817 = tpu.memref_squeeze %dma_wait3A_816 : memref<1x1024xf32, #tpu.memory_space<vmem>> -> memref<1024xf32, #tpu.memory_space<vmem>>
        tpu.wait_dma2 semaphore(%dma_wait3A_811 : memref<!tpu.dma_semaphore, #tpu.memory_space<semaphore_mem>>) src(%dma_wait3A_817 : memref<1024xf32, #tpu.memory_space<vmem>>) dst(%dma_wait3A_814 : memref<1024xf32, #tpu.memory_space<hbm>>)
      } else {
      }
      %scan3A_367 = arith.constant 0 : i32
      %scan3A_368 = arith.constant 1 : i32
      %scan3A_369 = arith.constant 0 : i32
      %scan3A_370 = arith.constant 16 : i32
      %scan3A_371 = arith.addi %scan3A_369, %scan3A_370 : i32
      %scan3A_372 = arith.constant 1 : i32
      scf.for %scan3A_742 = %scan3A_369 to %scan3A_371 step %scan3A_372  : i32 {
        %add3A_743 = vector.broadcast %scan3A_742 : i32 to vector<16xi32>
        %add3A_744 = arith.addi %iota3A, %add3A_743 : vector<16xi32>
        %rem3A_745 = arith.constant 16 : i32
        %rem3A_746 = vector.broadcast %rem3A_745 : i32 to vector<16xi32>
        %rem3A_747 = arith.remsi %add3A_744, %rem3A_746 : vector<16xi32>
        %add3A_748 = arith.constant 0 : i32
        %add3A_749 = vector.broadcast %add3A_748 : i32 to vector<16xi32>
        %add3A_750 = arith.addi %add3A_749, %rem3A_747 : vector<16xi32>
        %mul3A_751 = arith.constant 128 : i32
        %mul3A_752 = vector.broadcast %mul3A_751 : i32 to vector<16xi32>
        %mul3A_753 = arith.muli %add3A_750, %mul3A_752 : vector<16xi32>
        %add3A_754 = arith.constant 0 : i32
        %add3A_755 = vector.broadcast %add3A_754 : i32 to vector<16xi32>
        %add3A_756 = arith.addi %add3A_755, %iota3A : vector<16xi32>
        %gather3A = arith.constant 1 : i32
        %gather3A_757 = arith.constant 0 : i32
        %gather3A_758 = arith.constant 0 : i32
        %gather3A_759 = tpu.memref_slice %arg6[%gather3A, %gather3A_757, %gather3A_758] : memref<4x128x32xf32, #tpu.memory_space<vmem>> -> memref<1x128x32xf32, #tpu.memory_space<vmem>>
        %gather3A_760 = tpu.memref_squeeze %gather3A_759 : memref<1x128x32xf32, #tpu.memory_space<vmem>> -> memref<128x32xf32, #tpu.memory_space<vmem>>
        %gather3A_761 = tpu.vector_load_idx %gather3A_760[%add3A_756, %add3A_750] : memref<128x32xf32, #tpu.memory_space<vmem>>[vector<16xi32>, vector<16xi32>], vector<16xf32>,
        %add3A_762 = arith.addi %mul3A_753, %add3A_756 : vector<16xi32>
        %scatter3A = arith.constant 0 : i32
        %scatter3A_763 = tpu.memref_slice %arg7[%scan3A_368, %scatter3A] : memref<2x4096xf32, #tpu.memory_space<vmem>> -> memref<1x4096xf32, #tpu.memory_space<vmem>>
        %scatter3A_764 = tpu.memref_squeeze %scatter3A_763 : memref<1x4096xf32, #tpu.memory_space<vmem>> -> memref<4096xf32, #tpu.memory_space<vmem>>
        tpu.vector_store_idx %scatter3A_764[%add3A_762], %gather3A_761 : memref<4096xf32, #tpu.memory_space<vmem>>[vector<16xi32>], vector<16xf32>,
        %add3A_765 = arith.constant 16 : i32
        %add3A_766 = vector.broadcast %add3A_765 : i32 to vector<16xi32>
        %add3A_767 = arith.addi %add3A_766, %iota3A : vector<16xi32>
        %gather3A_768 = arith.constant 1 : i32
        %gather3A_769 = arith.constant 0 : i32
        %gather3A_770 = arith.constant 0 : i32
        %gather3A_771 = tpu.memref_slice %arg6[%gather3A_768, %gather3A_769, %gather3A_770] : memref<4x128x32xf32, #tpu.memory_space<vmem>> -> memref<1x128x32xf32, #tpu.memory_space<vmem>>
        %gather3A_772 = tpu.memref_squeeze %gather3A_771 : memref<1x128x32xf32, #tpu.memory_space<vmem>> -> memref<128x32xf32, #tpu.memory_space<vmem>>
        %gather3A_773 = tpu.vector_load_idx %gather3A_772[%add3A_767, %add3A_750] : memref<128x32xf32, #tpu.memory_space<vmem>>[vector<16xi32>, vector<16xi32>], vector<16xf32>,
        %add3A_774 = arith.addi %mul3A_753, %add3A_767 : vector<16xi32>
        %scatter3A_775 = arith.constant 0 : i32
        %scatter3A_776 = tpu.memref_slice %arg7[%scan3A_368, %scatter3A_775] : memref<2x4096xf32, #tpu.memory_space<vmem>> -> memref<1x4096xf32, #tpu.memory_space<vmem>>
        %scatter3A_777 = tpu.memref_squeeze %scatter3A_776 : memref<1x4096xf32, #tpu.memory_space<vmem>> -> memref<4096xf32, #tpu.memory_space<vmem>>
        tpu.vector_store_idx %scatter3A_777[%add3A_774], %gather3A_773 : memref<4096xf32, #tpu.memory_space<vmem>>[vector<16xi32>], vector<16xf32>,
        %add3A_778 = arith.constant 32 : i32
        %add3A_779 = vector.broadcast %add3A_778 : i32 to vector<16xi32>
        %add3A_780 = arith.addi %add3A_779, %iota3A : vector<16xi32>
        %gather3A_781 = arith.constant 1 : i32
        %gather3A_782 = arith.constant 0 : i32
        %gather3A_783 = arith.constant 0 : i32
        %gather3A_784 = tpu.memref_slice %arg6[%gather3A_781, %gather3A_782, %gather3A_783] : memref<4x128x32xf32, #tpu.memory_space<vmem>> -> memref<1x128x32xf32, #tpu.memory_space<vmem>>
        %gather3A_785 = tpu.memref_squeeze %gather3A_784 : memref<1x128x32xf32, #tpu.memory_space<vmem>> -> memref<128x32xf32, #tpu.memory_space<vmem>>
        %gather3A_786 = tpu.vector_load_idx %gather3A_785[%add3A_780, %add3A_750] : memref<128x32xf32, #tpu.memory_space<vmem>>[vector<16xi32>, vector<16xi32>], vector<16xf32>,
        %add3A_787 = arith.addi %mul3A_753, %add3A_780 : vector<16xi32>
        %scatter3A_788 = arith.constant 0 : i32
        %scatter3A_789 = tpu.memref_slice %arg7[%scan3A_368, %scatter3A_788] : memref<2x4096xf32, #tpu.memory_space<vmem>> -> memref<1x4096xf32, #tpu.memory_space<vmem>>
        %scatter3A_790 = tpu.memref_squeeze %scatter3A_789 : memref<1x4096xf32, #tpu.memory_space<vmem>> -> memref<4096xf32, #tpu.memory_space<vmem>>
        tpu.vector_store_idx %scatter3A_790[%add3A_787], %gather3A_786 : memref<4096xf32, #tpu.memory_space<vmem>>[vector<16xi32>], vector<16xf32>,
        %add3A_791 = arith.constant 48 : i32
        %add3A_792 = vector.broadcast %add3A_791 : i32 to vector<16xi32>
        %add3A_793 = arith.addi %add3A_792, %iota3A : vector<16xi32>
        %gather3A_794 = arith.constant 1 : i32
        %gather3A_795 = arith.constant 0 : i32
        %gather3A_796 = arith.constant 0 : i32
        %gather3A_797 = tpu.memref_slice %arg6[%gather3A_794, %gather3A_795, %gather3A_796] : memref<4x128x32xf32, #tpu.memory_space<vmem>> -> memref<1x128x32xf32, #tpu.memory_space<vmem>>
        %gather3A_798 = tpu.memref_squeeze %gather3A_797 : memref<1x128x32xf32, #tpu.memory_space<vmem>> -> memref<128x32xf32, #tpu.memory_space<vmem>>
        %gather3A_799 = tpu.vector_load_idx %gather3A_798[%add3A_793, %add3A_750] : memref<128x32xf32, #tpu.memory_space<vmem>>[vector<16xi32>, vector<16xi32>], vector<16xf32>,
        %add3A_800 = arith.addi %mul3A_753, %add3A_793 : vector<16xi32>
        %scatter3A_801 = arith.constant 0 : i32
        %scatter3A_802 = tpu.memref_slice %arg7[%scan3A_368, %scatter3A_801] : memref<2x4096xf32, #tpu.memory_space<vmem>> -> memref<1x4096xf32, #tpu.memory_space<vmem>>
        %scatter3A_803 = tpu.memref_squeeze %scatter3A_802 : memref<1x4096xf32, #tpu.memory_space<vmem>> -> memref<4096xf32, #tpu.memory_space<vmem>>
        tpu.vector_store_idx %scatter3A_803[%add3A_800], %gather3A_799 : memref<4096xf32, #tpu.memory_space<vmem>>[vector<16xi32>], vector<16xf32>,
        %add3A_804 = arith.constant 64 : i32
        %add3A_805 = vector.broadcast %add3A_804 : i32 to vector<16xi32>
        %add3A_806 = arith.addi %add3A_805, %iota3A : vector<16xi32>
        %gather3A_807 = arith.constant 1 : i32
        %gather3A_808 = arith.constant 0 : i32
        %gather3A_809 = arith.constant 0 : i32
        %gather3A_810 = tpu.memref_slice %arg6[%gather3A_807, %gather3A_808, %gather3A_809] : memref<4x128x32xf32, #tpu.memory_space<vmem>> -> memref<1x128x32xf32, #tpu.memory_space<vmem>>
        %gather3A_811 = tpu.memref_squeeze %gather3A_810 : memref<1x128x32xf32, #tpu.memory_space<vmem>> -> memref<128x32xf32, #tpu.memory_space<vmem>>
        %gather3A_812 = tpu.vector_load_idx %gather3A_811[%add3A_806, %add3A_750] : memref<128x32xf32, #tpu.memory_space<vmem>>[vector<16xi32>, vector<16xi32>], vector<16xf32>,
        %add3A_813 = arith.addi %mul3A_753, %add3A_806 : vector<16xi32>
        %scatter3A_814 = arith.constant 0 : i32
        %scatter3A_815 = tpu.memref_slice %arg7[%scan3A_368, %scatter3A_814] : memref<2x4096xf32, #tpu.memory_space<vmem>> -> memref<1x4096xf32, #tpu.memory_space<vmem>>
        %scatter3A_816 = tpu.memref_squeeze %scatter3A_815 : memref<1x4096xf32, #tpu.memory_space<vmem>> -> memref<4096xf32, #tpu.memory_space<vmem>>
        tpu.vector_store_idx %scatter3A_816[%add3A_813], %gather3A_812 : memref<4096xf32, #tpu.memory_space<vmem>>[vector<16xi32>], vector<16xf32>,
        %add3A_817 = arith.constant 80 : i32
        %add3A_818 = vector.broadcast %add3A_817 : i32 to vector<16xi32>
        %add3A_819 = arith.addi %add3A_818, %iota3A : vector<16xi32>
        %gather3A_820 = arith.constant 1 : i32
        %gather3A_821 = arith.constant 0 : i32
        %gather3A_822 = arith.constant 0 : i32
        %gather3A_823 = tpu.memref_slice %arg6[%gather3A_820, %gather3A_821, %gather3A_822] : memref<4x128x32xf32, #tpu.memory_space<vmem>> -> memref<1x128x32xf32, #tpu.memory_space<vmem>>
        %gather3A_824 = tpu.memref_squeeze %gather3A_823 : memref<1x128x32xf32, #tpu.memory_space<vmem>> -> memref<128x32xf32, #tpu.memory_space<vmem>>
        %gather3A_825 = tpu.vector_load_idx %gather3A_824[%add3A_819, %add3A_750] : memref<128x32xf32, #tpu.memory_space<vmem>>[vector<16xi32>, vector<16xi32>], vector<16xf32>,
        %add3A_826 = arith.addi %mul3A_753, %add3A_819 : vector<16xi32>
        %scatter3A_827 = arith.constant 0 : i32
        %scatter3A_828 = tpu.memref_slice %arg7[%scan3A_368, %scatter3A_827] : memref<2x4096xf32, #tpu.memory_space<vmem>> -> memref<1x4096xf32, #tpu.memory_space<vmem>>
        %scatter3A_829 = tpu.memref_squeeze %scatter3A_828 : memref<1x4096xf32, #tpu.memory_space<vmem>> -> memref<4096xf32, #tpu.memory_space<vmem>>
        tpu.vector_store_idx %scatter3A_829[%add3A_826], %gather3A_825 : memref<4096xf32, #tpu.memory_space<vmem>>[vector<16xi32>], vector<16xf32>,
        %add3A_830 = arith.constant 96 : i32
        %add3A_831 = vector.broadcast %add3A_830 : i32 to vector<16xi32>
        %add3A_832 = arith.addi %add3A_831, %iota3A : vector<16xi32>
        %gather3A_833 = arith.constant 1 : i32
        %gather3A_834 = arith.constant 0 : i32
        %gather3A_835 = arith.constant 0 : i32
        %gather3A_836 = tpu.memref_slice %arg6[%gather3A_833, %gather3A_834, %gather3A_835] : memref<4x128x32xf32, #tpu.memory_space<vmem>> -> memref<1x128x32xf32, #tpu.memory_space<vmem>>
        %gather3A_837 = tpu.memref_squeeze %gather3A_836 : memref<1x128x32xf32, #tpu.memory_space<vmem>> -> memref<128x32xf32, #tpu.memory_space<vmem>>
        %gather3A_838 = tpu.vector_load_idx %gather3A_837[%add3A_832, %add3A_750] : memref<128x32xf32, #tpu.memory_space<vmem>>[vector<16xi32>, vector<16xi32>], vector<16xf32>,
        %add3A_839 = arith.addi %mul3A_753, %add3A_832 : vector<16xi32>
        %scatter3A_840 = arith.constant 0 : i32
        %scatter3A_841 = tpu.memref_slice %arg7[%scan3A_368, %scatter3A_840] : memref<2x4096xf32, #tpu.memory_space<vmem>> -> memref<1x4096xf32, #tpu.memory_space<vmem>>
        %scatter3A_842 = tpu.memref_squeeze %scatter3A_841 : memref<1x4096xf32, #tpu.memory_space<vmem>> -> memref<4096xf32, #tpu.memory_space<vmem>>
        tpu.vector_store_idx %scatter3A_842[%add3A_839], %gather3A_838 : memref<4096xf32, #tpu.memory_space<vmem>>[vector<16xi32>], vector<16xf32>,
        %add3A_843 = arith.constant 112 : i32
        %add3A_844 = vector.broadcast %add3A_843 : i32 to vector<16xi32>
        %add3A_845 = arith.addi %add3A_844, %iota3A : vector<16xi32>
        %gather3A_846 = arith.constant 1 : i32
        %gather3A_847 = arith.constant 0 : i32
        %gather3A_848 = arith.constant 0 : i32
        %gather3A_849 = tpu.memref_slice %arg6[%gather3A_846, %gather3A_847, %gather3A_848] : memref<4x128x32xf32, #tpu.memory_space<vmem>> -> memref<1x128x32xf32, #tpu.memory_space<vmem>>
        %gather3A_850 = tpu.memref_squeeze %gather3A_849 : memref<1x128x32xf32, #tpu.memory_space<vmem>> -> memref<128x32xf32, #tpu.memory_space<vmem>>
        %gather3A_851 = tpu.vector_load_idx %gather3A_850[%add3A_845, %add3A_750] : memref<128x32xf32, #tpu.memory_space<vmem>>[vector<16xi32>, vector<16xi32>], vector<16xf32>,
        %add3A_852 = arith.addi %mul3A_753, %add3A_845 : vector<16xi32>
        %scatter3A_853 = arith.constant 0 : i32
        %scatter3A_854 = tpu.memref_slice %arg7[%scan3A_368, %scatter3A_853] : memref<2x4096xf32, #tpu.memory_space<vmem>> -> memref<1x4096xf32, #tpu.memory_space<vmem>>
        %scatter3A_855 = tpu.memref_squeeze %scatter3A_854 : memref<1x4096xf32, #tpu.memory_space<vmem>> -> memref<4096xf32, #tpu.memory_space<vmem>>
        tpu.vector_store_idx %scatter3A_855[%add3A_852], %gather3A_851 : memref<4096xf32, #tpu.memory_space<vmem>>[vector<16xi32>], vector<16xf32>,
        %add3A_856 = arith.constant 16 : i32
        %add3A_857 = vector.broadcast %add3A_856 : i32 to vector<16xi32>
        %add3A_858 = arith.addi %add3A_857, %rem3A_747 : vector<16xi32>
        %mul3A_859 = arith.constant 128 : i32
        %mul3A_860 = vector.broadcast %mul3A_859 : i32 to vector<16xi32>
        %mul3A_861 = arith.muli %add3A_858, %mul3A_860 : vector<16xi32>
        %add3A_862 = arith.constant 0 : i32
        %add3A_863 = vector.broadcast %add3A_862 : i32 to vector<16xi32>
        %add3A_864 = arith.addi %add3A_863, %iota3A : vector<16xi32>
        %gather3A_865 = arith.constant 1 : i32
        %gather3A_866 = arith.constant 0 : i32
        %gather3A_867 = arith.constant 0 : i32
        %gather3A_868 = tpu.memref_slice %arg6[%gather3A_865, %gather3A_866, %gather3A_867] : memref<4x128x32xf32, #tpu.memory_space<vmem>> -> memref<1x128x32xf32, #tpu.memory_space<vmem>>
        %gather3A_869 = tpu.memref_squeeze %gather3A_868 : memref<1x128x32xf32, #tpu.memory_space<vmem>> -> memref<128x32xf32, #tpu.memory_space<vmem>>
        %gather3A_870 = tpu.vector_load_idx %gather3A_869[%add3A_864, %add3A_858] : memref<128x32xf32, #tpu.memory_space<vmem>>[vector<16xi32>, vector<16xi32>], vector<16xf32>,
        %add3A_871 = arith.addi %mul3A_861, %add3A_864 : vector<16xi32>
        %scatter3A_872 = arith.constant 0 : i32
        %scatter3A_873 = tpu.memref_slice %arg7[%scan3A_368, %scatter3A_872] : memref<2x4096xf32, #tpu.memory_space<vmem>> -> memref<1x4096xf32, #tpu.memory_space<vmem>>
        %scatter3A_874 = tpu.memref_squeeze %scatter3A_873 : memref<1x4096xf32, #tpu.memory_space<vmem>> -> memref<4096xf32, #tpu.memory_space<vmem>>
        tpu.vector_store_idx %scatter3A_874[%add3A_871], %gather3A_870 : memref<4096xf32, #tpu.memory_space<vmem>>[vector<16xi32>], vector<16xf32>,
        %add3A_875 = arith.constant 16 : i32
        %add3A_876 = vector.broadcast %add3A_875 : i32 to vector<16xi32>
        %add3A_877 = arith.addi %add3A_876, %iota3A : vector<16xi32>
        %gather3A_878 = arith.constant 1 : i32
        %gather3A_879 = arith.constant 0 : i32
        %gather3A_880 = arith.constant 0 : i32
        %gather3A_881 = tpu.memref_slice %arg6[%gather3A_878, %gather3A_879, %gather3A_880] : memref<4x128x32xf32, #tpu.memory_space<vmem>> -> memref<1x128x32xf32, #tpu.memory_space<vmem>>
        %gather3A_882 = tpu.memref_squeeze %gather3A_881 : memref<1x128x32xf32, #tpu.memory_space<vmem>> -> memref<128x32xf32, #tpu.memory_space<vmem>>
        %gather3A_883 = tpu.vector_load_idx %gather3A_882[%add3A_877, %add3A_858] : memref<128x32xf32, #tpu.memory_space<vmem>>[vector<16xi32>, vector<16xi32>], vector<16xf32>,
        %add3A_884 = arith.addi %mul3A_861, %add3A_877 : vector<16xi32>
        %scatter3A_885 = arith.constant 0 : i32
        %scatter3A_886 = tpu.memref_slice %arg7[%scan3A_368, %scatter3A_885] : memref<2x4096xf32, #tpu.memory_space<vmem>> -> memref<1x4096xf32, #tpu.memory_space<vmem>>
        %scatter3A_887 = tpu.memref_squeeze %scatter3A_886 : memref<1x4096xf32, #tpu.memory_space<vmem>> -> memref<4096xf32, #tpu.memory_space<vmem>>
        tpu.vector_store_idx %scatter3A_887[%add3A_884], %gather3A_883 : memref<4096xf32, #tpu.memory_space<vmem>>[vector<16xi32>], vector<16xf32>,
        %add3A_888 = arith.constant 32 : i32
        %add3A_889 = vector.broadcast %add3A_888 : i32 to vector<16xi32>
        %add3A_890 = arith.addi %add3A_889, %iota3A : vector<16xi32>
        %gather3A_891 = arith.constant 1 : i32
        %gather3A_892 = arith.constant 0 : i32
        %gather3A_893 = arith.constant 0 : i32
        %gather3A_894 = tpu.memref_slice %arg6[%gather3A_891, %gather3A_892, %gather3A_893] : memref<4x128x32xf32, #tpu.memory_space<vmem>> -> memref<1x128x32xf32, #tpu.memory_space<vmem>>
        %gather3A_895 = tpu.memref_squeeze %gather3A_894 : memref<1x128x32xf32, #tpu.memory_space<vmem>> -> memref<128x32xf32, #tpu.memory_space<vmem>>
        %gather3A_896 = tpu.vector_load_idx %gather3A_895[%add3A_890, %add3A_858] : memref<128x32xf32, #tpu.memory_space<vmem>>[vector<16xi32>, vector<16xi32>], vector<16xf32>,
        %add3A_897 = arith.addi %mul3A_861, %add3A_890 : vector<16xi32>
        %scatter3A_898 = arith.constant 0 : i32
        %scatter3A_899 = tpu.memref_slice %arg7[%scan3A_368, %scatter3A_898] : memref<2x4096xf32, #tpu.memory_space<vmem>> -> memref<1x4096xf32, #tpu.memory_space<vmem>>
        %scatter3A_900 = tpu.memref_squeeze %scatter3A_899 : memref<1x4096xf32, #tpu.memory_space<vmem>> -> memref<4096xf32, #tpu.memory_space<vmem>>
        tpu.vector_store_idx %scatter3A_900[%add3A_897], %gather3A_896 : memref<4096xf32, #tpu.memory_space<vmem>>[vector<16xi32>], vector<16xf32>,
        %add3A_901 = arith.constant 48 : i32
        %add3A_902 = vector.broadcast %add3A_901 : i32 to vector<16xi32>
        %add3A_903 = arith.addi %add3A_902, %iota3A : vector<16xi32>
        %gather3A_904 = arith.constant 1 : i32
        %gather3A_905 = arith.constant 0 : i32
        %gather3A_906 = arith.constant 0 : i32
        %gather3A_907 = tpu.memref_slice %arg6[%gather3A_904, %gather3A_905, %gather3A_906] : memref<4x128x32xf32, #tpu.memory_space<vmem>> -> memref<1x128x32xf32, #tpu.memory_space<vmem>>
        %gather3A_908 = tpu.memref_squeeze %gather3A_907 : memref<1x128x32xf32, #tpu.memory_space<vmem>> -> memref<128x32xf32, #tpu.memory_space<vmem>>
        %gather3A_909 = tpu.vector_load_idx %gather3A_908[%add3A_903, %add3A_858] : memref<128x32xf32, #tpu.memory_space<vmem>>[vector<16xi32>, vector<16xi32>], vector<16xf32>,
        %add3A_910 = arith.addi %mul3A_861, %add3A_903 : vector<16xi32>
        %scatter3A_911 = arith.constant 0 : i32
        %scatter3A_912 = tpu.memref_slice %arg7[%scan3A_368, %scatter3A_911] : memref<2x4096xf32, #tpu.memory_space<vmem>> -> memref<1x4096xf32, #tpu.memory_space<vmem>>
        %scatter3A_913 = tpu.memref_squeeze %scatter3A_912 : memref<1x4096xf32, #tpu.memory_space<vmem>> -> memref<4096xf32, #tpu.memory_space<vmem>>
        tpu.vector_store_idx %scatter3A_913[%add3A_910], %gather3A_909 : memref<4096xf32, #tpu.memory_space<vmem>>[vector<16xi32>], vector<16xf32>,
        %add3A_914 = arith.constant 64 : i32
        %add3A_915 = vector.broadcast %add3A_914 : i32 to vector<16xi32>
        %add3A_916 = arith.addi %add3A_915, %iota3A : vector<16xi32>
        %gather3A_917 = arith.constant 1 : i32
        %gather3A_918 = arith.constant 0 : i32
        %gather3A_919 = arith.constant 0 : i32
        %gather3A_920 = tpu.memref_slice %arg6[%gather3A_917, %gather3A_918, %gather3A_919] : memref<4x128x32xf32, #tpu.memory_space<vmem>> -> memref<1x128x32xf32, #tpu.memory_space<vmem>>
        %gather3A_921 = tpu.memref_squeeze %gather3A_920 : memref<1x128x32xf32, #tpu.memory_space<vmem>> -> memref<128x32xf32, #tpu.memory_space<vmem>>
        %gather3A_922 = tpu.vector_load_idx %gather3A_921[%add3A_916, %add3A_858] : memref<128x32xf32, #tpu.memory_space<vmem>>[vector<16xi32>, vector<16xi32>], vector<16xf32>,
        %add3A_923 = arith.addi %mul3A_861, %add3A_916 : vector<16xi32>
        %scatter3A_924 = arith.constant 0 : i32
        %scatter3A_925 = tpu.memref_slice %arg7[%scan3A_368, %scatter3A_924] : memref<2x4096xf32, #tpu.memory_space<vmem>> -> memref<1x4096xf32, #tpu.memory_space<vmem>>
        %scatter3A_926 = tpu.memref_squeeze %scatter3A_925 : memref<1x4096xf32, #tpu.memory_space<vmem>> -> memref<4096xf32, #tpu.memory_space<vmem>>
        tpu.vector_store_idx %scatter3A_926[%add3A_923], %gather3A_922 : memref<4096xf32, #tpu.memory_space<vmem>>[vector<16xi32>], vector<16xf32>,
        %add3A_927 = arith.constant 80 : i32
        %add3A_928 = vector.broadcast %add3A_927 : i32 to vector<16xi32>
        %add3A_929 = arith.addi %add3A_928, %iota3A : vector<16xi32>
        %gather3A_930 = arith.constant 1 : i32
        %gather3A_931 = arith.constant 0 : i32
        %gather3A_932 = arith.constant 0 : i32
        %gather3A_933 = tpu.memref_slice %arg6[%gather3A_930, %gather3A_931, %gather3A_932] : memref<4x128x32xf32, #tpu.memory_space<vmem>> -> memref<1x128x32xf32, #tpu.memory_space<vmem>>
        %gather3A_934 = tpu.memref_squeeze %gather3A_933 : memref<1x128x32xf32, #tpu.memory_space<vmem>> -> memref<128x32xf32, #tpu.memory_space<vmem>>
        %gather3A_935 = tpu.vector_load_idx %gather3A_934[%add3A_929, %add3A_858] : memref<128x32xf32, #tpu.memory_space<vmem>>[vector<16xi32>, vector<16xi32>], vector<16xf32>,
        %add3A_936 = arith.addi %mul3A_861, %add3A_929 : vector<16xi32>
        %scatter3A_937 = arith.constant 0 : i32
        %scatter3A_938 = tpu.memref_slice %arg7[%scan3A_368, %scatter3A_937] : memref<2x4096xf32, #tpu.memory_space<vmem>> -> memref<1x4096xf32, #tpu.memory_space<vmem>>
        %scatter3A_939 = tpu.memref_squeeze %scatter3A_938 : memref<1x4096xf32, #tpu.memory_space<vmem>> -> memref<4096xf32, #tpu.memory_space<vmem>>
        tpu.vector_store_idx %scatter3A_939[%add3A_936], %gather3A_935 : memref<4096xf32, #tpu.memory_space<vmem>>[vector<16xi32>], vector<16xf32>,
        %add3A_940 = arith.constant 96 : i32
        %add3A_941 = vector.broadcast %add3A_940 : i32 to vector<16xi32>
        %add3A_942 = arith.addi %add3A_941, %iota3A : vector<16xi32>
        %gather3A_943 = arith.constant 1 : i32
        %gather3A_944 = arith.constant 0 : i32
        %gather3A_945 = arith.constant 0 : i32
        %gather3A_946 = tpu.memref_slice %arg6[%gather3A_943, %gather3A_944, %gather3A_945] : memref<4x128x32xf32, #tpu.memory_space<vmem>> -> memref<1x128x32xf32, #tpu.memory_space<vmem>>
        %gather3A_947 = tpu.memref_squeeze %gather3A_946 : memref<1x128x32xf32, #tpu.memory_space<vmem>> -> memref<128x32xf32, #tpu.memory_space<vmem>>
        %gather3A_948 = tpu.vector_load_idx %gather3A_947[%add3A_942, %add3A_858] : memref<128x32xf32, #tpu.memory_space<vmem>>[vector<16xi32>, vector<16xi32>], vector<16xf32>,
        %add3A_949 = arith.addi %mul3A_861, %add3A_942 : vector<16xi32>
        %scatter3A_950 = arith.constant 0 : i32
        %scatter3A_951 = tpu.memref_slice %arg7[%scan3A_368, %scatter3A_950] : memref<2x4096xf32, #tpu.memory_space<vmem>> -> memref<1x4096xf32, #tpu.memory_space<vmem>>
        %scatter3A_952 = tpu.memref_squeeze %scatter3A_951 : memref<1x4096xf32, #tpu.memory_space<vmem>> -> memref<4096xf32, #tpu.memory_space<vmem>>
        tpu.vector_store_idx %scatter3A_952[%add3A_949], %gather3A_948 : memref<4096xf32, #tpu.memory_space<vmem>>[vector<16xi32>], vector<16xf32>,
        %add3A_953 = arith.constant 112 : i32
        %add3A_954 = vector.broadcast %add3A_953 : i32 to vector<16xi32>
        %add3A_955 = arith.addi %add3A_954, %iota3A : vector<16xi32>
        %gather3A_956 = arith.constant 1 : i32
        %gather3A_957 = arith.constant 0 : i32
        %gather3A_958 = arith.constant 0 : i32
        %gather3A_959 = tpu.memref_slice %arg6[%gather3A_956, %gather3A_957, %gather3A_958] : memref<4x128x32xf32, #tpu.memory_space<vmem>> -> memref<1x128x32xf32, #tpu.memory_space<vmem>>
        %gather3A_960 = tpu.memref_squeeze %gather3A_959 : memref<1x128x32xf32, #tpu.memory_space<vmem>> -> memref<128x32xf32, #tpu.memory_space<vmem>>
        %gather3A_961 = tpu.vector_load_idx %gather3A_960[%add3A_955, %add3A_858] : memref<128x32xf32, #tpu.memory_space<vmem>>[vector<16xi32>, vector<16xi32>], vector<16xf32>,
        %add3A_962 = arith.addi %mul3A_861, %add3A_955 : vector<16xi32>
        %scatter3A_963 = arith.constant 0 : i32
        %scatter3A_964 = tpu.memref_slice %arg7[%scan3A_368, %scatter3A_963] : memref<2x4096xf32, #tpu.memory_space<vmem>> -> memref<1x4096xf32, #tpu.memory_space<vmem>>
        %scatter3A_965 = tpu.memref_squeeze %scatter3A_964 : memref<1x4096xf32, #tpu.memory_space<vmem>> -> memref<4096xf32, #tpu.memory_space<vmem>>
        tpu.vector_store_idx %scatter3A_965[%add3A_962], %gather3A_961 : memref<4096xf32, #tpu.memory_space<vmem>>[vector<16xi32>], vector<16xf32>,
      }
      %scan3A_373 = arith.constant 16 : i32
      %add3A_374 = arith.addi %mul3A_2, %add3A_346 : i32
      %jit3A_375 = arith.constant 32 : i32
      %div3A_376 = arith.divsi %add3A_374, %jit3A_375 : i32
      %sign3A_377 = arith.constant 0 : i32
      %sign3A_378 = arith.cmpi sgt, %add3A_374, %sign3A_377 : i32
      %sign3A_379 = arith.extui %sign3A_378 : i1 to i32
      %sign3A_380 = arith.constant 0 : i32
      %sign3A_381 = arith.cmpi slt, %add3A_374, %sign3A_380 : i32
      %sign3A_382 = arith.extui %sign3A_381 : i1 to i32
      %sign3A_383 = arith.subi %sign3A_379, %sign3A_382 : i32
      %sign3A_384 = arith.constant 0 : i32
      %sign3A_385 = arith.cmpi sgt, %jit3A_375, %sign3A_384 : i32
      %sign3A_386 = arith.extui %sign3A_385 : i1 to i32
      %sign3A_387 = arith.constant 0 : i32
      %sign3A_388 = arith.cmpi slt, %jit3A_375, %sign3A_387 : i32
      %sign3A_389 = arith.extui %sign3A_388 : i1 to i32
      %sign3A_390 = arith.subi %sign3A_386, %sign3A_389 : i32
      %ne3A_391 = arith.cmpi ne, %sign3A_383, %sign3A_390 : i32
      %rem3A_392 = arith.remsi %add3A_374, %jit3A_375 : i32
      %ne3A_393 = arith.constant 0 : i32
      %ne3A_394 = arith.cmpi ne, %rem3A_392, %ne3A_393 : i32
      %and3A_395 = arith.andi %ne3A_391, %ne3A_394 : i1
      %sub3A_396 = arith.constant 1 : i32
      %sub3A_397 = arith.subi %div3A_376, %sub3A_396 : i32
      %select_n3A_398 = arith.select %and3A_395, %sub3A_397, %div3A_376 : i32
      %rem3A_399 = arith.constant 32 : i32
      %rem3A_400 = arith.remsi %add3A_374, %rem3A_399 : i32
      %dma_start3A_401 = arith.constant 1 : i32
      %dma_start3A_402 = arith.constant 0 : i32
      %dma_start3A_403 = arith.constant 1 : i32
      %dma_start3A_404 = arith.constant 0 : i32
      %dma_start3A_405 = tpu.memref_slice %arg7[%dma_start3A_401, %dma_start3A_404] : memref<2x4096xf32, #tpu.memory_space<vmem>> -> memref<1x1024xf32, #tpu.memory_space<vmem>>
      %dma_start3A_406 = tpu.memref_squeeze %dma_start3A_405 : memref<1x1024xf32, #tpu.memory_space<vmem>> -> memref<1024xf32, #tpu.memory_space<vmem>>
      %dma_start3A_407 = arith.constant 0 : i32
      %dma_start3A_408 = tpu.memref_slice %arg4[%select_n3A_398, %dma_start3A_402, %rem3A_400, %dma_start3A_407] : memref<220x4x32x1024xf32, #tpu.memory_space<hbm>> -> memref<1x1x1x1024xf32, #tpu.memory_space<hbm>>
      %dma_start3A_409 = tpu.memref_squeeze %dma_start3A_408 : memref<1x1x1x1024xf32, #tpu.memory_space<hbm>> -> memref<1024xf32, #tpu.memory_space<hbm>>
      %dma_start3A_410 = tpu.memref_slice %arg9[%dma_start3A_403] : memref<2x!tpu.dma_semaphore, #tpu.memory_space<semaphore_mem>> -> memref<1x!tpu.dma_semaphore, #tpu.memory_space<semaphore_mem>>
      %dma_start3A_411 = tpu.memref_squeeze %dma_start3A_410 : memref<1x!tpu.dma_semaphore, #tpu.memory_space<semaphore_mem>> -> memref<!tpu.dma_semaphore, #tpu.memory_space<semaphore_mem>>
      %dma_start3A_412 = arith.constant 0 : i32
      %dma_start3A_413 = tpu.memref_slice %arg4[%select_n3A_398, %dma_start3A_402, %rem3A_400, %dma_start3A_412] : memref<220x4x32x1024xf32, #tpu.memory_space<hbm>> -> memref<1x1x1x1024xf32, #tpu.memory_space<hbm>>
      %dma_start3A_414 = tpu.memref_squeeze %dma_start3A_413 : memref<1x1x1x1024xf32, #tpu.memory_space<hbm>> -> memref<1024xf32, #tpu.memory_space<hbm>>
      %dma_start3A_415 = arith.constant 0 : i32
      %dma_start3A_416 = tpu.memref_slice %arg7[%dma_start3A_401, %dma_start3A_415] : memref<2x4096xf32, #tpu.memory_space<vmem>> -> memref<1x1024xf32, #tpu.memory_space<vmem>>
      %dma_start3A_417 = tpu.memref_squeeze %dma_start3A_416 : memref<1x1024xf32, #tpu.memory_space<vmem>> -> memref<1024xf32, #tpu.memory_space<vmem>>
      tpu.enqueue_dma source(%dma_start3A_417 : memref<1024xf32, #tpu.memory_space<vmem>>) target(%dma_start3A_414 : memref<1024xf32, #tpu.memory_space<hbm>>) target_semaphore(%dma_start3A_411 : memref<!tpu.dma_semaphore, #tpu.memory_space<semaphore_mem>>)
      %dma_start3A_418 = arith.constant 1 : i32
      %dma_start3A_419 = arith.constant 1 : i32
      %dma_start3A_420 = arith.constant 1 : i32
      %dma_start3A_421 = arith.constant 1024 : i32
      %dma_start3A_422 = tpu.memref_slice %arg7[%dma_start3A_418, %dma_start3A_421] : memref<2x4096xf32, #tpu.memory_space<vmem>> -> memref<1x1024xf32, #tpu.memory_space<vmem>>
      %dma_start3A_423 = tpu.memref_squeeze %dma_start3A_422 : memref<1x1024xf32, #tpu.memory_space<vmem>> -> memref<1024xf32, #tpu.memory_space<vmem>>
      %dma_start3A_424 = arith.constant 0 : i32
      %dma_start3A_425 = tpu.memref_slice %arg4[%select_n3A_398, %dma_start3A_419, %rem3A_400, %dma_start3A_424] : memref<220x4x32x1024xf32, #tpu.memory_space<hbm>> -> memref<1x1x1x1024xf32, #tpu.memory_space<hbm>>
      %dma_start3A_426 = tpu.memref_squeeze %dma_start3A_425 : memref<1x1x1x1024xf32, #tpu.memory_space<hbm>> -> memref<1024xf32, #tpu.memory_space<hbm>>
      %dma_start3A_427 = tpu.memref_slice %arg9[%dma_start3A_420] : memref<2x!tpu.dma_semaphore, #tpu.memory_space<semaphore_mem>> -> memref<1x!tpu.dma_semaphore, #tpu.memory_space<semaphore_mem>>
      %dma_start3A_428 = tpu.memref_squeeze %dma_start3A_427 : memref<1x!tpu.dma_semaphore, #tpu.memory_space<semaphore_mem>> -> memref<!tpu.dma_semaphore, #tpu.memory_space<semaphore_mem>>
      %dma_start3A_429 = arith.constant 0 : i32
      %dma_start3A_430 = tpu.memref_slice %arg4[%select_n3A_398, %dma_start3A_419, %rem3A_400, %dma_start3A_429] : memref<220x4x32x1024xf32, #tpu.memory_space<hbm>> -> memref<1x1x1x1024xf32, #tpu.memory_space<hbm>>
      %dma_start3A_431 = tpu.memref_squeeze %dma_start3A_430 : memref<1x1x1x1024xf32, #tpu.memory_space<hbm>> -> memref<1024xf32, #tpu.memory_space<hbm>>
      %dma_start3A_432 = arith.constant 1024 : i32
      %dma_start3A_433 = tpu.memref_slice %arg7[%dma_start3A_418, %dma_start3A_432] : memref<2x4096xf32, #tpu.memory_space<vmem>> -> memref<1x1024xf32, #tpu.memory_space<vmem>>
      %dma_start3A_434 = tpu.memref_squeeze %dma_start3A_433 : memref<1x1024xf32, #tpu.memory_space<vmem>> -> memref<1024xf32, #tpu.memory_space<vmem>>
      tpu.enqueue_dma source(%dma_start3A_434 : memref<1024xf32, #tpu.memory_space<vmem>>) target(%dma_start3A_431 : memref<1024xf32, #tpu.memory_space<hbm>>) target_semaphore(%dma_start3A_428 : memref<!tpu.dma_semaphore, #tpu.memory_space<semaphore_mem>>)
      %dma_start3A_435 = arith.constant 1 : i32
      %dma_start3A_436 = arith.constant 2 : i32
      %dma_start3A_437 = arith.constant 1 : i32
      %dma_start3A_438 = arith.constant 2048 : i32
      %dma_start3A_439 = tpu.memref_slice %arg7[%dma_start3A_435, %dma_start3A_438] : memref<2x4096xf32, #tpu.memory_space<vmem>> -> memref<1x1024xf32, #tpu.memory_space<vmem>>
      %dma_start3A_440 = tpu.memref_squeeze %dma_start3A_439 : memref<1x1024xf32, #tpu.memory_space<vmem>> -> memref<1024xf32, #tpu.memory_space<vmem>>
      %dma_start3A_441 = arith.constant 0 : i32
      %dma_start3A_442 = tpu.memref_slice %arg4[%select_n3A_398, %dma_start3A_436, %rem3A_400, %dma_start3A_441] : memref<220x4x32x1024xf32, #tpu.memory_space<hbm>> -> memref<1x1x1x1024xf32, #tpu.memory_space<hbm>>
      %dma_start3A_443 = tpu.memref_squeeze %dma_start3A_442 : memref<1x1x1x1024xf32, #tpu.memory_space<hbm>> -> memref<1024xf32, #tpu.memory_space<hbm>>
      %dma_start3A_444 = tpu.memref_slice %arg9[%dma_start3A_437] : memref<2x!tpu.dma_semaphore, #tpu.memory_space<semaphore_mem>> -> memref<1x!tpu.dma_semaphore, #tpu.memory_space<semaphore_mem>>
      %dma_start3A_445 = tpu.memref_squeeze %dma_start3A_444 : memref<1x!tpu.dma_semaphore, #tpu.memory_space<semaphore_mem>> -> memref<!tpu.dma_semaphore, #tpu.memory_space<semaphore_mem>>
      %dma_start3A_446 = arith.constant 0 : i32
      %dma_start3A_447 = tpu.memref_slice %arg4[%select_n3A_398, %dma_start3A_436, %rem3A_400, %dma_start3A_446] : memref<220x4x32x1024xf32, #tpu.memory_space<hbm>> -> memref<1x1x1x1024xf32, #tpu.memory_space<hbm>>
      %dma_start3A_448 = tpu.memref_squeeze %dma_start3A_447 : memref<1x1x1x1024xf32, #tpu.memory_space<hbm>> -> memref<1024xf32, #tpu.memory_space<hbm>>
      %dma_start3A_449 = arith.constant 2048 : i32
      %dma_start3A_450 = tpu.memref_slice %arg7[%dma_start3A_435, %dma_start3A_449] : memref<2x4096xf32, #tpu.memory_space<vmem>> -> memref<1x1024xf32, #tpu.memory_space<vmem>>
      %dma_start3A_451 = tpu.memref_squeeze %dma_start3A_450 : memref<1x1024xf32, #tpu.memory_space<vmem>> -> memref<1024xf32, #tpu.memory_space<vmem>>
      tpu.enqueue_dma source(%dma_start3A_451 : memref<1024xf32, #tpu.memory_space<vmem>>) target(%dma_start3A_448 : memref<1024xf32, #tpu.memory_space<hbm>>) target_semaphore(%dma_start3A_445 : memref<!tpu.dma_semaphore, #tpu.memory_space<semaphore_mem>>)
      %dma_start3A_452 = arith.constant 1 : i32
      %dma_start3A_453 = arith.constant 3 : i32
      %dma_start3A_454 = arith.constant 1 : i32
      %dma_start3A_455 = arith.constant 3072 : i32
      %dma_start3A_456 = tpu.memref_slice %arg7[%dma_start3A_452, %dma_start3A_455] : memref<2x4096xf32, #tpu.memory_space<vmem>> -> memref<1x1024xf32, #tpu.memory_space<vmem>>
      %dma_start3A_457 = tpu.memref_squeeze %dma_start3A_456 : memref<1x1024xf32, #tpu.memory_space<vmem>> -> memref<1024xf32, #tpu.memory_space<vmem>>
      %dma_start3A_458 = arith.constant 0 : i32
      %dma_start3A_459 = tpu.memref_slice %arg4[%select_n3A_398, %dma_start3A_453, %rem3A_400, %dma_start3A_458] : memref<220x4x32x1024xf32, #tpu.memory_space<hbm>> -> memref<1x1x1x1024xf32, #tpu.memory_space<hbm>>
      %dma_start3A_460 = tpu.memref_squeeze %dma_start3A_459 : memref<1x1x1x1024xf32, #tpu.memory_space<hbm>> -> memref<1024xf32, #tpu.memory_space<hbm>>
      %dma_start3A_461 = tpu.memref_slice %arg9[%dma_start3A_454] : memref<2x!tpu.dma_semaphore, #tpu.memory_space<semaphore_mem>> -> memref<1x!tpu.dma_semaphore, #tpu.memory_space<semaphore_mem>>
      %dma_start3A_462 = tpu.memref_squeeze %dma_start3A_461 : memref<1x!tpu.dma_semaphore, #tpu.memory_space<semaphore_mem>> -> memref<!tpu.dma_semaphore, #tpu.memory_space<semaphore_mem>>
      %dma_start3A_463 = arith.constant 0 : i32
      %dma_start3A_464 = tpu.memref_slice %arg4[%select_n3A_398, %dma_start3A_453, %rem3A_400, %dma_start3A_463] : memref<220x4x32x1024xf32, #tpu.memory_space<hbm>> -> memref<1x1x1x1024xf32, #tpu.memory_space<hbm>>
      %dma_start3A_465 = tpu.memref_squeeze %dma_start3A_464 : memref<1x1x1x1024xf32, #tpu.memory_space<hbm>> -> memref<1024xf32, #tpu.memory_space<hbm>>
      %dma_start3A_466 = arith.constant 3072 : i32
      %dma_start3A_467 = tpu.memref_slice %arg7[%dma_start3A_452, %dma_start3A_466] : memref<2x4096xf32, #tpu.memory_space<vmem>> -> memref<1x1024xf32, #tpu.memory_space<vmem>>
      %dma_start3A_468 = tpu.memref_squeeze %dma_start3A_467 : memref<1x1024xf32, #tpu.memory_space<vmem>> -> memref<1024xf32, #tpu.memory_space<vmem>>
      tpu.enqueue_dma source(%dma_start3A_468 : memref<1024xf32, #tpu.memory_space<vmem>>) target(%dma_start3A_465 : memref<1024xf32, #tpu.memory_space<hbm>>) target_semaphore(%dma_start3A_462 : memref<!tpu.dma_semaphore, #tpu.memory_space<semaphore_mem>>)
      %add3A_469 = arith.constant 4 : i32
      %add3A_470 = arith.addi %add3A_346, %add3A_469 : i32
      %lt3A_471 = arith.constant 220 : i32
      %lt3A_472 = arith.cmpi slt, %add3A_470, %lt3A_471 : i32
      %convert_element_type3A_473 = arith.extui %lt3A_472 : i1 to i32
      %cond3A_474 = arith.constant 0 : i32
      %cond3A_475 = arith.cmpi ne, %convert_element_type3A_473, %cond3A_474 : i32
      scf.if %cond3A_475 {
        %add3A_742 = arith.constant 4 : i32
        %add3A_743 = arith.addi %add3A_346, %add3A_742 : i32
        %dma_start3A_744 = arith.constant 1 : i32
        %dma_start3A_745 = arith.constant 1 : i32
        %dma_start3A_746 = arith.constant 0 : i32
        %dma_start3A_747 = arith.constant 0 : i32
        %dma_start3A_748 = tpu.memref_slice %arg6[%dma_start3A_744, %dma_start3A_746, %dma_start3A_747] : memref<4x128x32xf32, #tpu.memory_space<vmem>> -> memref<1x128x32xf32, #tpu.memory_space<vmem>>
        %dma_start3A_749 = tpu.memref_squeeze %dma_start3A_748 : memref<1x128x32xf32, #tpu.memory_space<vmem>> -> memref<128x32xf32, #tpu.memory_space<vmem>>
        %dma_start3A_750 = arith.constant 0 : i32
        %dma_start3A_751 = tpu.memref_slice %arg5[%add3A_743, %dma_start3A_750] : memref<220x128xi32, #tpu.memory_space<vmem>> -> memref<1x128xi32, #tpu.memory_space<vmem>>
        %dma_start3A_752 = tpu.memref_squeeze %dma_start3A_751 : memref<1x128xi32, #tpu.memory_space<vmem>> -> memref<128xi32, #tpu.memory_space<vmem>>
        %dma_start3A_753 = arith.constant 0 : i32
        %dma_start3A_754 = arith.constant 0 : i32
        %dma_start3A_755 = tpu.memref_slice %arg2[%dma_start3A_753, %dma_start3A_754] : memref<1000000x32xf32, #tpu.memory_space<hbm>> -> memref<1000000x32xf32, #tpu.memory_space<hbm>>
        %dma_start3A_756 = tpu.memref_slice %arg8[%dma_start3A_745] : memref<4x!tpu.dma_semaphore, #tpu.memory_space<semaphore_mem>> -> memref<1x!tpu.dma_semaphore, #tpu.memory_space<semaphore_mem>>
        %dma_start3A_757 = tpu.memref_squeeze %dma_start3A_756 : memref<1x!tpu.dma_semaphore, #tpu.memory_space<semaphore_mem>> -> memref<!tpu.dma_semaphore, #tpu.memory_space<semaphore_mem>>
        tpu.enqueue_indirect_dma source(%dma_start3A_755 : memref<1000000x32xf32, #tpu.memory_space<hbm>>) target(%dma_start3A_749 : memref<128x32xf32, #tpu.memory_space<vmem>>) offsets(%dma_start3A_752 : memref<128xi32, #tpu.memory_space<vmem>>) semaphore(%dma_start3A_757 : memref<!tpu.dma_semaphore, #tpu.memory_space<semaphore_mem>>)
      } else {
      }
      %mul3A_476 = arith.constant 4 : i32
      %mul3A_477 = arith.muli %scan3A_221, %mul3A_476 : i32
      %add3A_478 = arith.constant 2 : i32
      %add3A_479 = arith.addi %mul3A_477, %add3A_478 : i32
      %dma_wait3A_480 = arith.constant 0 : i32
      %dma_wait3A_481 = arith.constant 2 : i32
      %dma_wait3A_482 = arith.constant 2 : i32
      %dma_wait3A_483 = arith.constant 0 : i32
      %dma_wait3A_484 = arith.constant 0 : i32
      %dma_wait3A_485 = tpu.memref_slice %arg6[%dma_wait3A_481, %dma_wait3A_483, %dma_wait3A_484] : memref<4x128x32xf32, #tpu.memory_space<vmem>> -> memref<1x128x32xf32, #tpu.memory_space<vmem>>
      %dma_wait3A_486 = tpu.memref_squeeze %dma_wait3A_485 : memref<1x128x32xf32, #tpu.memory_space<vmem>> -> memref<128x32xf32, #tpu.memory_space<vmem>>
      %dma_wait3A_487 = arith.constant 0 : i32
      %dma_wait3A_488 = tpu.memref_slice %arg5[%dma_wait3A_480, %dma_wait3A_487] : memref<220x128xi32, #tpu.memory_space<vmem>> -> memref<1x128xi32, #tpu.memory_space<vmem>>
      %dma_wait3A_489 = tpu.memref_squeeze %dma_wait3A_488 : memref<1x128xi32, #tpu.memory_space<vmem>> -> memref<128xi32, #tpu.memory_space<vmem>>
      %dma_wait3A_490 = arith.constant 0 : i32
      %dma_wait3A_491 = arith.constant 0 : i32
      %dma_wait3A_492 = tpu.memref_slice %arg2[%dma_wait3A_490, %dma_wait3A_491] : memref<1000000x32xf32, #tpu.memory_space<hbm>> -> memref<1000000x32xf32, #tpu.memory_space<hbm>>
      %dma_wait3A_493 = tpu.memref_slice %arg8[%dma_wait3A_482] : memref<4x!tpu.dma_semaphore, #tpu.memory_space<semaphore_mem>> -> memref<1x!tpu.dma_semaphore, #tpu.memory_space<semaphore_mem>>
      %dma_wait3A_494 = tpu.memref_squeeze %dma_wait3A_493 : memref<1x!tpu.dma_semaphore, #tpu.memory_space<semaphore_mem>> -> memref<!tpu.dma_semaphore, #tpu.memory_space<semaphore_mem>>
      tpu.wait_indirect_dma semaphore(%dma_wait3A_494 : memref<!tpu.dma_semaphore, #tpu.memory_space<semaphore_mem>>) src(%dma_wait3A_492 : memref<1000000x32xf32, #tpu.memory_space<hbm>>) dst(%dma_wait3A_486 : memref<128x32xf32, #tpu.memory_space<vmem>>)
      %ge3A_495 = arith.constant 2 : i32
      %ge3A_496 = arith.cmpi sge, %add3A_479, %ge3A_495 : i32
      %convert_element_type3A_497 = arith.extui %ge3A_496 : i1 to i32
      %cond3A_498 = arith.constant 0 : i32
      %cond3A_499 = arith.cmpi ne, %convert_element_type3A_497, %cond3A_498 : i32
      scf.if %cond3A_499 {
        %dma_wait3A_742 = arith.constant 0 : i32
        %dma_wait3A_743 = arith.constant 0 : i32
        %dma_wait3A_744 = arith.constant 0 : i32
        %dma_wait3A_745 = arith.constant 0 : i32
        %dma_wait3A_746 = arith.constant 0 : i32
        %dma_wait3A_747 = arith.constant 0 : i32
        %dma_wait3A_748 = tpu.memref_slice %arg7[%dma_wait3A_742, %dma_wait3A_747] : memref<2x4096xf32, #tpu.memory_space<vmem>> -> memref<1x1024xf32, #tpu.memory_space<vmem>>
        %dma_wait3A_749 = tpu.memref_squeeze %dma_wait3A_748 : memref<1x1024xf32, #tpu.memory_space<vmem>> -> memref<1024xf32, #tpu.memory_space<vmem>>
        %dma_wait3A_750 = arith.constant 0 : i32
        %dma_wait3A_751 = tpu.memref_slice %arg4[%dma_wait3A_743, %dma_wait3A_744, %dma_wait3A_745, %dma_wait3A_750] : memref<220x4x32x1024xf32, #tpu.memory_space<hbm>> -> memref<1x1x1x1024xf32, #tpu.memory_space<hbm>>
        %dma_wait3A_752 = tpu.memref_squeeze %dma_wait3A_751 : memref<1x1x1x1024xf32, #tpu.memory_space<hbm>> -> memref<1024xf32, #tpu.memory_space<hbm>>
        %dma_wait3A_753 = tpu.memref_slice %arg9[%dma_wait3A_746] : memref<2x!tpu.dma_semaphore, #tpu.memory_space<semaphore_mem>> -> memref<1x!tpu.dma_semaphore, #tpu.memory_space<semaphore_mem>>
        %dma_wait3A_754 = tpu.memref_squeeze %dma_wait3A_753 : memref<1x!tpu.dma_semaphore, #tpu.memory_space<semaphore_mem>> -> memref<!tpu.dma_semaphore, #tpu.memory_space<semaphore_mem>>
        %dma_wait3A_755 = arith.constant 0 : i32
        %dma_wait3A_756 = tpu.memref_slice %arg4[%dma_wait3A_743, %dma_wait3A_744, %dma_wait3A_745, %dma_wait3A_755] : memref<220x4x32x1024xf32, #tpu.memory_space<hbm>> -> memref<1x1x1x1024xf32, #tpu.memory_space<hbm>>
        %dma_wait3A_757 = tpu.memref_squeeze %dma_wait3A_756 : memref<1x1x1x1024xf32, #tpu.memory_space<hbm>> -> memref<1024xf32, #tpu.memory_space<hbm>>
        %dma_wait3A_758 = arith.constant 0 : i32
        %dma_wait3A_759 = tpu.memref_slice %arg7[%dma_wait3A_742, %dma_wait3A_758] : memref<2x4096xf32, #tpu.memory_space<vmem>> -> memref<1x1024xf32, #tpu.memory_space<vmem>>
        %dma_wait3A_760 = tpu.memref_squeeze %dma_wait3A_759 : memref<1x1024xf32, #tpu.memory_space<vmem>> -> memref<1024xf32, #tpu.memory_space<vmem>>
        tpu.wait_dma2 semaphore(%dma_wait3A_754 : memref<!tpu.dma_semaphore, #tpu.memory_space<semaphore_mem>>) src(%dma_wait3A_760 : memref<1024xf32, #tpu.memory_space<vmem>>) dst(%dma_wait3A_757 : memref<1024xf32, #tpu.memory_space<hbm>>)
        %dma_wait3A_761 = arith.constant 0 : i32
        %dma_wait3A_762 = arith.constant 0 : i32
        %dma_wait3A_763 = arith.constant 1 : i32
        %dma_wait3A_764 = arith.constant 0 : i32
        %dma_wait3A_765 = arith.constant 0 : i32
        %dma_wait3A_766 = arith.constant 1024 : i32
        %dma_wait3A_767 = tpu.memref_slice %arg7[%dma_wait3A_761, %dma_wait3A_766] : memref<2x4096xf32, #tpu.memory_space<vmem>> -> memref<1x1024xf32, #tpu.memory_space<vmem>>
        %dma_wait3A_768 = tpu.memref_squeeze %dma_wait3A_767 : memref<1x1024xf32, #tpu.memory_space<vmem>> -> memref<1024xf32, #tpu.memory_space<vmem>>
        %dma_wait3A_769 = arith.constant 0 : i32
        %dma_wait3A_770 = tpu.memref_slice %arg4[%dma_wait3A_762, %dma_wait3A_763, %dma_wait3A_764, %dma_wait3A_769] : memref<220x4x32x1024xf32, #tpu.memory_space<hbm>> -> memref<1x1x1x1024xf32, #tpu.memory_space<hbm>>
        %dma_wait3A_771 = tpu.memref_squeeze %dma_wait3A_770 : memref<1x1x1x1024xf32, #tpu.memory_space<hbm>> -> memref<1024xf32, #tpu.memory_space<hbm>>
        %dma_wait3A_772 = tpu.memref_slice %arg9[%dma_wait3A_765] : memref<2x!tpu.dma_semaphore, #tpu.memory_space<semaphore_mem>> -> memref<1x!tpu.dma_semaphore, #tpu.memory_space<semaphore_mem>>
        %dma_wait3A_773 = tpu.memref_squeeze %dma_wait3A_772 : memref<1x!tpu.dma_semaphore, #tpu.memory_space<semaphore_mem>> -> memref<!tpu.dma_semaphore, #tpu.memory_space<semaphore_mem>>
        %dma_wait3A_774 = arith.constant 0 : i32
        %dma_wait3A_775 = tpu.memref_slice %arg4[%dma_wait3A_762, %dma_wait3A_763, %dma_wait3A_764, %dma_wait3A_774] : memref<220x4x32x1024xf32, #tpu.memory_space<hbm>> -> memref<1x1x1x1024xf32, #tpu.memory_space<hbm>>
        %dma_wait3A_776 = tpu.memref_squeeze %dma_wait3A_775 : memref<1x1x1x1024xf32, #tpu.memory_space<hbm>> -> memref<1024xf32, #tpu.memory_space<hbm>>
        %dma_wait3A_777 = arith.constant 1024 : i32
        %dma_wait3A_778 = tpu.memref_slice %arg7[%dma_wait3A_761, %dma_wait3A_777] : memref<2x4096xf32, #tpu.memory_space<vmem>> -> memref<1x1024xf32, #tpu.memory_space<vmem>>
        %dma_wait3A_779 = tpu.memref_squeeze %dma_wait3A_778 : memref<1x1024xf32, #tpu.memory_space<vmem>> -> memref<1024xf32, #tpu.memory_space<vmem>>
        tpu.wait_dma2 semaphore(%dma_wait3A_773 : memref<!tpu.dma_semaphore, #tpu.memory_space<semaphore_mem>>) src(%dma_wait3A_779 : memref<1024xf32, #tpu.memory_space<vmem>>) dst(%dma_wait3A_776 : memref<1024xf32, #tpu.memory_space<hbm>>)
        %dma_wait3A_780 = arith.constant 0 : i32
        %dma_wait3A_781 = arith.constant 0 : i32
        %dma_wait3A_782 = arith.constant 2 : i32
        %dma_wait3A_783 = arith.constant 0 : i32
        %dma_wait3A_784 = arith.constant 0 : i32
        %dma_wait3A_785 = arith.constant 2048 : i32
        %dma_wait3A_786 = tpu.memref_slice %arg7[%dma_wait3A_780, %dma_wait3A_785] : memref<2x4096xf32, #tpu.memory_space<vmem>> -> memref<1x1024xf32, #tpu.memory_space<vmem>>
        %dma_wait3A_787 = tpu.memref_squeeze %dma_wait3A_786 : memref<1x1024xf32, #tpu.memory_space<vmem>> -> memref<1024xf32, #tpu.memory_space<vmem>>
        %dma_wait3A_788 = arith.constant 0 : i32
        %dma_wait3A_789 = tpu.memref_slice %arg4[%dma_wait3A_781, %dma_wait3A_782, %dma_wait3A_783, %dma_wait3A_788] : memref<220x4x32x1024xf32, #tpu.memory_space<hbm>> -> memref<1x1x1x1024xf32, #tpu.memory_space<hbm>>
        %dma_wait3A_790 = tpu.memref_squeeze %dma_wait3A_789 : memref<1x1x1x1024xf32, #tpu.memory_space<hbm>> -> memref<1024xf32, #tpu.memory_space<hbm>>
        %dma_wait3A_791 = tpu.memref_slice %arg9[%dma_wait3A_784] : memref<2x!tpu.dma_semaphore, #tpu.memory_space<semaphore_mem>> -> memref<1x!tpu.dma_semaphore, #tpu.memory_space<semaphore_mem>>
        %dma_wait3A_792 = tpu.memref_squeeze %dma_wait3A_791 : memref<1x!tpu.dma_semaphore, #tpu.memory_space<semaphore_mem>> -> memref<!tpu.dma_semaphore, #tpu.memory_space<semaphore_mem>>
        %dma_wait3A_793 = arith.constant 0 : i32
        %dma_wait3A_794 = tpu.memref_slice %arg4[%dma_wait3A_781, %dma_wait3A_782, %dma_wait3A_783, %dma_wait3A_793] : memref<220x4x32x1024xf32, #tpu.memory_space<hbm>> -> memref<1x1x1x1024xf32, #tpu.memory_space<hbm>>
        %dma_wait3A_795 = tpu.memref_squeeze %dma_wait3A_794 : memref<1x1x1x1024xf32, #tpu.memory_space<hbm>> -> memref<1024xf32, #tpu.memory_space<hbm>>
        %dma_wait3A_796 = arith.constant 2048 : i32
        %dma_wait3A_797 = tpu.memref_slice %arg7[%dma_wait3A_780, %dma_wait3A_796] : memref<2x4096xf32, #tpu.memory_space<vmem>> -> memref<1x1024xf32, #tpu.memory_space<vmem>>
        %dma_wait3A_798 = tpu.memref_squeeze %dma_wait3A_797 : memref<1x1024xf32, #tpu.memory_space<vmem>> -> memref<1024xf32, #tpu.memory_space<vmem>>
        tpu.wait_dma2 semaphore(%dma_wait3A_792 : memref<!tpu.dma_semaphore, #tpu.memory_space<semaphore_mem>>) src(%dma_wait3A_798 : memref<1024xf32, #tpu.memory_space<vmem>>) dst(%dma_wait3A_795 : memref<1024xf32, #tpu.memory_space<hbm>>)
        %dma_wait3A_799 = arith.constant 0 : i32
        %dma_wait3A_800 = arith.constant 0 : i32
        %dma_wait3A_801 = arith.constant 3 : i32
        %dma_wait3A_802 = arith.constant 0 : i32
        %dma_wait3A_803 = arith.constant 0 : i32
        %dma_wait3A_804 = arith.constant 3072 : i32
        %dma_wait3A_805 = tpu.memref_slice %arg7[%dma_wait3A_799, %dma_wait3A_804] : memref<2x4096xf32, #tpu.memory_space<vmem>> -> memref<1x1024xf32, #tpu.memory_space<vmem>>
        %dma_wait3A_806 = tpu.memref_squeeze %dma_wait3A_805 : memref<1x1024xf32, #tpu.memory_space<vmem>> -> memref<1024xf32, #tpu.memory_space<vmem>>
        %dma_wait3A_807 = arith.constant 0 : i32
        %dma_wait3A_808 = tpu.memref_slice %arg4[%dma_wait3A_800, %dma_wait3A_801, %dma_wait3A_802, %dma_wait3A_807] : memref<220x4x32x1024xf32, #tpu.memory_space<hbm>> -> memref<1x1x1x1024xf32, #tpu.memory_space<hbm>>
        %dma_wait3A_809 = tpu.memref_squeeze %dma_wait3A_808 : memref<1x1x1x1024xf32, #tpu.memory_space<hbm>> -> memref<1024xf32, #tpu.memory_space<hbm>>
        %dma_wait3A_810 = tpu.memref_slice %arg9[%dma_wait3A_803] : memref<2x!tpu.dma_semaphore, #tpu.memory_space<semaphore_mem>> -> memref<1x!tpu.dma_semaphore, #tpu.memory_space<semaphore_mem>>
        %dma_wait3A_811 = tpu.memref_squeeze %dma_wait3A_810 : memref<1x!tpu.dma_semaphore, #tpu.memory_space<semaphore_mem>> -> memref<!tpu.dma_semaphore, #tpu.memory_space<semaphore_mem>>
        %dma_wait3A_812 = arith.constant 0 : i32
        %dma_wait3A_813 = tpu.memref_slice %arg4[%dma_wait3A_800, %dma_wait3A_801, %dma_wait3A_802, %dma_wait3A_812] : memref<220x4x32x1024xf32, #tpu.memory_space<hbm>> -> memref<1x1x1x1024xf32, #tpu.memory_space<hbm>>
        %dma_wait3A_814 = tpu.memref_squeeze %dma_wait3A_813 : memref<1x1x1x1024xf32, #tpu.memory_space<hbm>> -> memref<1024xf32, #tpu.memory_space<hbm>>
        %dma_wait3A_815 = arith.constant 3072 : i32
        %dma_wait3A_816 = tpu.memref_slice %arg7[%dma_wait3A_799, %dma_wait3A_815] : memref<2x4096xf32, #tpu.memory_space<vmem>> -> memref<1x1024xf32, #tpu.memory_space<vmem>>
        %dma_wait3A_817 = tpu.memref_squeeze %dma_wait3A_816 : memref<1x1024xf32, #tpu.memory_space<vmem>> -> memref<1024xf32, #tpu.memory_space<vmem>>
        tpu.wait_dma2 semaphore(%dma_wait3A_811 : memref<!tpu.dma_semaphore, #tpu.memory_space<semaphore_mem>>) src(%dma_wait3A_817 : memref<1024xf32, #tpu.memory_space<vmem>>) dst(%dma_wait3A_814 : memref<1024xf32, #tpu.memory_space<hbm>>)
      } else {
      }
      %scan3A_500 = arith.constant 0 : i32
      %scan3A_501 = arith.constant 0 : i32
      %scan3A_502 = arith.constant 0 : i32
      %scan3A_503 = arith.constant 16 : i32
      %scan3A_504 = arith.addi %scan3A_502, %scan3A_503 : i32
      %scan3A_505 = arith.constant 1 : i32
      scf.for %scan3A_742 = %scan3A_502 to %scan3A_504 step %scan3A_505  : i32 {
        %add3A_743 = vector.broadcast %scan3A_742 : i32 to vector<16xi32>
        %add3A_744 = arith.addi %iota3A, %add3A_743 : vector<16xi32>
        %rem3A_745 = arith.constant 16 : i32
        %rem3A_746 = vector.broadcast %rem3A_745 : i32 to vector<16xi32>
        %rem3A_747 = arith.remsi %add3A_744, %rem3A_746 : vector<16xi32>
        %add3A_748 = arith.constant 0 : i32
        %add3A_749 = vector.broadcast %add3A_748 : i32 to vector<16xi32>
        %add3A_750 = arith.addi %add3A_749, %rem3A_747 : vector<16xi32>
        %mul3A_751 = arith.constant 128 : i32
        %mul3A_752 = vector.broadcast %mul3A_751 : i32 to vector<16xi32>
        %mul3A_753 = arith.muli %add3A_750, %mul3A_752 : vector<16xi32>
        %add3A_754 = arith.constant 0 : i32
        %add3A_755 = vector.broadcast %add3A_754 : i32 to vector<16xi32>
        %add3A_756 = arith.addi %add3A_755, %iota3A : vector<16xi32>
        %gather3A = arith.constant 2 : i32
        %gather3A_757 = arith.constant 0 : i32
        %gather3A_758 = arith.constant 0 : i32
        %gather3A_759 = tpu.memref_slice %arg6[%gather3A, %gather3A_757, %gather3A_758] : memref<4x128x32xf32, #tpu.memory_space<vmem>> -> memref<1x128x32xf32, #tpu.memory_space<vmem>>
        %gather3A_760 = tpu.memref_squeeze %gather3A_759 : memref<1x128x32xf32, #tpu.memory_space<vmem>> -> memref<128x32xf32, #tpu.memory_space<vmem>>
        %gather3A_761 = tpu.vector_load_idx %gather3A_760[%add3A_756, %add3A_750] : memref<128x32xf32, #tpu.memory_space<vmem>>[vector<16xi32>, vector<16xi32>], vector<16xf32>,
        %add3A_762 = arith.addi %mul3A_753, %add3A_756 : vector<16xi32>
        %scatter3A = arith.constant 0 : i32
        %scatter3A_763 = tpu.memref_slice %arg7[%scan3A_501, %scatter3A] : memref<2x4096xf32, #tpu.memory_space<vmem>> -> memref<1x4096xf32, #tpu.memory_space<vmem>>
        %scatter3A_764 = tpu.memref_squeeze %scatter3A_763 : memref<1x4096xf32, #tpu.memory_space<vmem>> -> memref<4096xf32, #tpu.memory_space<vmem>>
        tpu.vector_store_idx %scatter3A_764[%add3A_762], %gather3A_761 : memref<4096xf32, #tpu.memory_space<vmem>>[vector<16xi32>], vector<16xf32>,
        %add3A_765 = arith.constant 16 : i32
        %add3A_766 = vector.broadcast %add3A_765 : i32 to vector<16xi32>
        %add3A_767 = arith.addi %add3A_766, %iota3A : vector<16xi32>
        %gather3A_768 = arith.constant 2 : i32
        %gather3A_769 = arith.constant 0 : i32
        %gather3A_770 = arith.constant 0 : i32
        %gather3A_771 = tpu.memref_slice %arg6[%gather3A_768, %gather3A_769, %gather3A_770] : memref<4x128x32xf32, #tpu.memory_space<vmem>> -> memref<1x128x32xf32, #tpu.memory_space<vmem>>
        %gather3A_772 = tpu.memref_squeeze %gather3A_771 : memref<1x128x32xf32, #tpu.memory_space<vmem>> -> memref<128x32xf32, #tpu.memory_space<vmem>>
        %gather3A_773 = tpu.vector_load_idx %gather3A_772[%add3A_767, %add3A_750] : memref<128x32xf32, #tpu.memory_space<vmem>>[vector<16xi32>, vector<16xi32>], vector<16xf32>,
        %add3A_774 = arith.addi %mul3A_753, %add3A_767 : vector<16xi32>
        %scatter3A_775 = arith.constant 0 : i32
        %scatter3A_776 = tpu.memref_slice %arg7[%scan3A_501, %scatter3A_775] : memref<2x4096xf32, #tpu.memory_space<vmem>> -> memref<1x4096xf32, #tpu.memory_space<vmem>>
        %scatter3A_777 = tpu.memref_squeeze %scatter3A_776 : memref<1x4096xf32, #tpu.memory_space<vmem>> -> memref<4096xf32, #tpu.memory_space<vmem>>
        tpu.vector_store_idx %scatter3A_777[%add3A_774], %gather3A_773 : memref<4096xf32, #tpu.memory_space<vmem>>[vector<16xi32>], vector<16xf32>,
        %add3A_778 = arith.constant 32 : i32
        %add3A_779 = vector.broadcast %add3A_778 : i32 to vector<16xi32>
        %add3A_780 = arith.addi %add3A_779, %iota3A : vector<16xi32>
        %gather3A_781 = arith.constant 2 : i32
        %gather3A_782 = arith.constant 0 : i32
        %gather3A_783 = arith.constant 0 : i32
        %gather3A_784 = tpu.memref_slice %arg6[%gather3A_781, %gather3A_782, %gather3A_783] : memref<4x128x32xf32, #tpu.memory_space<vmem>> -> memref<1x128x32xf32, #tpu.memory_space<vmem>>
        %gather3A_785 = tpu.memref_squeeze %gather3A_784 : memref<1x128x32xf32, #tpu.memory_space<vmem>> -> memref<128x32xf32, #tpu.memory_space<vmem>>
        %gather3A_786 = tpu.vector_load_idx %gather3A_785[%add3A_780, %add3A_750] : memref<128x32xf32, #tpu.memory_space<vmem>>[vector<16xi32>, vector<16xi32>], vector<16xf32>,
        %add3A_787 = arith.addi %mul3A_753, %add3A_780 : vector<16xi32>
        %scatter3A_788 = arith.constant 0 : i32
        %scatter3A_789 = tpu.memref_slice %arg7[%scan3A_501, %scatter3A_788] : memref<2x4096xf32, #tpu.memory_space<vmem>> -> memref<1x4096xf32, #tpu.memory_space<vmem>>
        %scatter3A_790 = tpu.memref_squeeze %scatter3A_789 : memref<1x4096xf32, #tpu.memory_space<vmem>> -> memref<4096xf32, #tpu.memory_space<vmem>>
        tpu.vector_store_idx %scatter3A_790[%add3A_787], %gather3A_786 : memref<4096xf32, #tpu.memory_space<vmem>>[vector<16xi32>], vector<16xf32>,
        %add3A_791 = arith.constant 48 : i32
        %add3A_792 = vector.broadcast %add3A_791 : i32 to vector<16xi32>
        %add3A_793 = arith.addi %add3A_792, %iota3A : vector<16xi32>
        %gather3A_794 = arith.constant 2 : i32
        %gather3A_795 = arith.constant 0 : i32
        %gather3A_796 = arith.constant 0 : i32
        %gather3A_797 = tpu.memref_slice %arg6[%gather3A_794, %gather3A_795, %gather3A_796] : memref<4x128x32xf32, #tpu.memory_space<vmem>> -> memref<1x128x32xf32, #tpu.memory_space<vmem>>
        %gather3A_798 = tpu.memref_squeeze %gather3A_797 : memref<1x128x32xf32, #tpu.memory_space<vmem>> -> memref<128x32xf32, #tpu.memory_space<vmem>>
        %gather3A_799 = tpu.vector_load_idx %gather3A_798[%add3A_793, %add3A_750] : memref<128x32xf32, #tpu.memory_space<vmem>>[vector<16xi32>, vector<16xi32>], vector<16xf32>,
        %add3A_800 = arith.addi %mul3A_753, %add3A_793 : vector<16xi32>
        %scatter3A_801 = arith.constant 0 : i32
        %scatter3A_802 = tpu.memref_slice %arg7[%scan3A_501, %scatter3A_801] : memref<2x4096xf32, #tpu.memory_space<vmem>> -> memref<1x4096xf32, #tpu.memory_space<vmem>>
        %scatter3A_803 = tpu.memref_squeeze %scatter3A_802 : memref<1x4096xf32, #tpu.memory_space<vmem>> -> memref<4096xf32, #tpu.memory_space<vmem>>
        tpu.vector_store_idx %scatter3A_803[%add3A_800], %gather3A_799 : memref<4096xf32, #tpu.memory_space<vmem>>[vector<16xi32>], vector<16xf32>,
        %add3A_804 = arith.constant 64 : i32
        %add3A_805 = vector.broadcast %add3A_804 : i32 to vector<16xi32>
        %add3A_806 = arith.addi %add3A_805, %iota3A : vector<16xi32>
        %gather3A_807 = arith.constant 2 : i32
        %gather3A_808 = arith.constant 0 : i32
        %gather3A_809 = arith.constant 0 : i32
        %gather3A_810 = tpu.memref_slice %arg6[%gather3A_807, %gather3A_808, %gather3A_809] : memref<4x128x32xf32, #tpu.memory_space<vmem>> -> memref<1x128x32xf32, #tpu.memory_space<vmem>>
        %gather3A_811 = tpu.memref_squeeze %gather3A_810 : memref<1x128x32xf32, #tpu.memory_space<vmem>> -> memref<128x32xf32, #tpu.memory_space<vmem>>
        %gather3A_812 = tpu.vector_load_idx %gather3A_811[%add3A_806, %add3A_750] : memref<128x32xf32, #tpu.memory_space<vmem>>[vector<16xi32>, vector<16xi32>], vector<16xf32>,
        %add3A_813 = arith.addi %mul3A_753, %add3A_806 : vector<16xi32>
        %scatter3A_814 = arith.constant 0 : i32
        %scatter3A_815 = tpu.memref_slice %arg7[%scan3A_501, %scatter3A_814] : memref<2x4096xf32, #tpu.memory_space<vmem>> -> memref<1x4096xf32, #tpu.memory_space<vmem>>
        %scatter3A_816 = tpu.memref_squeeze %scatter3A_815 : memref<1x4096xf32, #tpu.memory_space<vmem>> -> memref<4096xf32, #tpu.memory_space<vmem>>
        tpu.vector_store_idx %scatter3A_816[%add3A_813], %gather3A_812 : memref<4096xf32, #tpu.memory_space<vmem>>[vector<16xi32>], vector<16xf32>,
        %add3A_817 = arith.constant 80 : i32
        %add3A_818 = vector.broadcast %add3A_817 : i32 to vector<16xi32>
        %add3A_819 = arith.addi %add3A_818, %iota3A : vector<16xi32>
        %gather3A_820 = arith.constant 2 : i32
        %gather3A_821 = arith.constant 0 : i32
        %gather3A_822 = arith.constant 0 : i32
        %gather3A_823 = tpu.memref_slice %arg6[%gather3A_820, %gather3A_821, %gather3A_822] : memref<4x128x32xf32, #tpu.memory_space<vmem>> -> memref<1x128x32xf32, #tpu.memory_space<vmem>>
        %gather3A_824 = tpu.memref_squeeze %gather3A_823 : memref<1x128x32xf32, #tpu.memory_space<vmem>> -> memref<128x32xf32, #tpu.memory_space<vmem>>
        %gather3A_825 = tpu.vector_load_idx %gather3A_824[%add3A_819, %add3A_750] : memref<128x32xf32, #tpu.memory_space<vmem>>[vector<16xi32>, vector<16xi32>], vector<16xf32>,
        %add3A_826 = arith.addi %mul3A_753, %add3A_819 : vector<16xi32>
        %scatter3A_827 = arith.constant 0 : i32
        %scatter3A_828 = tpu.memref_slice %arg7[%scan3A_501, %scatter3A_827] : memref<2x4096xf32, #tpu.memory_space<vmem>> -> memref<1x4096xf32, #tpu.memory_space<vmem>>
        %scatter3A_829 = tpu.memref_squeeze %scatter3A_828 : memref<1x4096xf32, #tpu.memory_space<vmem>> -> memref<4096xf32, #tpu.memory_space<vmem>>
        tpu.vector_store_idx %scatter3A_829[%add3A_826], %gather3A_825 : memref<4096xf32, #tpu.memory_space<vmem>>[vector<16xi32>], vector<16xf32>,
        %add3A_830 = arith.constant 96 : i32
        %add3A_831 = vector.broadcast %add3A_830 : i32 to vector<16xi32>
        %add3A_832 = arith.addi %add3A_831, %iota3A : vector<16xi32>
        %gather3A_833 = arith.constant 2 : i32
        %gather3A_834 = arith.constant 0 : i32
        %gather3A_835 = arith.constant 0 : i32
        %gather3A_836 = tpu.memref_slice %arg6[%gather3A_833, %gather3A_834, %gather3A_835] : memref<4x128x32xf32, #tpu.memory_space<vmem>> -> memref<1x128x32xf32, #tpu.memory_space<vmem>>
        %gather3A_837 = tpu.memref_squeeze %gather3A_836 : memref<1x128x32xf32, #tpu.memory_space<vmem>> -> memref<128x32xf32, #tpu.memory_space<vmem>>
        %gather3A_838 = tpu.vector_load_idx %gather3A_837[%add3A_832, %add3A_750] : memref<128x32xf32, #tpu.memory_space<vmem>>[vector<16xi32>, vector<16xi32>], vector<16xf32>,
        %add3A_839 = arith.addi %mul3A_753, %add3A_832 : vector<16xi32>
        %scatter3A_840 = arith.constant 0 : i32
        %scatter3A_841 = tpu.memref_slice %arg7[%scan3A_501, %scatter3A_840] : memref<2x4096xf32, #tpu.memory_space<vmem>> -> memref<1x4096xf32, #tpu.memory_space<vmem>>
        %scatter3A_842 = tpu.memref_squeeze %scatter3A_841 : memref<1x4096xf32, #tpu.memory_space<vmem>> -> memref<4096xf32, #tpu.memory_space<vmem>>
        tpu.vector_store_idx %scatter3A_842[%add3A_839], %gather3A_838 : memref<4096xf32, #tpu.memory_space<vmem>>[vector<16xi32>], vector<16xf32>,
        %add3A_843 = arith.constant 112 : i32
        %add3A_844 = vector.broadcast %add3A_843 : i32 to vector<16xi32>
        %add3A_845 = arith.addi %add3A_844, %iota3A : vector<16xi32>
        %gather3A_846 = arith.constant 2 : i32
        %gather3A_847 = arith.constant 0 : i32
        %gather3A_848 = arith.constant 0 : i32
        %gather3A_849 = tpu.memref_slice %arg6[%gather3A_846, %gather3A_847, %gather3A_848] : memref<4x128x32xf32, #tpu.memory_space<vmem>> -> memref<1x128x32xf32, #tpu.memory_space<vmem>>
        %gather3A_850 = tpu.memref_squeeze %gather3A_849 : memref<1x128x32xf32, #tpu.memory_space<vmem>> -> memref<128x32xf32, #tpu.memory_space<vmem>>
        %gather3A_851 = tpu.vector_load_idx %gather3A_850[%add3A_845, %add3A_750] : memref<128x32xf32, #tpu.memory_space<vmem>>[vector<16xi32>, vector<16xi32>], vector<16xf32>,
        %add3A_852 = arith.addi %mul3A_753, %add3A_845 : vector<16xi32>
        %scatter3A_853 = arith.constant 0 : i32
        %scatter3A_854 = tpu.memref_slice %arg7[%scan3A_501, %scatter3A_853] : memref<2x4096xf32, #tpu.memory_space<vmem>> -> memref<1x4096xf32, #tpu.memory_space<vmem>>
        %scatter3A_855 = tpu.memref_squeeze %scatter3A_854 : memref<1x4096xf32, #tpu.memory_space<vmem>> -> memref<4096xf32, #tpu.memory_space<vmem>>
        tpu.vector_store_idx %scatter3A_855[%add3A_852], %gather3A_851 : memref<4096xf32, #tpu.memory_space<vmem>>[vector<16xi32>], vector<16xf32>,
        %add3A_856 = arith.constant 16 : i32
        %add3A_857 = vector.broadcast %add3A_856 : i32 to vector<16xi32>
        %add3A_858 = arith.addi %add3A_857, %rem3A_747 : vector<16xi32>
        %mul3A_859 = arith.constant 128 : i32
        %mul3A_860 = vector.broadcast %mul3A_859 : i32 to vector<16xi32>
        %mul3A_861 = arith.muli %add3A_858, %mul3A_860 : vector<16xi32>
        %add3A_862 = arith.constant 0 : i32
        %add3A_863 = vector.broadcast %add3A_862 : i32 to vector<16xi32>
        %add3A_864 = arith.addi %add3A_863, %iota3A : vector<16xi32>
        %gather3A_865 = arith.constant 2 : i32
        %gather3A_866 = arith.constant 0 : i32
        %gather3A_867 = arith.constant 0 : i32
        %gather3A_868 = tpu.memref_slice %arg6[%gather3A_865, %gather3A_866, %gather3A_867] : memref<4x128x32xf32, #tpu.memory_space<vmem>> -> memref<1x128x32xf32, #tpu.memory_space<vmem>>
        %gather3A_869 = tpu.memref_squeeze %gather3A_868 : memref<1x128x32xf32, #tpu.memory_space<vmem>> -> memref<128x32xf32, #tpu.memory_space<vmem>>
        %gather3A_870 = tpu.vector_load_idx %gather3A_869[%add3A_864, %add3A_858] : memref<128x32xf32, #tpu.memory_space<vmem>>[vector<16xi32>, vector<16xi32>], vector<16xf32>,
        %add3A_871 = arith.addi %mul3A_861, %add3A_864 : vector<16xi32>
        %scatter3A_872 = arith.constant 0 : i32
        %scatter3A_873 = tpu.memref_slice %arg7[%scan3A_501, %scatter3A_872] : memref<2x4096xf32, #tpu.memory_space<vmem>> -> memref<1x4096xf32, #tpu.memory_space<vmem>>
        %scatter3A_874 = tpu.memref_squeeze %scatter3A_873 : memref<1x4096xf32, #tpu.memory_space<vmem>> -> memref<4096xf32, #tpu.memory_space<vmem>>
        tpu.vector_store_idx %scatter3A_874[%add3A_871], %gather3A_870 : memref<4096xf32, #tpu.memory_space<vmem>>[vector<16xi32>], vector<16xf32>,
        %add3A_875 = arith.constant 16 : i32
        %add3A_876 = vector.broadcast %add3A_875 : i32 to vector<16xi32>
        %add3A_877 = arith.addi %add3A_876, %iota3A : vector<16xi32>
        %gather3A_878 = arith.constant 2 : i32
        %gather3A_879 = arith.constant 0 : i32
        %gather3A_880 = arith.constant 0 : i32
        %gather3A_881 = tpu.memref_slice %arg6[%gather3A_878, %gather3A_879, %gather3A_880] : memref<4x128x32xf32, #tpu.memory_space<vmem>> -> memref<1x128x32xf32, #tpu.memory_space<vmem>>
        %gather3A_882 = tpu.memref_squeeze %gather3A_881 : memref<1x128x32xf32, #tpu.memory_space<vmem>> -> memref<128x32xf32, #tpu.memory_space<vmem>>
        %gather3A_883 = tpu.vector_load_idx %gather3A_882[%add3A_877, %add3A_858] : memref<128x32xf32, #tpu.memory_space<vmem>>[vector<16xi32>, vector<16xi32>], vector<16xf32>,
        %add3A_884 = arith.addi %mul3A_861, %add3A_877 : vector<16xi32>
        %scatter3A_885 = arith.constant 0 : i32
        %scatter3A_886 = tpu.memref_slice %arg7[%scan3A_501, %scatter3A_885] : memref<2x4096xf32, #tpu.memory_space<vmem>> -> memref<1x4096xf32, #tpu.memory_space<vmem>>
        %scatter3A_887 = tpu.memref_squeeze %scatter3A_886 : memref<1x4096xf32, #tpu.memory_space<vmem>> -> memref<4096xf32, #tpu.memory_space<vmem>>
        tpu.vector_store_idx %scatter3A_887[%add3A_884], %gather3A_883 : memref<4096xf32, #tpu.memory_space<vmem>>[vector<16xi32>], vector<16xf32>,
        %add3A_888 = arith.constant 32 : i32
        %add3A_889 = vector.broadcast %add3A_888 : i32 to vector<16xi32>
        %add3A_890 = arith.addi %add3A_889, %iota3A : vector<16xi32>
        %gather3A_891 = arith.constant 2 : i32
        %gather3A_892 = arith.constant 0 : i32
        %gather3A_893 = arith.constant 0 : i32
        %gather3A_894 = tpu.memref_slice %arg6[%gather3A_891, %gather3A_892, %gather3A_893] : memref<4x128x32xf32, #tpu.memory_space<vmem>> -> memref<1x128x32xf32, #tpu.memory_space<vmem>>
        %gather3A_895 = tpu.memref_squeeze %gather3A_894 : memref<1x128x32xf32, #tpu.memory_space<vmem>> -> memref<128x32xf32, #tpu.memory_space<vmem>>
        %gather3A_896 = tpu.vector_load_idx %gather3A_895[%add3A_890, %add3A_858] : memref<128x32xf32, #tpu.memory_space<vmem>>[vector<16xi32>, vector<16xi32>], vector<16xf32>,
        %add3A_897 = arith.addi %mul3A_861, %add3A_890 : vector<16xi32>
        %scatter3A_898 = arith.constant 0 : i32
        %scatter3A_899 = tpu.memref_slice %arg7[%scan3A_501, %scatter3A_898] : memref<2x4096xf32, #tpu.memory_space<vmem>> -> memref<1x4096xf32, #tpu.memory_space<vmem>>
        %scatter3A_900 = tpu.memref_squeeze %scatter3A_899 : memref<1x4096xf32, #tpu.memory_space<vmem>> -> memref<4096xf32, #tpu.memory_space<vmem>>
        tpu.vector_store_idx %scatter3A_900[%add3A_897], %gather3A_896 : memref<4096xf32, #tpu.memory_space<vmem>>[vector<16xi32>], vector<16xf32>,
        %add3A_901 = arith.constant 48 : i32
        %add3A_902 = vector.broadcast %add3A_901 : i32 to vector<16xi32>
        %add3A_903 = arith.addi %add3A_902, %iota3A : vector<16xi32>
        %gather3A_904 = arith.constant 2 : i32
        %gather3A_905 = arith.constant 0 : i32
        %gather3A_906 = arith.constant 0 : i32
        %gather3A_907 = tpu.memref_slice %arg6[%gather3A_904, %gather3A_905, %gather3A_906] : memref<4x128x32xf32, #tpu.memory_space<vmem>> -> memref<1x128x32xf32, #tpu.memory_space<vmem>>
        %gather3A_908 = tpu.memref_squeeze %gather3A_907 : memref<1x128x32xf32, #tpu.memory_space<vmem>> -> memref<128x32xf32, #tpu.memory_space<vmem>>
        %gather3A_909 = tpu.vector_load_idx %gather3A_908[%add3A_903, %add3A_858] : memref<128x32xf32, #tpu.memory_space<vmem>>[vector<16xi32>, vector<16xi32>], vector<16xf32>,
        %add3A_910 = arith.addi %mul3A_861, %add3A_903 : vector<16xi32>
        %scatter3A_911 = arith.constant 0 : i32
        %scatter3A_912 = tpu.memref_slice %arg7[%scan3A_501, %scatter3A_911] : memref<2x4096xf32, #tpu.memory_space<vmem>> -> memref<1x4096xf32, #tpu.memory_space<vmem>>
        %scatter3A_913 = tpu.memref_squeeze %scatter3A_912 : memref<1x4096xf32, #tpu.memory_space<vmem>> -> memref<4096xf32, #tpu.memory_space<vmem>>
        tpu.vector_store_idx %scatter3A_913[%add3A_910], %gather3A_909 : memref<4096xf32, #tpu.memory_space<vmem>>[vector<16xi32>], vector<16xf32>,
        %add3A_914 = arith.constant 64 : i32
        %add3A_915 = vector.broadcast %add3A_914 : i32 to vector<16xi32>
        %add3A_916 = arith.addi %add3A_915, %iota3A : vector<16xi32>
        %gather3A_917 = arith.constant 2 : i32
        %gather3A_918 = arith.constant 0 : i32
        %gather3A_919 = arith.constant 0 : i32
        %gather3A_920 = tpu.memref_slice %arg6[%gather3A_917, %gather3A_918, %gather3A_919] : memref<4x128x32xf32, #tpu.memory_space<vmem>> -> memref<1x128x32xf32, #tpu.memory_space<vmem>>
        %gather3A_921 = tpu.memref_squeeze %gather3A_920 : memref<1x128x32xf32, #tpu.memory_space<vmem>> -> memref<128x32xf32, #tpu.memory_space<vmem>>
        %gather3A_922 = tpu.vector_load_idx %gather3A_921[%add3A_916, %add3A_858] : memref<128x32xf32, #tpu.memory_space<vmem>>[vector<16xi32>, vector<16xi32>], vector<16xf32>,
        %add3A_923 = arith.addi %mul3A_861, %add3A_916 : vector<16xi32>
        %scatter3A_924 = arith.constant 0 : i32
        %scatter3A_925 = tpu.memref_slice %arg7[%scan3A_501, %scatter3A_924] : memref<2x4096xf32, #tpu.memory_space<vmem>> -> memref<1x4096xf32, #tpu.memory_space<vmem>>
        %scatter3A_926 = tpu.memref_squeeze %scatter3A_925 : memref<1x4096xf32, #tpu.memory_space<vmem>> -> memref<4096xf32, #tpu.memory_space<vmem>>
        tpu.vector_store_idx %scatter3A_926[%add3A_923], %gather3A_922 : memref<4096xf32, #tpu.memory_space<vmem>>[vector<16xi32>], vector<16xf32>,
        %add3A_927 = arith.constant 80 : i32
        %add3A_928 = vector.broadcast %add3A_927 : i32 to vector<16xi32>
        %add3A_929 = arith.addi %add3A_928, %iota3A : vector<16xi32>
        %gather3A_930 = arith.constant 2 : i32
        %gather3A_931 = arith.constant 0 : i32
        %gather3A_932 = arith.constant 0 : i32
        %gather3A_933 = tpu.memref_slice %arg6[%gather3A_930, %gather3A_931, %gather3A_932] : memref<4x128x32xf32, #tpu.memory_space<vmem>> -> memref<1x128x32xf32, #tpu.memory_space<vmem>>
        %gather3A_934 = tpu.memref_squeeze %gather3A_933 : memref<1x128x32xf32, #tpu.memory_space<vmem>> -> memref<128x32xf32, #tpu.memory_space<vmem>>
        %gather3A_935 = tpu.vector_load_idx %gather3A_934[%add3A_929, %add3A_858] : memref<128x32xf32, #tpu.memory_space<vmem>>[vector<16xi32>, vector<16xi32>], vector<16xf32>,
        %add3A_936 = arith.addi %mul3A_861, %add3A_929 : vector<16xi32>
        %scatter3A_937 = arith.constant 0 : i32
        %scatter3A_938 = tpu.memref_slice %arg7[%scan3A_501, %scatter3A_937] : memref<2x4096xf32, #tpu.memory_space<vmem>> -> memref<1x4096xf32, #tpu.memory_space<vmem>>
        %scatter3A_939 = tpu.memref_squeeze %scatter3A_938 : memref<1x4096xf32, #tpu.memory_space<vmem>> -> memref<4096xf32, #tpu.memory_space<vmem>>
        tpu.vector_store_idx %scatter3A_939[%add3A_936], %gather3A_935 : memref<4096xf32, #tpu.memory_space<vmem>>[vector<16xi32>], vector<16xf32>,
        %add3A_940 = arith.constant 96 : i32
        %add3A_941 = vector.broadcast %add3A_940 : i32 to vector<16xi32>
        %add3A_942 = arith.addi %add3A_941, %iota3A : vector<16xi32>
        %gather3A_943 = arith.constant 2 : i32
        %gather3A_944 = arith.constant 0 : i32
        %gather3A_945 = arith.constant 0 : i32
        %gather3A_946 = tpu.memref_slice %arg6[%gather3A_943, %gather3A_944, %gather3A_945] : memref<4x128x32xf32, #tpu.memory_space<vmem>> -> memref<1x128x32xf32, #tpu.memory_space<vmem>>
        %gather3A_947 = tpu.memref_squeeze %gather3A_946 : memref<1x128x32xf32, #tpu.memory_space<vmem>> -> memref<128x32xf32, #tpu.memory_space<vmem>>
        %gather3A_948 = tpu.vector_load_idx %gather3A_947[%add3A_942, %add3A_858] : memref<128x32xf32, #tpu.memory_space<vmem>>[vector<16xi32>, vector<16xi32>], vector<16xf32>,
        %add3A_949 = arith.addi %mul3A_861, %add3A_942 : vector<16xi32>
        %scatter3A_950 = arith.constant 0 : i32
        %scatter3A_951 = tpu.memref_slice %arg7[%scan3A_501, %scatter3A_950] : memref<2x4096xf32, #tpu.memory_space<vmem>> -> memref<1x4096xf32, #tpu.memory_space<vmem>>
        %scatter3A_952 = tpu.memref_squeeze %scatter3A_951 : memref<1x4096xf32, #tpu.memory_space<vmem>> -> memref<4096xf32, #tpu.memory_space<vmem>>
        tpu.vector_store_idx %scatter3A_952[%add3A_949], %gather3A_948 : memref<4096xf32, #tpu.memory_space<vmem>>[vector<16xi32>], vector<16xf32>,
        %add3A_953 = arith.constant 112 : i32
        %add3A_954 = vector.broadcast %add3A_953 : i32 to vector<16xi32>
        %add3A_955 = arith.addi %add3A_954, %iota3A : vector<16xi32>
        %gather3A_956 = arith.constant 2 : i32
        %gather3A_957 = arith.constant 0 : i32
        %gather3A_958 = arith.constant 0 : i32
        %gather3A_959 = tpu.memref_slice %arg6[%gather3A_956, %gather3A_957, %gather3A_958] : memref<4x128x32xf32, #tpu.memory_space<vmem>> -> memref<1x128x32xf32, #tpu.memory_space<vmem>>
        %gather3A_960 = tpu.memref_squeeze %gather3A_959 : memref<1x128x32xf32, #tpu.memory_space<vmem>> -> memref<128x32xf32, #tpu.memory_space<vmem>>
        %gather3A_961 = tpu.vector_load_idx %gather3A_960[%add3A_955, %add3A_858] : memref<128x32xf32, #tpu.memory_space<vmem>>[vector<16xi32>, vector<16xi32>], vector<16xf32>,
        %add3A_962 = arith.addi %mul3A_861, %add3A_955 : vector<16xi32>
        %scatter3A_963 = arith.constant 0 : i32
        %scatter3A_964 = tpu.memref_slice %arg7[%scan3A_501, %scatter3A_963] : memref<2x4096xf32, #tpu.memory_space<vmem>> -> memref<1x4096xf32, #tpu.memory_space<vmem>>
        %scatter3A_965 = tpu.memref_squeeze %scatter3A_964 : memref<1x4096xf32, #tpu.memory_space<vmem>> -> memref<4096xf32, #tpu.memory_space<vmem>>
        tpu.vector_store_idx %scatter3A_965[%add3A_962], %gather3A_961 : memref<4096xf32, #tpu.memory_space<vmem>>[vector<16xi32>], vector<16xf32>,
      }
      %scan3A_506 = arith.constant 16 : i32
      %add3A_507 = arith.addi %mul3A_2, %add3A_479 : i32
      %jit3A_508 = arith.constant 32 : i32
      %div3A_509 = arith.divsi %add3A_507, %jit3A_508 : i32
      %sign3A_510 = arith.constant 0 : i32
      %sign3A_511 = arith.cmpi sgt, %add3A_507, %sign3A_510 : i32
      %sign3A_512 = arith.extui %sign3A_511 : i1 to i32
      %sign3A_513 = arith.constant 0 : i32
      %sign3A_514 = arith.cmpi slt, %add3A_507, %sign3A_513 : i32
      %sign3A_515 = arith.extui %sign3A_514 : i1 to i32
      %sign3A_516 = arith.subi %sign3A_512, %sign3A_515 : i32
      %sign3A_517 = arith.constant 0 : i32
      %sign3A_518 = arith.cmpi sgt, %jit3A_508, %sign3A_517 : i32
      %sign3A_519 = arith.extui %sign3A_518 : i1 to i32
      %sign3A_520 = arith.constant 0 : i32
      %sign3A_521 = arith.cmpi slt, %jit3A_508, %sign3A_520 : i32
      %sign3A_522 = arith.extui %sign3A_521 : i1 to i32
      %sign3A_523 = arith.subi %sign3A_519, %sign3A_522 : i32
      %ne3A_524 = arith.cmpi ne, %sign3A_516, %sign3A_523 : i32
      %rem3A_525 = arith.remsi %add3A_507, %jit3A_508 : i32
      %ne3A_526 = arith.constant 0 : i32
      %ne3A_527 = arith.cmpi ne, %rem3A_525, %ne3A_526 : i32
      %and3A_528 = arith.andi %ne3A_524, %ne3A_527 : i1
      %sub3A_529 = arith.constant 1 : i32
      %sub3A_530 = arith.subi %div3A_509, %sub3A_529 : i32
      %select_n3A_531 = arith.select %and3A_528, %sub3A_530, %div3A_509 : i32
      %rem3A_532 = arith.constant 32 : i32
      %rem3A_533 = arith.remsi %add3A_507, %rem3A_532 : i32
      %dma_start3A_534 = arith.constant 0 : i32
      %dma_start3A_535 = arith.constant 0 : i32
      %dma_start3A_536 = arith.constant 0 : i32
      %dma_start3A_537 = arith.constant 0 : i32
      %dma_start3A_538 = tpu.memref_slice %arg7[%dma_start3A_534, %dma_start3A_537] : memref<2x4096xf32, #tpu.memory_space<vmem>> -> memref<1x1024xf32, #tpu.memory_space<vmem>>
      %dma_start3A_539 = tpu.memref_squeeze %dma_start3A_538 : memref<1x1024xf32, #tpu.memory_space<vmem>> -> memref<1024xf32, #tpu.memory_space<vmem>>
      %dma_start3A_540 = arith.constant 0 : i32
      %dma_start3A_541 = tpu.memref_slice %arg4[%select_n3A_531, %dma_start3A_535, %rem3A_533, %dma_start3A_540] : memref<220x4x32x1024xf32, #tpu.memory_space<hbm>> -> memref<1x1x1x1024xf32, #tpu.memory_space<hbm>>
      %dma_start3A_542 = tpu.memref_squeeze %dma_start3A_541 : memref<1x1x1x1024xf32, #tpu.memory_space<hbm>> -> memref<1024xf32, #tpu.memory_space<hbm>>
      %dma_start3A_543 = tpu.memref_slice %arg9[%dma_start3A_536] : memref<2x!tpu.dma_semaphore, #tpu.memory_space<semaphore_mem>> -> memref<1x!tpu.dma_semaphore, #tpu.memory_space<semaphore_mem>>
      %dma_start3A_544 = tpu.memref_squeeze %dma_start3A_543 : memref<1x!tpu.dma_semaphore, #tpu.memory_space<semaphore_mem>> -> memref<!tpu.dma_semaphore, #tpu.memory_space<semaphore_mem>>
      %dma_start3A_545 = arith.constant 0 : i32
      %dma_start3A_546 = tpu.memref_slice %arg4[%select_n3A_531, %dma_start3A_535, %rem3A_533, %dma_start3A_545] : memref<220x4x32x1024xf32, #tpu.memory_space<hbm>> -> memref<1x1x1x1024xf32, #tpu.memory_space<hbm>>
      %dma_start3A_547 = tpu.memref_squeeze %dma_start3A_546 : memref<1x1x1x1024xf32, #tpu.memory_space<hbm>> -> memref<1024xf32, #tpu.memory_space<hbm>>
      %dma_start3A_548 = arith.constant 0 : i32
      %dma_start3A_549 = tpu.memref_slice %arg7[%dma_start3A_534, %dma_start3A_548] : memref<2x4096xf32, #tpu.memory_space<vmem>> -> memref<1x1024xf32, #tpu.memory_space<vmem>>
      %dma_start3A_550 = tpu.memref_squeeze %dma_start3A_549 : memref<1x1024xf32, #tpu.memory_space<vmem>> -> memref<1024xf32, #tpu.memory_space<vmem>>
      tpu.enqueue_dma source(%dma_start3A_550 : memref<1024xf32, #tpu.memory_space<vmem>>) target(%dma_start3A_547 : memref<1024xf32, #tpu.memory_space<hbm>>) target_semaphore(%dma_start3A_544 : memref<!tpu.dma_semaphore, #tpu.memory_space<semaphore_mem>>)
      %dma_start3A_551 = arith.constant 0 : i32
      %dma_start3A_552 = arith.constant 1 : i32
      %dma_start3A_553 = arith.constant 0 : i32
      %dma_start3A_554 = arith.constant 1024 : i32
      %dma_start3A_555 = tpu.memref_slice %arg7[%dma_start3A_551, %dma_start3A_554] : memref<2x4096xf32, #tpu.memory_space<vmem>> -> memref<1x1024xf32, #tpu.memory_space<vmem>>
      %dma_start3A_556 = tpu.memref_squeeze %dma_start3A_555 : memref<1x1024xf32, #tpu.memory_space<vmem>> -> memref<1024xf32, #tpu.memory_space<vmem>>
      %dma_start3A_557 = arith.constant 0 : i32
      %dma_start3A_558 = tpu.memref_slice %arg4[%select_n3A_531, %dma_start3A_552, %rem3A_533, %dma_start3A_557] : memref<220x4x32x1024xf32, #tpu.memory_space<hbm>> -> memref<1x1x1x1024xf32, #tpu.memory_space<hbm>>
      %dma_start3A_559 = tpu.memref_squeeze %dma_start3A_558 : memref<1x1x1x1024xf32, #tpu.memory_space<hbm>> -> memref<1024xf32, #tpu.memory_space<hbm>>
      %dma_start3A_560 = tpu.memref_slice %arg9[%dma_start3A_553] : memref<2x!tpu.dma_semaphore, #tpu.memory_space<semaphore_mem>> -> memref<1x!tpu.dma_semaphore, #tpu.memory_space<semaphore_mem>>
      %dma_start3A_561 = tpu.memref_squeeze %dma_start3A_560 : memref<1x!tpu.dma_semaphore, #tpu.memory_space<semaphore_mem>> -> memref<!tpu.dma_semaphore, #tpu.memory_space<semaphore_mem>>
      %dma_start3A_562 = arith.constant 0 : i32
      %dma_start3A_563 = tpu.memref_slice %arg4[%select_n3A_531, %dma_start3A_552, %rem3A_533, %dma_start3A_562] : memref<220x4x32x1024xf32, #tpu.memory_space<hbm>> -> memref<1x1x1x1024xf32, #tpu.memory_space<hbm>>
      %dma_start3A_564 = tpu.memref_squeeze %dma_start3A_563 : memref<1x1x1x1024xf32, #tpu.memory_space<hbm>> -> memref<1024xf32, #tpu.memory_space<hbm>>
      %dma_start3A_565 = arith.constant 1024 : i32
      %dma_start3A_566 = tpu.memref_slice %arg7[%dma_start3A_551, %dma_start3A_565] : memref<2x4096xf32, #tpu.memory_space<vmem>> -> memref<1x1024xf32, #tpu.memory_space<vmem>>
      %dma_start3A_567 = tpu.memref_squeeze %dma_start3A_566 : memref<1x1024xf32, #tpu.memory_space<vmem>> -> memref<1024xf32, #tpu.memory_space<vmem>>
      tpu.enqueue_dma source(%dma_start3A_567 : memref<1024xf32, #tpu.memory_space<vmem>>) target(%dma_start3A_564 : memref<1024xf32, #tpu.memory_space<hbm>>) target_semaphore(%dma_start3A_561 : memref<!tpu.dma_semaphore, #tpu.memory_space<semaphore_mem>>)
      %dma_start3A_568 = arith.constant 0 : i32
      %dma_start3A_569 = arith.constant 2 : i32
      %dma_start3A_570 = arith.constant 0 : i32
      %dma_start3A_571 = arith.constant 2048 : i32
      %dma_start3A_572 = tpu.memref_slice %arg7[%dma_start3A_568, %dma_start3A_571] : memref<2x4096xf32, #tpu.memory_space<vmem>> -> memref<1x1024xf32, #tpu.memory_space<vmem>>
      %dma_start3A_573 = tpu.memref_squeeze %dma_start3A_572 : memref<1x1024xf32, #tpu.memory_space<vmem>> -> memref<1024xf32, #tpu.memory_space<vmem>>
      %dma_start3A_574 = arith.constant 0 : i32
      %dma_start3A_575 = tpu.memref_slice %arg4[%select_n3A_531, %dma_start3A_569, %rem3A_533, %dma_start3A_574] : memref<220x4x32x1024xf32, #tpu.memory_space<hbm>> -> memref<1x1x1x1024xf32, #tpu.memory_space<hbm>>
      %dma_start3A_576 = tpu.memref_squeeze %dma_start3A_575 : memref<1x1x1x1024xf32, #tpu.memory_space<hbm>> -> memref<1024xf32, #tpu.memory_space<hbm>>
      %dma_start3A_577 = tpu.memref_slice %arg9[%dma_start3A_570] : memref<2x!tpu.dma_semaphore, #tpu.memory_space<semaphore_mem>> -> memref<1x!tpu.dma_semaphore, #tpu.memory_space<semaphore_mem>>
      %dma_start3A_578 = tpu.memref_squeeze %dma_start3A_577 : memref<1x!tpu.dma_semaphore, #tpu.memory_space<semaphore_mem>> -> memref<!tpu.dma_semaphore, #tpu.memory_space<semaphore_mem>>
      %dma_start3A_579 = arith.constant 0 : i32
      %dma_start3A_580 = tpu.memref_slice %arg4[%select_n3A_531, %dma_start3A_569, %rem3A_533, %dma_start3A_579] : memref<220x4x32x1024xf32, #tpu.memory_space<hbm>> -> memref<1x1x1x1024xf32, #tpu.memory_space<hbm>>
      %dma_start3A_581 = tpu.memref_squeeze %dma_start3A_580 : memref<1x1x1x1024xf32, #tpu.memory_space<hbm>> -> memref<1024xf32, #tpu.memory_space<hbm>>
      %dma_start3A_582 = arith.constant 2048 : i32
      %dma_start3A_583 = tpu.memref_slice %arg7[%dma_start3A_568, %dma_start3A_582] : memref<2x4096xf32, #tpu.memory_space<vmem>> -> memref<1x1024xf32, #tpu.memory_space<vmem>>
      %dma_start3A_584 = tpu.memref_squeeze %dma_start3A_583 : memref<1x1024xf32, #tpu.memory_space<vmem>> -> memref<1024xf32, #tpu.memory_space<vmem>>
      tpu.enqueue_dma source(%dma_start3A_584 : memref<1024xf32, #tpu.memory_space<vmem>>) target(%dma_start3A_581 : memref<1024xf32, #tpu.memory_space<hbm>>) target_semaphore(%dma_start3A_578 : memref<!tpu.dma_semaphore, #tpu.memory_space<semaphore_mem>>)
      %dma_start3A_585 = arith.constant 0 : i32
      %dma_start3A_586 = arith.constant 3 : i32
      %dma_start3A_587 = arith.constant 0 : i32
      %dma_start3A_588 = arith.constant 3072 : i32
      %dma_start3A_589 = tpu.memref_slice %arg7[%dma_start3A_585, %dma_start3A_588] : memref<2x4096xf32, #tpu.memory_space<vmem>> -> memref<1x1024xf32, #tpu.memory_space<vmem>>
      %dma_start3A_590 = tpu.memref_squeeze %dma_start3A_589 : memref<1x1024xf32, #tpu.memory_space<vmem>> -> memref<1024xf32, #tpu.memory_space<vmem>>
      %dma_start3A_591 = arith.constant 0 : i32
      %dma_start3A_592 = tpu.memref_slice %arg4[%select_n3A_531, %dma_start3A_586, %rem3A_533, %dma_start3A_591] : memref<220x4x32x1024xf32, #tpu.memory_space<hbm>> -> memref<1x1x1x1024xf32, #tpu.memory_space<hbm>>
      %dma_start3A_593 = tpu.memref_squeeze %dma_start3A_592 : memref<1x1x1x1024xf32, #tpu.memory_space<hbm>> -> memref<1024xf32, #tpu.memory_space<hbm>>
      %dma_start3A_594 = tpu.memref_slice %arg9[%dma_start3A_587] : memref<2x!tpu.dma_semaphore, #tpu.memory_space<semaphore_mem>> -> memref<1x!tpu.dma_semaphore, #tpu.memory_space<semaphore_mem>>
      %dma_start3A_595 = tpu.memref_squeeze %dma_start3A_594 : memref<1x!tpu.dma_semaphore, #tpu.memory_space<semaphore_mem>> -> memref<!tpu.dma_semaphore, #tpu.memory_space<semaphore_mem>>
      %dma_start3A_596 = arith.constant 0 : i32
      %dma_start3A_597 = tpu.memref_slice %arg4[%select_n3A_531, %dma_start3A_586, %rem3A_533, %dma_start3A_596] : memref<220x4x32x1024xf32, #tpu.memory_space<hbm>> -> memref<1x1x1x1024xf32, #tpu.memory_space<hbm>>
      %dma_start3A_598 = tpu.memref_squeeze %dma_start3A_597 : memref<1x1x1x1024xf32, #tpu.memory_space<hbm>> -> memref<1024xf32, #tpu.memory_space<hbm>>
      %dma_start3A_599 = arith.constant 3072 : i32
      %dma_start3A_600 = tpu.memref_slice %arg7[%dma_start3A_585, %dma_start3A_599] : memref<2x4096xf32, #tpu.memory_space<vmem>> -> memref<1x1024xf32, #tpu.memory_space<vmem>>
      %dma_start3A_601 = tpu.memref_squeeze %dma_start3A_600 : memref<1x1024xf32, #tpu.memory_space<vmem>> -> memref<1024xf32, #tpu.memory_space<vmem>>
      tpu.enqueue_dma source(%dma_start3A_601 : memref<1024xf32, #tpu.memory_space<vmem>>) target(%dma_start3A_598 : memref<1024xf32, #tpu.memory_space<hbm>>) target_semaphore(%dma_start3A_595 : memref<!tpu.dma_semaphore, #tpu.memory_space<semaphore_mem>>)
      %add3A_602 = arith.constant 4 : i32
      %add3A_603 = arith.addi %add3A_479, %add3A_602 : i32
      %lt3A_604 = arith.constant 220 : i32
      %lt3A_605 = arith.cmpi slt, %add3A_603, %lt3A_604 : i32
      %convert_element_type3A_606 = arith.extui %lt3A_605 : i1 to i32
      %cond3A_607 = arith.constant 0 : i32
      %cond3A_608 = arith.cmpi ne, %convert_element_type3A_606, %cond3A_607 : i32
      scf.if %cond3A_608 {
        %add3A_742 = arith.constant 4 : i32
        %add3A_743 = arith.addi %add3A_479, %add3A_742 : i32
        %dma_start3A_744 = arith.constant 2 : i32
        %dma_start3A_745 = arith.constant 2 : i32
        %dma_start3A_746 = arith.constant 0 : i32
        %dma_start3A_747 = arith.constant 0 : i32
        %dma_start3A_748 = tpu.memref_slice %arg6[%dma_start3A_744, %dma_start3A_746, %dma_start3A_747] : memref<4x128x32xf32, #tpu.memory_space<vmem>> -> memref<1x128x32xf32, #tpu.memory_space<vmem>>
        %dma_start3A_749 = tpu.memref_squeeze %dma_start3A_748 : memref<1x128x32xf32, #tpu.memory_space<vmem>> -> memref<128x32xf32, #tpu.memory_space<vmem>>
        %dma_start3A_750 = arith.constant 0 : i32
        %dma_start3A_751 = tpu.memref_slice %arg5[%add3A_743, %dma_start3A_750] : memref<220x128xi32, #tpu.memory_space<vmem>> -> memref<1x128xi32, #tpu.memory_space<vmem>>
        %dma_start3A_752 = tpu.memref_squeeze %dma_start3A_751 : memref<1x128xi32, #tpu.memory_space<vmem>> -> memref<128xi32, #tpu.memory_space<vmem>>
        %dma_start3A_753 = arith.constant 0 : i32
        %dma_start3A_754 = arith.constant 0 : i32
        %dma_start3A_755 = tpu.memref_slice %arg2[%dma_start3A_753, %dma_start3A_754] : memref<1000000x32xf32, #tpu.memory_space<hbm>> -> memref<1000000x32xf32, #tpu.memory_space<hbm>>
        %dma_start3A_756 = tpu.memref_slice %arg8[%dma_start3A_745] : memref<4x!tpu.dma_semaphore, #tpu.memory_space<semaphore_mem>> -> memref<1x!tpu.dma_semaphore, #tpu.memory_space<semaphore_mem>>
        %dma_start3A_757 = tpu.memref_squeeze %dma_start3A_756 : memref<1x!tpu.dma_semaphore, #tpu.memory_space<semaphore_mem>> -> memref<!tpu.dma_semaphore, #tpu.memory_space<semaphore_mem>>
        tpu.enqueue_indirect_dma source(%dma_start3A_755 : memref<1000000x32xf32, #tpu.memory_space<hbm>>) target(%dma_start3A_749 : memref<128x32xf32, #tpu.memory_space<vmem>>) offsets(%dma_start3A_752 : memref<128xi32, #tpu.memory_space<vmem>>) semaphore(%dma_start3A_757 : memref<!tpu.dma_semaphore, #tpu.memory_space<semaphore_mem>>)
      } else {
      }
      %mul3A_609 = arith.constant 4 : i32
      %mul3A_610 = arith.muli %scan3A_221, %mul3A_609 : i32
      %add3A_611 = arith.constant 3 : i32
      %add3A_612 = arith.addi %mul3A_610, %add3A_611 : i32
      %dma_wait3A_613 = arith.constant 0 : i32
      %dma_wait3A_614 = arith.constant 3 : i32
      %dma_wait3A_615 = arith.constant 3 : i32
      %dma_wait3A_616 = arith.constant 0 : i32
      %dma_wait3A_617 = arith.constant 0 : i32
      %dma_wait3A_618 = tpu.memref_slice %arg6[%dma_wait3A_614, %dma_wait3A_616, %dma_wait3A_617] : memref<4x128x32xf32, #tpu.memory_space<vmem>> -> memref<1x128x32xf32, #tpu.memory_space<vmem>>
      %dma_wait3A_619 = tpu.memref_squeeze %dma_wait3A_618 : memref<1x128x32xf32, #tpu.memory_space<vmem>> -> memref<128x32xf32, #tpu.memory_space<vmem>>
      %dma_wait3A_620 = arith.constant 0 : i32
      %dma_wait3A_621 = tpu.memref_slice %arg5[%dma_wait3A_613, %dma_wait3A_620] : memref<220x128xi32, #tpu.memory_space<vmem>> -> memref<1x128xi32, #tpu.memory_space<vmem>>
      %dma_wait3A_622 = tpu.memref_squeeze %dma_wait3A_621 : memref<1x128xi32, #tpu.memory_space<vmem>> -> memref<128xi32, #tpu.memory_space<vmem>>
      %dma_wait3A_623 = arith.constant 0 : i32
      %dma_wait3A_624 = arith.constant 0 : i32
      %dma_wait3A_625 = tpu.memref_slice %arg2[%dma_wait3A_623, %dma_wait3A_624] : memref<1000000x32xf32, #tpu.memory_space<hbm>> -> memref<1000000x32xf32, #tpu.memory_space<hbm>>
      %dma_wait3A_626 = tpu.memref_slice %arg8[%dma_wait3A_615] : memref<4x!tpu.dma_semaphore, #tpu.memory_space<semaphore_mem>> -> memref<1x!tpu.dma_semaphore, #tpu.memory_space<semaphore_mem>>
      %dma_wait3A_627 = tpu.memref_squeeze %dma_wait3A_626 : memref<1x!tpu.dma_semaphore, #tpu.memory_space<semaphore_mem>> -> memref<!tpu.dma_semaphore, #tpu.memory_space<semaphore_mem>>
      tpu.wait_indirect_dma semaphore(%dma_wait3A_627 : memref<!tpu.dma_semaphore, #tpu.memory_space<semaphore_mem>>) src(%dma_wait3A_625 : memref<1000000x32xf32, #tpu.memory_space<hbm>>) dst(%dma_wait3A_619 : memref<128x32xf32, #tpu.memory_space<vmem>>)
      %ge3A_628 = arith.constant 2 : i32
      %ge3A_629 = arith.cmpi sge, %add3A_612, %ge3A_628 : i32
      %convert_element_type3A_630 = arith.extui %ge3A_629 : i1 to i32
      %cond3A_631 = arith.constant 0 : i32
      %cond3A_632 = arith.cmpi ne, %convert_element_type3A_630, %cond3A_631 : i32
      scf.if %cond3A_632 {
        %dma_wait3A_742 = arith.constant 1 : i32
        %dma_wait3A_743 = arith.constant 0 : i32
        %dma_wait3A_744 = arith.constant 0 : i32
        %dma_wait3A_745 = arith.constant 0 : i32
        %dma_wait3A_746 = arith.constant 1 : i32
        %dma_wait3A_747 = arith.constant 0 : i32
        %dma_wait3A_748 = tpu.memref_slice %arg7[%dma_wait3A_742, %dma_wait3A_747] : memref<2x4096xf32, #tpu.memory_space<vmem>> -> memref<1x1024xf32, #tpu.memory_space<vmem>>
        %dma_wait3A_749 = tpu.memref_squeeze %dma_wait3A_748 : memref<1x1024xf32, #tpu.memory_space<vmem>> -> memref<1024xf32, #tpu.memory_space<vmem>>
        %dma_wait3A_750 = arith.constant 0 : i32
        %dma_wait3A_751 = tpu.memref_slice %arg4[%dma_wait3A_743, %dma_wait3A_744, %dma_wait3A_745, %dma_wait3A_750] : memref<220x4x32x1024xf32, #tpu.memory_space<hbm>> -> memref<1x1x1x1024xf32, #tpu.memory_space<hbm>>
        %dma_wait3A_752 = tpu.memref_squeeze %dma_wait3A_751 : memref<1x1x1x1024xf32, #tpu.memory_space<hbm>> -> memref<1024xf32, #tpu.memory_space<hbm>>
        %dma_wait3A_753 = tpu.memref_slice %arg9[%dma_wait3A_746] : memref<2x!tpu.dma_semaphore, #tpu.memory_space<semaphore_mem>> -> memref<1x!tpu.dma_semaphore, #tpu.memory_space<semaphore_mem>>
        %dma_wait3A_754 = tpu.memref_squeeze %dma_wait3A_753 : memref<1x!tpu.dma_semaphore, #tpu.memory_space<semaphore_mem>> -> memref<!tpu.dma_semaphore, #tpu.memory_space<semaphore_mem>>
        %dma_wait3A_755 = arith.constant 0 : i32
        %dma_wait3A_756 = tpu.memref_slice %arg4[%dma_wait3A_743, %dma_wait3A_744, %dma_wait3A_745, %dma_wait3A_755] : memref<220x4x32x1024xf32, #tpu.memory_space<hbm>> -> memref<1x1x1x1024xf32, #tpu.memory_space<hbm>>
        %dma_wait3A_757 = tpu.memref_squeeze %dma_wait3A_756 : memref<1x1x1x1024xf32, #tpu.memory_space<hbm>> -> memref<1024xf32, #tpu.memory_space<hbm>>
        %dma_wait3A_758 = arith.constant 0 : i32
        %dma_wait3A_759 = tpu.memref_slice %arg7[%dma_wait3A_742, %dma_wait3A_758] : memref<2x4096xf32, #tpu.memory_space<vmem>> -> memref<1x1024xf32, #tpu.memory_space<vmem>>
        %dma_wait3A_760 = tpu.memref_squeeze %dma_wait3A_759 : memref<1x1024xf32, #tpu.memory_space<vmem>> -> memref<1024xf32, #tpu.memory_space<vmem>>
        tpu.wait_dma2 semaphore(%dma_wait3A_754 : memref<!tpu.dma_semaphore, #tpu.memory_space<semaphore_mem>>) src(%dma_wait3A_760 : memref<1024xf32, #tpu.memory_space<vmem>>) dst(%dma_wait3A_757 : memref<1024xf32, #tpu.memory_space<hbm>>)
        %dma_wait3A_761 = arith.constant 1 : i32
        %dma_wait3A_762 = arith.constant 0 : i32
        %dma_wait3A_763 = arith.constant 1 : i32
        %dma_wait3A_764 = arith.constant 0 : i32
        %dma_wait3A_765 = arith.constant 1 : i32
        %dma_wait3A_766 = arith.constant 1024 : i32
        %dma_wait3A_767 = tpu.memref_slice %arg7[%dma_wait3A_761, %dma_wait3A_766] : memref<2x4096xf32, #tpu.memory_space<vmem>> -> memref<1x1024xf32, #tpu.memory_space<vmem>>
        %dma_wait3A_768 = tpu.memref_squeeze %dma_wait3A_767 : memref<1x1024xf32, #tpu.memory_space<vmem>> -> memref<1024xf32, #tpu.memory_space<vmem>>
        %dma_wait3A_769 = arith.constant 0 : i32
        %dma_wait3A_770 = tpu.memref_slice %arg4[%dma_wait3A_762, %dma_wait3A_763, %dma_wait3A_764, %dma_wait3A_769] : memref<220x4x32x1024xf32, #tpu.memory_space<hbm>> -> memref<1x1x1x1024xf32, #tpu.memory_space<hbm>>
        %dma_wait3A_771 = tpu.memref_squeeze %dma_wait3A_770 : memref<1x1x1x1024xf32, #tpu.memory_space<hbm>> -> memref<1024xf32, #tpu.memory_space<hbm>>
        %dma_wait3A_772 = tpu.memref_slice %arg9[%dma_wait3A_765] : memref<2x!tpu.dma_semaphore, #tpu.memory_space<semaphore_mem>> -> memref<1x!tpu.dma_semaphore, #tpu.memory_space<semaphore_mem>>
        %dma_wait3A_773 = tpu.memref_squeeze %dma_wait3A_772 : memref<1x!tpu.dma_semaphore, #tpu.memory_space<semaphore_mem>> -> memref<!tpu.dma_semaphore, #tpu.memory_space<semaphore_mem>>
        %dma_wait3A_774 = arith.constant 0 : i32
        %dma_wait3A_775 = tpu.memref_slice %arg4[%dma_wait3A_762, %dma_wait3A_763, %dma_wait3A_764, %dma_wait3A_774] : memref<220x4x32x1024xf32, #tpu.memory_space<hbm>> -> memref<1x1x1x1024xf32, #tpu.memory_space<hbm>>
        %dma_wait3A_776 = tpu.memref_squeeze %dma_wait3A_775 : memref<1x1x1x1024xf32, #tpu.memory_space<hbm>> -> memref<1024xf32, #tpu.memory_space<hbm>>
        %dma_wait3A_777 = arith.constant 1024 : i32
        %dma_wait3A_778 = tpu.memref_slice %arg7[%dma_wait3A_761, %dma_wait3A_777] : memref<2x4096xf32, #tpu.memory_space<vmem>> -> memref<1x1024xf32, #tpu.memory_space<vmem>>
        %dma_wait3A_779 = tpu.memref_squeeze %dma_wait3A_778 : memref<1x1024xf32, #tpu.memory_space<vmem>> -> memref<1024xf32, #tpu.memory_space<vmem>>
        tpu.wait_dma2 semaphore(%dma_wait3A_773 : memref<!tpu.dma_semaphore, #tpu.memory_space<semaphore_mem>>) src(%dma_wait3A_779 : memref<1024xf32, #tpu.memory_space<vmem>>) dst(%dma_wait3A_776 : memref<1024xf32, #tpu.memory_space<hbm>>)
        %dma_wait3A_780 = arith.constant 1 : i32
        %dma_wait3A_781 = arith.constant 0 : i32
        %dma_wait3A_782 = arith.constant 2 : i32
        %dma_wait3A_783 = arith.constant 0 : i32
        %dma_wait3A_784 = arith.constant 1 : i32
        %dma_wait3A_785 = arith.constant 2048 : i32
        %dma_wait3A_786 = tpu.memref_slice %arg7[%dma_wait3A_780, %dma_wait3A_785] : memref<2x4096xf32, #tpu.memory_space<vmem>> -> memref<1x1024xf32, #tpu.memory_space<vmem>>
        %dma_wait3A_787 = tpu.memref_squeeze %dma_wait3A_786 : memref<1x1024xf32, #tpu.memory_space<vmem>> -> memref<1024xf32, #tpu.memory_space<vmem>>
        %dma_wait3A_788 = arith.constant 0 : i32
        %dma_wait3A_789 = tpu.memref_slice %arg4[%dma_wait3A_781, %dma_wait3A_782, %dma_wait3A_783, %dma_wait3A_788] : memref<220x4x32x1024xf32, #tpu.memory_space<hbm>> -> memref<1x1x1x1024xf32, #tpu.memory_space<hbm>>
        %dma_wait3A_790 = tpu.memref_squeeze %dma_wait3A_789 : memref<1x1x1x1024xf32, #tpu.memory_space<hbm>> -> memref<1024xf32, #tpu.memory_space<hbm>>
        %dma_wait3A_791 = tpu.memref_slice %arg9[%dma_wait3A_784] : memref<2x!tpu.dma_semaphore, #tpu.memory_space<semaphore_mem>> -> memref<1x!tpu.dma_semaphore, #tpu.memory_space<semaphore_mem>>
        %dma_wait3A_792 = tpu.memref_squeeze %dma_wait3A_791 : memref<1x!tpu.dma_semaphore, #tpu.memory_space<semaphore_mem>> -> memref<!tpu.dma_semaphore, #tpu.memory_space<semaphore_mem>>
        %dma_wait3A_793 = arith.constant 0 : i32
        %dma_wait3A_794 = tpu.memref_slice %arg4[%dma_wait3A_781, %dma_wait3A_782, %dma_wait3A_783, %dma_wait3A_793] : memref<220x4x32x1024xf32, #tpu.memory_space<hbm>> -> memref<1x1x1x1024xf32, #tpu.memory_space<hbm>>
        %dma_wait3A_795 = tpu.memref_squeeze %dma_wait3A_794 : memref<1x1x1x1024xf32, #tpu.memory_space<hbm>> -> memref<1024xf32, #tpu.memory_space<hbm>>
        %dma_wait3A_796 = arith.constant 2048 : i32
        %dma_wait3A_797 = tpu.memref_slice %arg7[%dma_wait3A_780, %dma_wait3A_796] : memref<2x4096xf32, #tpu.memory_space<vmem>> -> memref<1x1024xf32, #tpu.memory_space<vmem>>
        %dma_wait3A_798 = tpu.memref_squeeze %dma_wait3A_797 : memref<1x1024xf32, #tpu.memory_space<vmem>> -> memref<1024xf32, #tpu.memory_space<vmem>>
        tpu.wait_dma2 semaphore(%dma_wait3A_792 : memref<!tpu.dma_semaphore, #tpu.memory_space<semaphore_mem>>) src(%dma_wait3A_798 : memref<1024xf32, #tpu.memory_space<vmem>>) dst(%dma_wait3A_795 : memref<1024xf32, #tpu.memory_space<hbm>>)
        %dma_wait3A_799 = arith.constant 1 : i32
        %dma_wait3A_800 = arith.constant 0 : i32
        %dma_wait3A_801 = arith.constant 3 : i32
        %dma_wait3A_802 = arith.constant 0 : i32
        %dma_wait3A_803 = arith.constant 1 : i32
        %dma_wait3A_804 = arith.constant 3072 : i32
        %dma_wait3A_805 = tpu.memref_slice %arg7[%dma_wait3A_799, %dma_wait3A_804] : memref<2x4096xf32, #tpu.memory_space<vmem>> -> memref<1x1024xf32, #tpu.memory_space<vmem>>
        %dma_wait3A_806 = tpu.memref_squeeze %dma_wait3A_805 : memref<1x1024xf32, #tpu.memory_space<vmem>> -> memref<1024xf32, #tpu.memory_space<vmem>>
        %dma_wait3A_807 = arith.constant 0 : i32
        %dma_wait3A_808 = tpu.memref_slice %arg4[%dma_wait3A_800, %dma_wait3A_801, %dma_wait3A_802, %dma_wait3A_807] : memref<220x4x32x1024xf32, #tpu.memory_space<hbm>> -> memref<1x1x1x1024xf32, #tpu.memory_space<hbm>>
        %dma_wait3A_809 = tpu.memref_squeeze %dma_wait3A_808 : memref<1x1x1x1024xf32, #tpu.memory_space<hbm>> -> memref<1024xf32, #tpu.memory_space<hbm>>
        %dma_wait3A_810 = tpu.memref_slice %arg9[%dma_wait3A_803] : memref<2x!tpu.dma_semaphore, #tpu.memory_space<semaphore_mem>> -> memref<1x!tpu.dma_semaphore, #tpu.memory_space<semaphore_mem>>
        %dma_wait3A_811 = tpu.memref_squeeze %dma_wait3A_810 : memref<1x!tpu.dma_semaphore, #tpu.memory_space<semaphore_mem>> -> memref<!tpu.dma_semaphore, #tpu.memory_space<semaphore_mem>>
        %dma_wait3A_812 = arith.constant 0 : i32
        %dma_wait3A_813 = tpu.memref_slice %arg4[%dma_wait3A_800, %dma_wait3A_801, %dma_wait3A_802, %dma_wait3A_812] : memref<220x4x32x1024xf32, #tpu.memory_space<hbm>> -> memref<1x1x1x1024xf32, #tpu.memory_space<hbm>>
        %dma_wait3A_814 = tpu.memref_squeeze %dma_wait3A_813 : memref<1x1x1x1024xf32, #tpu.memory_space<hbm>> -> memref<1024xf32, #tpu.memory_space<hbm>>
        %dma_wait3A_815 = arith.constant 3072 : i32
        %dma_wait3A_816 = tpu.memref_slice %arg7[%dma_wait3A_799, %dma_wait3A_815] : memref<2x4096xf32, #tpu.memory_space<vmem>> -> memref<1x1024xf32, #tpu.memory_space<vmem>>
        %dma_wait3A_817 = tpu.memref_squeeze %dma_wait3A_816 : memref<1x1024xf32, #tpu.memory_space<vmem>> -> memref<1024xf32, #tpu.memory_space<vmem>>
        tpu.wait_dma2 semaphore(%dma_wait3A_811 : memref<!tpu.dma_semaphore, #tpu.memory_space<semaphore_mem>>) src(%dma_wait3A_817 : memref<1024xf32, #tpu.memory_space<vmem>>) dst(%dma_wait3A_814 : memref<1024xf32, #tpu.memory_space<hbm>>)
      } else {
      }
      %scan3A_633 = arith.constant 0 : i32
      %scan3A_634 = arith.constant 1 : i32
      %scan3A_635 = arith.constant 0 : i32
      %scan3A_636 = arith.constant 16 : i32
      %scan3A_637 = arith.addi %scan3A_635, %scan3A_636 : i32
      %scan3A_638 = arith.constant 1 : i32
      scf.for %scan3A_742 = %scan3A_635 to %scan3A_637 step %scan3A_638  : i32 {
        %add3A_743 = vector.broadcast %scan3A_742 : i32 to vector<16xi32>
        %add3A_744 = arith.addi %iota3A, %add3A_743 : vector<16xi32>
        %rem3A_745 = arith.constant 16 : i32
        %rem3A_746 = vector.broadcast %rem3A_745 : i32 to vector<16xi32>
        %rem3A_747 = arith.remsi %add3A_744, %rem3A_746 : vector<16xi32>
        %add3A_748 = arith.constant 0 : i32
        %add3A_749 = vector.broadcast %add3A_748 : i32 to vector<16xi32>
        %add3A_750 = arith.addi %add3A_749, %rem3A_747 : vector<16xi32>
        %mul3A_751 = arith.constant 128 : i32
        %mul3A_752 = vector.broadcast %mul3A_751 : i32 to vector<16xi32>
        %mul3A_753 = arith.muli %add3A_750, %mul3A_752 : vector<16xi32>
        %add3A_754 = arith.constant 0 : i32
        %add3A_755 = vector.broadcast %add3A_754 : i32 to vector<16xi32>
        %add3A_756 = arith.addi %add3A_755, %iota3A : vector<16xi32>
        %gather3A = arith.constant 3 : i32
        %gather3A_757 = arith.constant 0 : i32
        %gather3A_758 = arith.constant 0 : i32
        %gather3A_759 = tpu.memref_slice %arg6[%gather3A, %gather3A_757, %gather3A_758] : memref<4x128x32xf32, #tpu.memory_space<vmem>> -> memref<1x128x32xf32, #tpu.memory_space<vmem>>
        %gather3A_760 = tpu.memref_squeeze %gather3A_759 : memref<1x128x32xf32, #tpu.memory_space<vmem>> -> memref<128x32xf32, #tpu.memory_space<vmem>>
        %gather3A_761 = tpu.vector_load_idx %gather3A_760[%add3A_756, %add3A_750] : memref<128x32xf32, #tpu.memory_space<vmem>>[vector<16xi32>, vector<16xi32>], vector<16xf32>,
        %add3A_762 = arith.addi %mul3A_753, %add3A_756 : vector<16xi32>
        %scatter3A = arith.constant 0 : i32
        %scatter3A_763 = tpu.memref_slice %arg7[%scan3A_634, %scatter3A] : memref<2x4096xf32, #tpu.memory_space<vmem>> -> memref<1x4096xf32, #tpu.memory_space<vmem>>
        %scatter3A_764 = tpu.memref_squeeze %scatter3A_763 : memref<1x4096xf32, #tpu.memory_space<vmem>> -> memref<4096xf32, #tpu.memory_space<vmem>>
        tpu.vector_store_idx %scatter3A_764[%add3A_762], %gather3A_761 : memref<4096xf32, #tpu.memory_space<vmem>>[vector<16xi32>], vector<16xf32>,
        %add3A_765 = arith.constant 16 : i32
        %add3A_766 = vector.broadcast %add3A_765 : i32 to vector<16xi32>
        %add3A_767 = arith.addi %add3A_766, %iota3A : vector<16xi32>
        %gather3A_768 = arith.constant 3 : i32
        %gather3A_769 = arith.constant 0 : i32
        %gather3A_770 = arith.constant 0 : i32
        %gather3A_771 = tpu.memref_slice %arg6[%gather3A_768, %gather3A_769, %gather3A_770] : memref<4x128x32xf32, #tpu.memory_space<vmem>> -> memref<1x128x32xf32, #tpu.memory_space<vmem>>
        %gather3A_772 = tpu.memref_squeeze %gather3A_771 : memref<1x128x32xf32, #tpu.memory_space<vmem>> -> memref<128x32xf32, #tpu.memory_space<vmem>>
        %gather3A_773 = tpu.vector_load_idx %gather3A_772[%add3A_767, %add3A_750] : memref<128x32xf32, #tpu.memory_space<vmem>>[vector<16xi32>, vector<16xi32>], vector<16xf32>,
        %add3A_774 = arith.addi %mul3A_753, %add3A_767 : vector<16xi32>
        %scatter3A_775 = arith.constant 0 : i32
        %scatter3A_776 = tpu.memref_slice %arg7[%scan3A_634, %scatter3A_775] : memref<2x4096xf32, #tpu.memory_space<vmem>> -> memref<1x4096xf32, #tpu.memory_space<vmem>>
        %scatter3A_777 = tpu.memref_squeeze %scatter3A_776 : memref<1x4096xf32, #tpu.memory_space<vmem>> -> memref<4096xf32, #tpu.memory_space<vmem>>
        tpu.vector_store_idx %scatter3A_777[%add3A_774], %gather3A_773 : memref<4096xf32, #tpu.memory_space<vmem>>[vector<16xi32>], vector<16xf32>,
        %add3A_778 = arith.constant 32 : i32
        %add3A_779 = vector.broadcast %add3A_778 : i32 to vector<16xi32>
        %add3A_780 = arith.addi %add3A_779, %iota3A : vector<16xi32>
        %gather3A_781 = arith.constant 3 : i32
        %gather3A_782 = arith.constant 0 : i32
        %gather3A_783 = arith.constant 0 : i32
        %gather3A_784 = tpu.memref_slice %arg6[%gather3A_781, %gather3A_782, %gather3A_783] : memref<4x128x32xf32, #tpu.memory_space<vmem>> -> memref<1x128x32xf32, #tpu.memory_space<vmem>>
        %gather3A_785 = tpu.memref_squeeze %gather3A_784 : memref<1x128x32xf32, #tpu.memory_space<vmem>> -> memref<128x32xf32, #tpu.memory_space<vmem>>
        %gather3A_786 = tpu.vector_load_idx %gather3A_785[%add3A_780, %add3A_750] : memref<128x32xf32, #tpu.memory_space<vmem>>[vector<16xi32>, vector<16xi32>], vector<16xf32>,
        %add3A_787 = arith.addi %mul3A_753, %add3A_780 : vector<16xi32>
        %scatter3A_788 = arith.constant 0 : i32
        %scatter3A_789 = tpu.memref_slice %arg7[%scan3A_634, %scatter3A_788] : memref<2x4096xf32, #tpu.memory_space<vmem>> -> memref<1x4096xf32, #tpu.memory_space<vmem>>
        %scatter3A_790 = tpu.memref_squeeze %scatter3A_789 : memref<1x4096xf32, #tpu.memory_space<vmem>> -> memref<4096xf32, #tpu.memory_space<vmem>>
        tpu.vector_store_idx %scatter3A_790[%add3A_787], %gather3A_786 : memref<4096xf32, #tpu.memory_space<vmem>>[vector<16xi32>], vector<16xf32>,
        %add3A_791 = arith.constant 48 : i32
        %add3A_792 = vector.broadcast %add3A_791 : i32 to vector<16xi32>
        %add3A_793 = arith.addi %add3A_792, %iota3A : vector<16xi32>
        %gather3A_794 = arith.constant 3 : i32
        %gather3A_795 = arith.constant 0 : i32
        %gather3A_796 = arith.constant 0 : i32
        %gather3A_797 = tpu.memref_slice %arg6[%gather3A_794, %gather3A_795, %gather3A_796] : memref<4x128x32xf32, #tpu.memory_space<vmem>> -> memref<1x128x32xf32, #tpu.memory_space<vmem>>
        %gather3A_798 = tpu.memref_squeeze %gather3A_797 : memref<1x128x32xf32, #tpu.memory_space<vmem>> -> memref<128x32xf32, #tpu.memory_space<vmem>>
        %gather3A_799 = tpu.vector_load_idx %gather3A_798[%add3A_793, %add3A_750] : memref<128x32xf32, #tpu.memory_space<vmem>>[vector<16xi32>, vector<16xi32>], vector<16xf32>,
        %add3A_800 = arith.addi %mul3A_753, %add3A_793 : vector<16xi32>
        %scatter3A_801 = arith.constant 0 : i32
        %scatter3A_802 = tpu.memref_slice %arg7[%scan3A_634, %scatter3A_801] : memref<2x4096xf32, #tpu.memory_space<vmem>> -> memref<1x4096xf32, #tpu.memory_space<vmem>>
        %scatter3A_803 = tpu.memref_squeeze %scatter3A_802 : memref<1x4096xf32, #tpu.memory_space<vmem>> -> memref<4096xf32, #tpu.memory_space<vmem>>
        tpu.vector_store_idx %scatter3A_803[%add3A_800], %gather3A_799 : memref<4096xf32, #tpu.memory_space<vmem>>[vector<16xi32>], vector<16xf32>,
        %add3A_804 = arith.constant 64 : i32
        %add3A_805 = vector.broadcast %add3A_804 : i32 to vector<16xi32>
        %add3A_806 = arith.addi %add3A_805, %iota3A : vector<16xi32>
        %gather3A_807 = arith.constant 3 : i32
        %gather3A_808 = arith.constant 0 : i32
        %gather3A_809 = arith.constant 0 : i32
        %gather3A_810 = tpu.memref_slice %arg6[%gather3A_807, %gather3A_808, %gather3A_809] : memref<4x128x32xf32, #tpu.memory_space<vmem>> -> memref<1x128x32xf32, #tpu.memory_space<vmem>>
        %gather3A_811 = tpu.memref_squeeze %gather3A_810 : memref<1x128x32xf32, #tpu.memory_space<vmem>> -> memref<128x32xf32, #tpu.memory_space<vmem>>
        %gather3A_812 = tpu.vector_load_idx %gather3A_811[%add3A_806, %add3A_750] : memref<128x32xf32, #tpu.memory_space<vmem>>[vector<16xi32>, vector<16xi32>], vector<16xf32>,
        %add3A_813 = arith.addi %mul3A_753, %add3A_806 : vector<16xi32>
        %scatter3A_814 = arith.constant 0 : i32
        %scatter3A_815 = tpu.memref_slice %arg7[%scan3A_634, %scatter3A_814] : memref<2x4096xf32, #tpu.memory_space<vmem>> -> memref<1x4096xf32, #tpu.memory_space<vmem>>
        %scatter3A_816 = tpu.memref_squeeze %scatter3A_815 : memref<1x4096xf32, #tpu.memory_space<vmem>> -> memref<4096xf32, #tpu.memory_space<vmem>>
        tpu.vector_store_idx %scatter3A_816[%add3A_813], %gather3A_812 : memref<4096xf32, #tpu.memory_space<vmem>>[vector<16xi32>], vector<16xf32>,
        %add3A_817 = arith.constant 80 : i32
        %add3A_818 = vector.broadcast %add3A_817 : i32 to vector<16xi32>
        %add3A_819 = arith.addi %add3A_818, %iota3A : vector<16xi32>
        %gather3A_820 = arith.constant 3 : i32
        %gather3A_821 = arith.constant 0 : i32
        %gather3A_822 = arith.constant 0 : i32
        %gather3A_823 = tpu.memref_slice %arg6[%gather3A_820, %gather3A_821, %gather3A_822] : memref<4x128x32xf32, #tpu.memory_space<vmem>> -> memref<1x128x32xf32, #tpu.memory_space<vmem>>
        %gather3A_824 = tpu.memref_squeeze %gather3A_823 : memref<1x128x32xf32, #tpu.memory_space<vmem>> -> memref<128x32xf32, #tpu.memory_space<vmem>>
        %gather3A_825 = tpu.vector_load_idx %gather3A_824[%add3A_819, %add3A_750] : memref<128x32xf32, #tpu.memory_space<vmem>>[vector<16xi32>, vector<16xi32>], vector<16xf32>,
        %add3A_826 = arith.addi %mul3A_753, %add3A_819 : vector<16xi32>
        %scatter3A_827 = arith.constant 0 : i32
        %scatter3A_828 = tpu.memref_slice %arg7[%scan3A_634, %scatter3A_827] : memref<2x4096xf32, #tpu.memory_space<vmem>> -> memref<1x4096xf32, #tpu.memory_space<vmem>>
        %scatter3A_829 = tpu.memref_squeeze %scatter3A_828 : memref<1x4096xf32, #tpu.memory_space<vmem>> -> memref<4096xf32, #tpu.memory_space<vmem>>
        tpu.vector_store_idx %scatter3A_829[%add3A_826], %gather3A_825 : memref<4096xf32, #tpu.memory_space<vmem>>[vector<16xi32>], vector<16xf32>,
        %add3A_830 = arith.constant 96 : i32
        %add3A_831 = vector.broadcast %add3A_830 : i32 to vector<16xi32>
        %add3A_832 = arith.addi %add3A_831, %iota3A : vector<16xi32>
        %gather3A_833 = arith.constant 3 : i32
        %gather3A_834 = arith.constant 0 : i32
        %gather3A_835 = arith.constant 0 : i32
        %gather3A_836 = tpu.memref_slice %arg6[%gather3A_833, %gather3A_834, %gather3A_835] : memref<4x128x32xf32, #tpu.memory_space<vmem>> -> memref<1x128x32xf32, #tpu.memory_space<vmem>>
        %gather3A_837 = tpu.memref_squeeze %gather3A_836 : memref<1x128x32xf32, #tpu.memory_space<vmem>> -> memref<128x32xf32, #tpu.memory_space<vmem>>
        %gather3A_838 = tpu.vector_load_idx %gather3A_837[%add3A_832, %add3A_750] : memref<128x32xf32, #tpu.memory_space<vmem>>[vector<16xi32>, vector<16xi32>], vector<16xf32>,
        %add3A_839 = arith.addi %mul3A_753, %add3A_832 : vector<16xi32>
        %scatter3A_840 = arith.constant 0 : i32
        %scatter3A_841 = tpu.memref_slice %arg7[%scan3A_634, %scatter3A_840] : memref<2x4096xf32, #tpu.memory_space<vmem>> -> memref<1x4096xf32, #tpu.memory_space<vmem>>
        %scatter3A_842 = tpu.memref_squeeze %scatter3A_841 : memref<1x4096xf32, #tpu.memory_space<vmem>> -> memref<4096xf32, #tpu.memory_space<vmem>>
        tpu.vector_store_idx %scatter3A_842[%add3A_839], %gather3A_838 : memref<4096xf32, #tpu.memory_space<vmem>>[vector<16xi32>], vector<16xf32>,
        %add3A_843 = arith.constant 112 : i32
        %add3A_844 = vector.broadcast %add3A_843 : i32 to vector<16xi32>
        %add3A_845 = arith.addi %add3A_844, %iota3A : vector<16xi32>
        %gather3A_846 = arith.constant 3 : i32
        %gather3A_847 = arith.constant 0 : i32
        %gather3A_848 = arith.constant 0 : i32
        %gather3A_849 = tpu.memref_slice %arg6[%gather3A_846, %gather3A_847, %gather3A_848] : memref<4x128x32xf32, #tpu.memory_space<vmem>> -> memref<1x128x32xf32, #tpu.memory_space<vmem>>
        %gather3A_850 = tpu.memref_squeeze %gather3A_849 : memref<1x128x32xf32, #tpu.memory_space<vmem>> -> memref<128x32xf32, #tpu.memory_space<vmem>>
        %gather3A_851 = tpu.vector_load_idx %gather3A_850[%add3A_845, %add3A_750] : memref<128x32xf32, #tpu.memory_space<vmem>>[vector<16xi32>, vector<16xi32>], vector<16xf32>,
        %add3A_852 = arith.addi %mul3A_753, %add3A_845 : vector<16xi32>
        %scatter3A_853 = arith.constant 0 : i32
        %scatter3A_854 = tpu.memref_slice %arg7[%scan3A_634, %scatter3A_853] : memref<2x4096xf32, #tpu.memory_space<vmem>> -> memref<1x4096xf32, #tpu.memory_space<vmem>>
        %scatter3A_855 = tpu.memref_squeeze %scatter3A_854 : memref<1x4096xf32, #tpu.memory_space<vmem>> -> memref<4096xf32, #tpu.memory_space<vmem>>
        tpu.vector_store_idx %scatter3A_855[%add3A_852], %gather3A_851 : memref<4096xf32, #tpu.memory_space<vmem>>[vector<16xi32>], vector<16xf32>,
        %add3A_856 = arith.constant 16 : i32
        %add3A_857 = vector.broadcast %add3A_856 : i32 to vector<16xi32>
        %add3A_858 = arith.addi %add3A_857, %rem3A_747 : vector<16xi32>
        %mul3A_859 = arith.constant 128 : i32
        %mul3A_860 = vector.broadcast %mul3A_859 : i32 to vector<16xi32>
        %mul3A_861 = arith.muli %add3A_858, %mul3A_860 : vector<16xi32>
        %add3A_862 = arith.constant 0 : i32
        %add3A_863 = vector.broadcast %add3A_862 : i32 to vector<16xi32>
        %add3A_864 = arith.addi %add3A_863, %iota3A : vector<16xi32>
        %gather3A_865 = arith.constant 3 : i32
        %gather3A_866 = arith.constant 0 : i32
        %gather3A_867 = arith.constant 0 : i32
        %gather3A_868 = tpu.memref_slice %arg6[%gather3A_865, %gather3A_866, %gather3A_867] : memref<4x128x32xf32, #tpu.memory_space<vmem>> -> memref<1x128x32xf32, #tpu.memory_space<vmem>>
        %gather3A_869 = tpu.memref_squeeze %gather3A_868 : memref<1x128x32xf32, #tpu.memory_space<vmem>> -> memref<128x32xf32, #tpu.memory_space<vmem>>
        %gather3A_870 = tpu.vector_load_idx %gather3A_869[%add3A_864, %add3A_858] : memref<128x32xf32, #tpu.memory_space<vmem>>[vector<16xi32>, vector<16xi32>], vector<16xf32>,
        %add3A_871 = arith.addi %mul3A_861, %add3A_864 : vector<16xi32>
        %scatter3A_872 = arith.constant 0 : i32
        %scatter3A_873 = tpu.memref_slice %arg7[%scan3A_634, %scatter3A_872] : memref<2x4096xf32, #tpu.memory_space<vmem>> -> memref<1x4096xf32, #tpu.memory_space<vmem>>
        %scatter3A_874 = tpu.memref_squeeze %scatter3A_873 : memref<1x4096xf32, #tpu.memory_space<vmem>> -> memref<4096xf32, #tpu.memory_space<vmem>>
        tpu.vector_store_idx %scatter3A_874[%add3A_871], %gather3A_870 : memref<4096xf32, #tpu.memory_space<vmem>>[vector<16xi32>], vector<16xf32>,
        %add3A_875 = arith.constant 16 : i32
        %add3A_876 = vector.broadcast %add3A_875 : i32 to vector<16xi32>
        %add3A_877 = arith.addi %add3A_876, %iota3A : vector<16xi32>
        %gather3A_878 = arith.constant 3 : i32
        %gather3A_879 = arith.constant 0 : i32
        %gather3A_880 = arith.constant 0 : i32
        %gather3A_881 = tpu.memref_slice %arg6[%gather3A_878, %gather3A_879, %gather3A_880] : memref<4x128x32xf32, #tpu.memory_space<vmem>> -> memref<1x128x32xf32, #tpu.memory_space<vmem>>
        %gather3A_882 = tpu.memref_squeeze %gather3A_881 : memref<1x128x32xf32, #tpu.memory_space<vmem>> -> memref<128x32xf32, #tpu.memory_space<vmem>>
        %gather3A_883 = tpu.vector_load_idx %gather3A_882[%add3A_877, %add3A_858] : memref<128x32xf32, #tpu.memory_space<vmem>>[vector<16xi32>, vector<16xi32>], vector<16xf32>,
        %add3A_884 = arith.addi %mul3A_861, %add3A_877 : vector<16xi32>
        %scatter3A_885 = arith.constant 0 : i32
        %scatter3A_886 = tpu.memref_slice %arg7[%scan3A_634, %scatter3A_885] : memref<2x4096xf32, #tpu.memory_space<vmem>> -> memref<1x4096xf32, #tpu.memory_space<vmem>>
        %scatter3A_887 = tpu.memref_squeeze %scatter3A_886 : memref<1x4096xf32, #tpu.memory_space<vmem>> -> memref<4096xf32, #tpu.memory_space<vmem>>
        tpu.vector_store_idx %scatter3A_887[%add3A_884], %gather3A_883 : memref<4096xf32, #tpu.memory_space<vmem>>[vector<16xi32>], vector<16xf32>,
        %add3A_888 = arith.constant 32 : i32
        %add3A_889 = vector.broadcast %add3A_888 : i32 to vector<16xi32>
        %add3A_890 = arith.addi %add3A_889, %iota3A : vector<16xi32>
        %gather3A_891 = arith.constant 3 : i32
        %gather3A_892 = arith.constant 0 : i32
        %gather3A_893 = arith.constant 0 : i32
        %gather3A_894 = tpu.memref_slice %arg6[%gather3A_891, %gather3A_892, %gather3A_893] : memref<4x128x32xf32, #tpu.memory_space<vmem>> -> memref<1x128x32xf32, #tpu.memory_space<vmem>>
        %gather3A_895 = tpu.memref_squeeze %gather3A_894 : memref<1x128x32xf32, #tpu.memory_space<vmem>> -> memref<128x32xf32, #tpu.memory_space<vmem>>
        %gather3A_896 = tpu.vector_load_idx %gather3A_895[%add3A_890, %add3A_858] : memref<128x32xf32, #tpu.memory_space<vmem>>[vector<16xi32>, vector<16xi32>], vector<16xf32>,
        %add3A_897 = arith.addi %mul3A_861, %add3A_890 : vector<16xi32>
        %scatter3A_898 = arith.constant 0 : i32
        %scatter3A_899 = tpu.memref_slice %arg7[%scan3A_634, %scatter3A_898] : memref<2x4096xf32, #tpu.memory_space<vmem>> -> memref<1x4096xf32, #tpu.memory_space<vmem>>
        %scatter3A_900 = tpu.memref_squeeze %scatter3A_899 : memref<1x4096xf32, #tpu.memory_space<vmem>> -> memref<4096xf32, #tpu.memory_space<vmem>>
        tpu.vector_store_idx %scatter3A_900[%add3A_897], %gather3A_896 : memref<4096xf32, #tpu.memory_space<vmem>>[vector<16xi32>], vector<16xf32>,
        %add3A_901 = arith.constant 48 : i32
        %add3A_902 = vector.broadcast %add3A_901 : i32 to vector<16xi32>
        %add3A_903 = arith.addi %add3A_902, %iota3A : vector<16xi32>
        %gather3A_904 = arith.constant 3 : i32
        %gather3A_905 = arith.constant 0 : i32
        %gather3A_906 = arith.constant 0 : i32
        %gather3A_907 = tpu.memref_slice %arg6[%gather3A_904, %gather3A_905, %gather3A_906] : memref<4x128x32xf32, #tpu.memory_space<vmem>> -> memref<1x128x32xf32, #tpu.memory_space<vmem>>
        %gather3A_908 = tpu.memref_squeeze %gather3A_907 : memref<1x128x32xf32, #tpu.memory_space<vmem>> -> memref<128x32xf32, #tpu.memory_space<vmem>>
        %gather3A_909 = tpu.vector_load_idx %gather3A_908[%add3A_903, %add3A_858] : memref<128x32xf32, #tpu.memory_space<vmem>>[vector<16xi32>, vector<16xi32>], vector<16xf32>,
        %add3A_910 = arith.addi %mul3A_861, %add3A_903 : vector<16xi32>
        %scatter3A_911 = arith.constant 0 : i32
        %scatter3A_912 = tpu.memref_slice %arg7[%scan3A_634, %scatter3A_911] : memref<2x4096xf32, #tpu.memory_space<vmem>> -> memref<1x4096xf32, #tpu.memory_space<vmem>>
        %scatter3A_913 = tpu.memref_squeeze %scatter3A_912 : memref<1x4096xf32, #tpu.memory_space<vmem>> -> memref<4096xf32, #tpu.memory_space<vmem>>
        tpu.vector_store_idx %scatter3A_913[%add3A_910], %gather3A_909 : memref<4096xf32, #tpu.memory_space<vmem>>[vector<16xi32>], vector<16xf32>,
        %add3A_914 = arith.constant 64 : i32
        %add3A_915 = vector.broadcast %add3A_914 : i32 to vector<16xi32>
        %add3A_916 = arith.addi %add3A_915, %iota3A : vector<16xi32>
        %gather3A_917 = arith.constant 3 : i32
        %gather3A_918 = arith.constant 0 : i32
        %gather3A_919 = arith.constant 0 : i32
        %gather3A_920 = tpu.memref_slice %arg6[%gather3A_917, %gather3A_918, %gather3A_919] : memref<4x128x32xf32, #tpu.memory_space<vmem>> -> memref<1x128x32xf32, #tpu.memory_space<vmem>>
        %gather3A_921 = tpu.memref_squeeze %gather3A_920 : memref<1x128x32xf32, #tpu.memory_space<vmem>> -> memref<128x32xf32, #tpu.memory_space<vmem>>
        %gather3A_922 = tpu.vector_load_idx %gather3A_921[%add3A_916, %add3A_858] : memref<128x32xf32, #tpu.memory_space<vmem>>[vector<16xi32>, vector<16xi32>], vector<16xf32>,
        %add3A_923 = arith.addi %mul3A_861, %add3A_916 : vector<16xi32>
        %scatter3A_924 = arith.constant 0 : i32
        %scatter3A_925 = tpu.memref_slice %arg7[%scan3A_634, %scatter3A_924] : memref<2x4096xf32, #tpu.memory_space<vmem>> -> memref<1x4096xf32, #tpu.memory_space<vmem>>
        %scatter3A_926 = tpu.memref_squeeze %scatter3A_925 : memref<1x4096xf32, #tpu.memory_space<vmem>> -> memref<4096xf32, #tpu.memory_space<vmem>>
        tpu.vector_store_idx %scatter3A_926[%add3A_923], %gather3A_922 : memref<4096xf32, #tpu.memory_space<vmem>>[vector<16xi32>], vector<16xf32>,
        %add3A_927 = arith.constant 80 : i32
        %add3A_928 = vector.broadcast %add3A_927 : i32 to vector<16xi32>
        %add3A_929 = arith.addi %add3A_928, %iota3A : vector<16xi32>
        %gather3A_930 = arith.constant 3 : i32
        %gather3A_931 = arith.constant 0 : i32
        %gather3A_932 = arith.constant 0 : i32
        %gather3A_933 = tpu.memref_slice %arg6[%gather3A_930, %gather3A_931, %gather3A_932] : memref<4x128x32xf32, #tpu.memory_space<vmem>> -> memref<1x128x32xf32, #tpu.memory_space<vmem>>
        %gather3A_934 = tpu.memref_squeeze %gather3A_933 : memref<1x128x32xf32, #tpu.memory_space<vmem>> -> memref<128x32xf32, #tpu.memory_space<vmem>>
        %gather3A_935 = tpu.vector_load_idx %gather3A_934[%add3A_929, %add3A_858] : memref<128x32xf32, #tpu.memory_space<vmem>>[vector<16xi32>, vector<16xi32>], vector<16xf32>,
        %add3A_936 = arith.addi %mul3A_861, %add3A_929 : vector<16xi32>
        %scatter3A_937 = arith.constant 0 : i32
        %scatter3A_938 = tpu.memref_slice %arg7[%scan3A_634, %scatter3A_937] : memref<2x4096xf32, #tpu.memory_space<vmem>> -> memref<1x4096xf32, #tpu.memory_space<vmem>>
        %scatter3A_939 = tpu.memref_squeeze %scatter3A_938 : memref<1x4096xf32, #tpu.memory_space<vmem>> -> memref<4096xf32, #tpu.memory_space<vmem>>
        tpu.vector_store_idx %scatter3A_939[%add3A_936], %gather3A_935 : memref<4096xf32, #tpu.memory_space<vmem>>[vector<16xi32>], vector<16xf32>,
        %add3A_940 = arith.constant 96 : i32
        %add3A_941 = vector.broadcast %add3A_940 : i32 to vector<16xi32>
        %add3A_942 = arith.addi %add3A_941, %iota3A : vector<16xi32>
        %gather3A_943 = arith.constant 3 : i32
        %gather3A_944 = arith.constant 0 : i32
        %gather3A_945 = arith.constant 0 : i32
        %gather3A_946 = tpu.memref_slice %arg6[%gather3A_943, %gather3A_944, %gather3A_945] : memref<4x128x32xf32, #tpu.memory_space<vmem>> -> memref<1x128x32xf32, #tpu.memory_space<vmem>>
        %gather3A_947 = tpu.memref_squeeze %gather3A_946 : memref<1x128x32xf32, #tpu.memory_space<vmem>> -> memref<128x32xf32, #tpu.memory_space<vmem>>
        %gather3A_948 = tpu.vector_load_idx %gather3A_947[%add3A_942, %add3A_858] : memref<128x32xf32, #tpu.memory_space<vmem>>[vector<16xi32>, vector<16xi32>], vector<16xf32>,
        %add3A_949 = arith.addi %mul3A_861, %add3A_942 : vector<16xi32>
        %scatter3A_950 = arith.constant 0 : i32
        %scatter3A_951 = tpu.memref_slice %arg7[%scan3A_634, %scatter3A_950] : memref<2x4096xf32, #tpu.memory_space<vmem>> -> memref<1x4096xf32, #tpu.memory_space<vmem>>
        %scatter3A_952 = tpu.memref_squeeze %scatter3A_951 : memref<1x4096xf32, #tpu.memory_space<vmem>> -> memref<4096xf32, #tpu.memory_space<vmem>>
        tpu.vector_store_idx %scatter3A_952[%add3A_949], %gather3A_948 : memref<4096xf32, #tpu.memory_space<vmem>>[vector<16xi32>], vector<16xf32>,
        %add3A_953 = arith.constant 112 : i32
        %add3A_954 = vector.broadcast %add3A_953 : i32 to vector<16xi32>
        %add3A_955 = arith.addi %add3A_954, %iota3A : vector<16xi32>
        %gather3A_956 = arith.constant 3 : i32
        %gather3A_957 = arith.constant 0 : i32
        %gather3A_958 = arith.constant 0 : i32
        %gather3A_959 = tpu.memref_slice %arg6[%gather3A_956, %gather3A_957, %gather3A_958] : memref<4x128x32xf32, #tpu.memory_space<vmem>> -> memref<1x128x32xf32, #tpu.memory_space<vmem>>
        %gather3A_960 = tpu.memref_squeeze %gather3A_959 : memref<1x128x32xf32, #tpu.memory_space<vmem>> -> memref<128x32xf32, #tpu.memory_space<vmem>>
        %gather3A_961 = tpu.vector_load_idx %gather3A_960[%add3A_955, %add3A_858] : memref<128x32xf32, #tpu.memory_space<vmem>>[vector<16xi32>, vector<16xi32>], vector<16xf32>,
        %add3A_962 = arith.addi %mul3A_861, %add3A_955 : vector<16xi32>
        %scatter3A_963 = arith.constant 0 : i32
        %scatter3A_964 = tpu.memref_slice %arg7[%scan3A_634, %scatter3A_963] : memref<2x4096xf32, #tpu.memory_space<vmem>> -> memref<1x4096xf32, #tpu.memory_space<vmem>>
        %scatter3A_965 = tpu.memref_squeeze %scatter3A_964 : memref<1x4096xf32, #tpu.memory_space<vmem>> -> memref<4096xf32, #tpu.memory_space<vmem>>
        tpu.vector_store_idx %scatter3A_965[%add3A_962], %gather3A_961 : memref<4096xf32, #tpu.memory_space<vmem>>[vector<16xi32>], vector<16xf32>,
      }
      %scan3A_639 = arith.constant 16 : i32
      %add3A_640 = arith.addi %mul3A_2, %add3A_612 : i32
      %jit3A_641 = arith.constant 32 : i32
      %div3A_642 = arith.divsi %add3A_640, %jit3A_641 : i32
      %sign3A_643 = arith.constant 0 : i32
      %sign3A_644 = arith.cmpi sgt, %add3A_640, %sign3A_643 : i32
      %sign3A_645 = arith.extui %sign3A_644 : i1 to i32
      %sign3A_646 = arith.constant 0 : i32
      %sign3A_647 = arith.cmpi slt, %add3A_640, %sign3A_646 : i32
      %sign3A_648 = arith.extui %sign3A_647 : i1 to i32
      %sign3A_649 = arith.subi %sign3A_645, %sign3A_648 : i32
      %sign3A_650 = arith.constant 0 : i32
      %sign3A_651 = arith.cmpi sgt, %jit3A_641, %sign3A_650 : i32
      %sign3A_652 = arith.extui %sign3A_651 : i1 to i32
      %sign3A_653 = arith.constant 0 : i32
      %sign3A_654 = arith.cmpi slt, %jit3A_641, %sign3A_653 : i32
      %sign3A_655 = arith.extui %sign3A_654 : i1 to i32
      %sign3A_656 = arith.subi %sign3A_652, %sign3A_655 : i32
      %ne3A_657 = arith.cmpi ne, %sign3A_649, %sign3A_656 : i32
      %rem3A_658 = arith.remsi %add3A_640, %jit3A_641 : i32
      %ne3A_659 = arith.constant 0 : i32
      %ne3A_660 = arith.cmpi ne, %rem3A_658, %ne3A_659 : i32
      %and3A_661 = arith.andi %ne3A_657, %ne3A_660 : i1
      %sub3A_662 = arith.constant 1 : i32
      %sub3A_663 = arith.subi %div3A_642, %sub3A_662 : i32
      %select_n3A_664 = arith.select %and3A_661, %sub3A_663, %div3A_642 : i32
      %rem3A_665 = arith.constant 32 : i32
      %rem3A_666 = arith.remsi %add3A_640, %rem3A_665 : i32
      %dma_start3A_667 = arith.constant 1 : i32
      %dma_start3A_668 = arith.constant 0 : i32
      %dma_start3A_669 = arith.constant 1 : i32
      %dma_start3A_670 = arith.constant 0 : i32
      %dma_start3A_671 = tpu.memref_slice %arg7[%dma_start3A_667, %dma_start3A_670] : memref<2x4096xf32, #tpu.memory_space<vmem>> -> memref<1x1024xf32, #tpu.memory_space<vmem>>
      %dma_start3A_672 = tpu.memref_squeeze %dma_start3A_671 : memref<1x1024xf32, #tpu.memory_space<vmem>> -> memref<1024xf32, #tpu.memory_space<vmem>>
      %dma_start3A_673 = arith.constant 0 : i32
      %dma_start3A_674 = tpu.memref_slice %arg4[%select_n3A_664, %dma_start3A_668, %rem3A_666, %dma_start3A_673] : memref<220x4x32x1024xf32, #tpu.memory_space<hbm>> -> memref<1x1x1x1024xf32, #tpu.memory_space<hbm>>
      %dma_start3A_675 = tpu.memref_squeeze %dma_start3A_674 : memref<1x1x1x1024xf32, #tpu.memory_space<hbm>> -> memref<1024xf32, #tpu.memory_space<hbm>>
      %dma_start3A_676 = tpu.memref_slice %arg9[%dma_start3A_669] : memref<2x!tpu.dma_semaphore, #tpu.memory_space<semaphore_mem>> -> memref<1x!tpu.dma_semaphore, #tpu.memory_space<semaphore_mem>>
      %dma_start3A_677 = tpu.memref_squeeze %dma_start3A_676 : memref<1x!tpu.dma_semaphore, #tpu.memory_space<semaphore_mem>> -> memref<!tpu.dma_semaphore, #tpu.memory_space<semaphore_mem>>
      %dma_start3A_678 = arith.constant 0 : i32
      %dma_start3A_679 = tpu.memref_slice %arg4[%select_n3A_664, %dma_start3A_668, %rem3A_666, %dma_start3A_678] : memref<220x4x32x1024xf32, #tpu.memory_space<hbm>> -> memref<1x1x1x1024xf32, #tpu.memory_space<hbm>>
      %dma_start3A_680 = tpu.memref_squeeze %dma_start3A_679 : memref<1x1x1x1024xf32, #tpu.memory_space<hbm>> -> memref<1024xf32, #tpu.memory_space<hbm>>
      %dma_start3A_681 = arith.constant 0 : i32
      %dma_start3A_682 = tpu.memref_slice %arg7[%dma_start3A_667, %dma_start3A_681] : memref<2x4096xf32, #tpu.memory_space<vmem>> -> memref<1x1024xf32, #tpu.memory_space<vmem>>
      %dma_start3A_683 = tpu.memref_squeeze %dma_start3A_682 : memref<1x1024xf32, #tpu.memory_space<vmem>> -> memref<1024xf32, #tpu.memory_space<vmem>>
      tpu.enqueue_dma source(%dma_start3A_683 : memref<1024xf32, #tpu.memory_space<vmem>>) target(%dma_start3A_680 : memref<1024xf32, #tpu.memory_space<hbm>>) target_semaphore(%dma_start3A_677 : memref<!tpu.dma_semaphore, #tpu.memory_space<semaphore_mem>>)
      %dma_start3A_684 = arith.constant 1 : i32
      %dma_start3A_685 = arith.constant 1 : i32
      %dma_start3A_686 = arith.constant 1 : i32
      %dma_start3A_687 = arith.constant 1024 : i32
      %dma_start3A_688 = tpu.memref_slice %arg7[%dma_start3A_684, %dma_start3A_687] : memref<2x4096xf32, #tpu.memory_space<vmem>> -> memref<1x1024xf32, #tpu.memory_space<vmem>>
      %dma_start3A_689 = tpu.memref_squeeze %dma_start3A_688 : memref<1x1024xf32, #tpu.memory_space<vmem>> -> memref<1024xf32, #tpu.memory_space<vmem>>
      %dma_start3A_690 = arith.constant 0 : i32
      %dma_start3A_691 = tpu.memref_slice %arg4[%select_n3A_664, %dma_start3A_685, %rem3A_666, %dma_start3A_690] : memref<220x4x32x1024xf32, #tpu.memory_space<hbm>> -> memref<1x1x1x1024xf32, #tpu.memory_space<hbm>>
      %dma_start3A_692 = tpu.memref_squeeze %dma_start3A_691 : memref<1x1x1x1024xf32, #tpu.memory_space<hbm>> -> memref<1024xf32, #tpu.memory_space<hbm>>
      %dma_start3A_693 = tpu.memref_slice %arg9[%dma_start3A_686] : memref<2x!tpu.dma_semaphore, #tpu.memory_space<semaphore_mem>> -> memref<1x!tpu.dma_semaphore, #tpu.memory_space<semaphore_mem>>
      %dma_start3A_694 = tpu.memref_squeeze %dma_start3A_693 : memref<1x!tpu.dma_semaphore, #tpu.memory_space<semaphore_mem>> -> memref<!tpu.dma_semaphore, #tpu.memory_space<semaphore_mem>>
      %dma_start3A_695 = arith.constant 0 : i32
      %dma_start3A_696 = tpu.memref_slice %arg4[%select_n3A_664, %dma_start3A_685, %rem3A_666, %dma_start3A_695] : memref<220x4x32x1024xf32, #tpu.memory_space<hbm>> -> memref<1x1x1x1024xf32, #tpu.memory_space<hbm>>
      %dma_start3A_697 = tpu.memref_squeeze %dma_start3A_696 : memref<1x1x1x1024xf32, #tpu.memory_space<hbm>> -> memref<1024xf32, #tpu.memory_space<hbm>>
      %dma_start3A_698 = arith.constant 1024 : i32
      %dma_start3A_699 = tpu.memref_slice %arg7[%dma_start3A_684, %dma_start3A_698] : memref<2x4096xf32, #tpu.memory_space<vmem>> -> memref<1x1024xf32, #tpu.memory_space<vmem>>
      %dma_start3A_700 = tpu.memref_squeeze %dma_start3A_699 : memref<1x1024xf32, #tpu.memory_space<vmem>> -> memref<1024xf32, #tpu.memory_space<vmem>>
      tpu.enqueue_dma source(%dma_start3A_700 : memref<1024xf32, #tpu.memory_space<vmem>>) target(%dma_start3A_697 : memref<1024xf32, #tpu.memory_space<hbm>>) target_semaphore(%dma_start3A_694 : memref<!tpu.dma_semaphore, #tpu.memory_space<semaphore_mem>>)
      %dma_start3A_701 = arith.constant 1 : i32
      %dma_start3A_702 = arith.constant 2 : i32
      %dma_start3A_703 = arith.constant 1 : i32
      %dma_start3A_704 = arith.constant 2048 : i32
      %dma_start3A_705 = tpu.memref_slice %arg7[%dma_start3A_701, %dma_start3A_704] : memref<2x4096xf32, #tpu.memory_space<vmem>> -> memref<1x1024xf32, #tpu.memory_space<vmem>>
      %dma_start3A_706 = tpu.memref_squeeze %dma_start3A_705 : memref<1x1024xf32, #tpu.memory_space<vmem>> -> memref<1024xf32, #tpu.memory_space<vmem>>
      %dma_start3A_707 = arith.constant 0 : i32
      %dma_start3A_708 = tpu.memref_slice %arg4[%select_n3A_664, %dma_start3A_702, %rem3A_666, %dma_start3A_707] : memref<220x4x32x1024xf32, #tpu.memory_space<hbm>> -> memref<1x1x1x1024xf32, #tpu.memory_space<hbm>>
      %dma_start3A_709 = tpu.memref_squeeze %dma_start3A_708 : memref<1x1x1x1024xf32, #tpu.memory_space<hbm>> -> memref<1024xf32, #tpu.memory_space<hbm>>
      %dma_start3A_710 = tpu.memref_slice %arg9[%dma_start3A_703] : memref<2x!tpu.dma_semaphore, #tpu.memory_space<semaphore_mem>> -> memref<1x!tpu.dma_semaphore, #tpu.memory_space<semaphore_mem>>
      %dma_start3A_711 = tpu.memref_squeeze %dma_start3A_710 : memref<1x!tpu.dma_semaphore, #tpu.memory_space<semaphore_mem>> -> memref<!tpu.dma_semaphore, #tpu.memory_space<semaphore_mem>>
      %dma_start3A_712 = arith.constant 0 : i32
      %dma_start3A_713 = tpu.memref_slice %arg4[%select_n3A_664, %dma_start3A_702, %rem3A_666, %dma_start3A_712] : memref<220x4x32x1024xf32, #tpu.memory_space<hbm>> -> memref<1x1x1x1024xf32, #tpu.memory_space<hbm>>
      %dma_start3A_714 = tpu.memref_squeeze %dma_start3A_713 : memref<1x1x1x1024xf32, #tpu.memory_space<hbm>> -> memref<1024xf32, #tpu.memory_space<hbm>>
      %dma_start3A_715 = arith.constant 2048 : i32
      %dma_start3A_716 = tpu.memref_slice %arg7[%dma_start3A_701, %dma_start3A_715] : memref<2x4096xf32, #tpu.memory_space<vmem>> -> memref<1x1024xf32, #tpu.memory_space<vmem>>
      %dma_start3A_717 = tpu.memref_squeeze %dma_start3A_716 : memref<1x1024xf32, #tpu.memory_space<vmem>> -> memref<1024xf32, #tpu.memory_space<vmem>>
      tpu.enqueue_dma source(%dma_start3A_717 : memref<1024xf32, #tpu.memory_space<vmem>>) target(%dma_start3A_714 : memref<1024xf32, #tpu.memory_space<hbm>>) target_semaphore(%dma_start3A_711 : memref<!tpu.dma_semaphore, #tpu.memory_space<semaphore_mem>>)
      %dma_start3A_718 = arith.constant 1 : i32
      %dma_start3A_719 = arith.constant 3 : i32
      %dma_start3A_720 = arith.constant 1 : i32
      %dma_start3A_721 = arith.constant 3072 : i32
      %dma_start3A_722 = tpu.memref_slice %arg7[%dma_start3A_718, %dma_start3A_721] : memref<2x4096xf32, #tpu.memory_space<vmem>> -> memref<1x1024xf32, #tpu.memory_space<vmem>>
      %dma_start3A_723 = tpu.memref_squeeze %dma_start3A_722 : memref<1x1024xf32, #tpu.memory_space<vmem>> -> memref<1024xf32, #tpu.memory_space<vmem>>
      %dma_start3A_724 = arith.constant 0 : i32
      %dma_start3A_725 = tpu.memref_slice %arg4[%select_n3A_664, %dma_start3A_719, %rem3A_666, %dma_start3A_724] : memref<220x4x32x1024xf32, #tpu.memory_space<hbm>> -> memref<1x1x1x1024xf32, #tpu.memory_space<hbm>>
      %dma_start3A_726 = tpu.memref_squeeze %dma_start3A_725 : memref<1x1x1x1024xf32, #tpu.memory_space<hbm>> -> memref<1024xf32, #tpu.memory_space<hbm>>
      %dma_start3A_727 = tpu.memref_slice %arg9[%dma_start3A_720] : memref<2x!tpu.dma_semaphore, #tpu.memory_space<semaphore_mem>> -> memref<1x!tpu.dma_semaphore, #tpu.memory_space<semaphore_mem>>
      %dma_start3A_728 = tpu.memref_squeeze %dma_start3A_727 : memref<1x!tpu.dma_semaphore, #tpu.memory_space<semaphore_mem>> -> memref<!tpu.dma_semaphore, #tpu.memory_space<semaphore_mem>>
      %dma_start3A_729 = arith.constant 0 : i32
      %dma_start3A_730 = tpu.memref_slice %arg4[%select_n3A_664, %dma_start3A_719, %rem3A_666, %dma_start3A_729] : memref<220x4x32x1024xf32, #tpu.memory_space<hbm>> -> memref<1x1x1x1024xf32, #tpu.memory_space<hbm>>
      %dma_start3A_731 = tpu.memref_squeeze %dma_start3A_730 : memref<1x1x1x1024xf32, #tpu.memory_space<hbm>> -> memref<1024xf32, #tpu.memory_space<hbm>>
      %dma_start3A_732 = arith.constant 3072 : i32
      %dma_start3A_733 = tpu.memref_slice %arg7[%dma_start3A_718, %dma_start3A_732] : memref<2x4096xf32, #tpu.memory_space<vmem>> -> memref<1x1024xf32, #tpu.memory_space<vmem>>
      %dma_start3A_734 = tpu.memref_squeeze %dma_start3A_733 : memref<1x1024xf32, #tpu.memory_space<vmem>> -> memref<1024xf32, #tpu.memory_space<vmem>>
      tpu.enqueue_dma source(%dma_start3A_734 : memref<1024xf32, #tpu.memory_space<vmem>>) target(%dma_start3A_731 : memref<1024xf32, #tpu.memory_space<hbm>>) target_semaphore(%dma_start3A_728 : memref<!tpu.dma_semaphore, #tpu.memory_space<semaphore_mem>>)
      %add3A_735 = arith.constant 4 : i32
      %add3A_736 = arith.addi %add3A_612, %add3A_735 : i32
      %lt3A_737 = arith.constant 220 : i32
      %lt3A_738 = arith.cmpi slt, %add3A_736, %lt3A_737 : i32
      %convert_element_type3A_739 = arith.extui %lt3A_738 : i1 to i32
      %cond3A_740 = arith.constant 0 : i32
      %cond3A_741 = arith.cmpi ne, %convert_element_type3A_739, %cond3A_740 : i32
      scf.if %cond3A_741 {
        %add3A_742 = arith.constant 4 : i32
        %add3A_743 = arith.addi %add3A_612, %add3A_742 : i32
        %dma_start3A_744 = arith.constant 3 : i32
        %dma_start3A_745 = arith.constant 3 : i32
        %dma_start3A_746 = arith.constant 0 : i32
        %dma_start3A_747 = arith.constant 0 : i32
        %dma_start3A_748 = tpu.memref_slice %arg6[%dma_start3A_744, %dma_start3A_746, %dma_start3A_747] : memref<4x128x32xf32, #tpu.memory_space<vmem>> -> memref<1x128x32xf32, #tpu.memory_space<vmem>>
        %dma_start3A_749 = tpu.memref_squeeze %dma_start3A_748 : memref<1x128x32xf32, #tpu.memory_space<vmem>> -> memref<128x32xf32, #tpu.memory_space<vmem>>
        %dma_start3A_750 = arith.constant 0 : i32
        %dma_start3A_751 = tpu.memref_slice %arg5[%add3A_743, %dma_start3A_750] : memref<220x128xi32, #tpu.memory_space<vmem>> -> memref<1x128xi32, #tpu.memory_space<vmem>>
        %dma_start3A_752 = tpu.memref_squeeze %dma_start3A_751 : memref<1x128xi32, #tpu.memory_space<vmem>> -> memref<128xi32, #tpu.memory_space<vmem>>
        %dma_start3A_753 = arith.constant 0 : i32
        %dma_start3A_754 = arith.constant 0 : i32
        %dma_start3A_755 = tpu.memref_slice %arg2[%dma_start3A_753, %dma_start3A_754] : memref<1000000x32xf32, #tpu.memory_space<hbm>> -> memref<1000000x32xf32, #tpu.memory_space<hbm>>
        %dma_start3A_756 = tpu.memref_slice %arg8[%dma_start3A_745] : memref<4x!tpu.dma_semaphore, #tpu.memory_space<semaphore_mem>> -> memref<1x!tpu.dma_semaphore, #tpu.memory_space<semaphore_mem>>
        %dma_start3A_757 = tpu.memref_squeeze %dma_start3A_756 : memref<1x!tpu.dma_semaphore, #tpu.memory_space<semaphore_mem>> -> memref<!tpu.dma_semaphore, #tpu.memory_space<semaphore_mem>>
        tpu.enqueue_indirect_dma source(%dma_start3A_755 : memref<1000000x32xf32, #tpu.memory_space<hbm>>) target(%dma_start3A_749 : memref<128x32xf32, #tpu.memory_space<vmem>>) offsets(%dma_start3A_752 : memref<128xi32, #tpu.memory_space<vmem>>) semaphore(%dma_start3A_757 : memref<!tpu.dma_semaphore, #tpu.memory_space<semaphore_mem>>)
      } else {
      }
    }
    %scan3A_69 = arith.constant 55 : i32
    %dma_wait3A = arith.constant 0 : i32
    %dma_wait3A_70 = arith.constant 0 : i32
    %dma_wait3A_71 = arith.constant 0 : i32
    %dma_wait3A_72 = arith.constant 0 : i32
    %dma_wait3A_73 = arith.constant 0 : i32
    %dma_wait3A_74 = arith.constant 0 : i32
    %dma_wait3A_75 = tpu.memref_slice %arg7[%dma_wait3A, %dma_wait3A_74] : memref<2x4096xf32, #tpu.memory_space<vmem>> -> memref<1x1024xf32, #tpu.memory_space<vmem>>
    %dma_wait3A_76 = tpu.memref_squeeze %dma_wait3A_75 : memref<1x1024xf32, #tpu.memory_space<vmem>> -> memref<1024xf32, #tpu.memory_space<vmem>>
    %dma_wait3A_77 = arith.constant 0 : i32
    %dma_wait3A_78 = tpu.memref_slice %arg4[%dma_wait3A_70, %dma_wait3A_71, %dma_wait3A_72, %dma_wait3A_77] : memref<220x4x32x1024xf32, #tpu.memory_space<hbm>> -> memref<1x1x1x1024xf32, #tpu.memory_space<hbm>>
    %dma_wait3A_79 = tpu.memref_squeeze %dma_wait3A_78 : memref<1x1x1x1024xf32, #tpu.memory_space<hbm>> -> memref<1024xf32, #tpu.memory_space<hbm>>
    %dma_wait3A_80 = tpu.memref_slice %arg9[%dma_wait3A_73] : memref<2x!tpu.dma_semaphore, #tpu.memory_space<semaphore_mem>> -> memref<1x!tpu.dma_semaphore, #tpu.memory_space<semaphore_mem>>
    %dma_wait3A_81 = tpu.memref_squeeze %dma_wait3A_80 : memref<1x!tpu.dma_semaphore, #tpu.memory_space<semaphore_mem>> -> memref<!tpu.dma_semaphore, #tpu.memory_space<semaphore_mem>>
    %dma_wait3A_82 = arith.constant 0 : i32
    %dma_wait3A_83 = tpu.memref_slice %arg4[%dma_wait3A_70, %dma_wait3A_71, %dma_wait3A_72, %dma_wait3A_82] : memref<220x4x32x1024xf32, #tpu.memory_space<hbm>> -> memref<1x1x1x1024xf32, #tpu.memory_space<hbm>>
    %dma_wait3A_84 = tpu.memref_squeeze %dma_wait3A_83 : memref<1x1x1x1024xf32, #tpu.memory_space<hbm>> -> memref<1024xf32, #tpu.memory_space<hbm>>
    %dma_wait3A_85 = arith.constant 0 : i32
    %dma_wait3A_86 = tpu.memref_slice %arg7[%dma_wait3A, %dma_wait3A_85] : memref<2x4096xf32, #tpu.memory_space<vmem>> -> memref<1x1024xf32, #tpu.memory_space<vmem>>
    %dma_wait3A_87 = tpu.memref_squeeze %dma_wait3A_86 : memref<1x1024xf32, #tpu.memory_space<vmem>> -> memref<1024xf32, #tpu.memory_space<vmem>>
    tpu.wait_dma2 semaphore(%dma_wait3A_81 : memref<!tpu.dma_semaphore, #tpu.memory_space<semaphore_mem>>) src(%dma_wait3A_87 : memref<1024xf32, #tpu.memory_space<vmem>>) dst(%dma_wait3A_84 : memref<1024xf32, #tpu.memory_space<hbm>>)
    %dma_wait3A_88 = arith.constant 0 : i32
    %dma_wait3A_89 = arith.constant 0 : i32
    %dma_wait3A_90 = arith.constant 1 : i32
    %dma_wait3A_91 = arith.constant 0 : i32
    %dma_wait3A_92 = arith.constant 0 : i32
    %dma_wait3A_93 = arith.constant 1024 : i32
    %dma_wait3A_94 = tpu.memref_slice %arg7[%dma_wait3A_88, %dma_wait3A_93] : memref<2x4096xf32, #tpu.memory_space<vmem>> -> memref<1x1024xf32, #tpu.memory_space<vmem>>
    %dma_wait3A_95 = tpu.memref_squeeze %dma_wait3A_94 : memref<1x1024xf32, #tpu.memory_space<vmem>> -> memref<1024xf32, #tpu.memory_space<vmem>>
    %dma_wait3A_96 = arith.constant 0 : i32
    %dma_wait3A_97 = tpu.memref_slice %arg4[%dma_wait3A_89, %dma_wait3A_90, %dma_wait3A_91, %dma_wait3A_96] : memref<220x4x32x1024xf32, #tpu.memory_space<hbm>> -> memref<1x1x1x1024xf32, #tpu.memory_space<hbm>>
    %dma_wait3A_98 = tpu.memref_squeeze %dma_wait3A_97 : memref<1x1x1x1024xf32, #tpu.memory_space<hbm>> -> memref<1024xf32, #tpu.memory_space<hbm>>
    %dma_wait3A_99 = tpu.memref_slice %arg9[%dma_wait3A_92] : memref<2x!tpu.dma_semaphore, #tpu.memory_space<semaphore_mem>> -> memref<1x!tpu.dma_semaphore, #tpu.memory_space<semaphore_mem>>
    %dma_wait3A_100 = tpu.memref_squeeze %dma_wait3A_99 : memref<1x!tpu.dma_semaphore, #tpu.memory_space<semaphore_mem>> -> memref<!tpu.dma_semaphore, #tpu.memory_space<semaphore_mem>>
    %dma_wait3A_101 = arith.constant 0 : i32
    %dma_wait3A_102 = tpu.memref_slice %arg4[%dma_wait3A_89, %dma_wait3A_90, %dma_wait3A_91, %dma_wait3A_101] : memref<220x4x32x1024xf32, #tpu.memory_space<hbm>> -> memref<1x1x1x1024xf32, #tpu.memory_space<hbm>>
    %dma_wait3A_103 = tpu.memref_squeeze %dma_wait3A_102 : memref<1x1x1x1024xf32, #tpu.memory_space<hbm>> -> memref<1024xf32, #tpu.memory_space<hbm>>
    %dma_wait3A_104 = arith.constant 1024 : i32
    %dma_wait3A_105 = tpu.memref_slice %arg7[%dma_wait3A_88, %dma_wait3A_104] : memref<2x4096xf32, #tpu.memory_space<vmem>> -> memref<1x1024xf32, #tpu.memory_space<vmem>>
    %dma_wait3A_106 = tpu.memref_squeeze %dma_wait3A_105 : memref<1x1024xf32, #tpu.memory_space<vmem>> -> memref<1024xf32, #tpu.memory_space<vmem>>
    tpu.wait_dma2 semaphore(%dma_wait3A_100 : memref<!tpu.dma_semaphore, #tpu.memory_space<semaphore_mem>>) src(%dma_wait3A_106 : memref<1024xf32, #tpu.memory_space<vmem>>) dst(%dma_wait3A_103 : memref<1024xf32, #tpu.memory_space<hbm>>)
    %dma_wait3A_107 = arith.constant 0 : i32
    %dma_wait3A_108 = arith.constant 0 : i32
    %dma_wait3A_109 = arith.constant 2 : i32
    %dma_wait3A_110 = arith.constant 0 : i32
    %dma_wait3A_111 = arith.constant 0 : i32
    %dma_wait3A_112 = arith.constant 2048 : i32
    %dma_wait3A_113 = tpu.memref_slice %arg7[%dma_wait3A_107, %dma_wait3A_112] : memref<2x4096xf32, #tpu.memory_space<vmem>> -> memref<1x1024xf32, #tpu.memory_space<vmem>>
    %dma_wait3A_114 = tpu.memref_squeeze %dma_wait3A_113 : memref<1x1024xf32, #tpu.memory_space<vmem>> -> memref<1024xf32, #tpu.memory_space<vmem>>
    %dma_wait3A_115 = arith.constant 0 : i32
    %dma_wait3A_116 = tpu.memref_slice %arg4[%dma_wait3A_108, %dma_wait3A_109, %dma_wait3A_110, %dma_wait3A_115] : memref<220x4x32x1024xf32, #tpu.memory_space<hbm>> -> memref<1x1x1x1024xf32, #tpu.memory_space<hbm>>
    %dma_wait3A_117 = tpu.memref_squeeze %dma_wait3A_116 : memref<1x1x1x1024xf32, #tpu.memory_space<hbm>> -> memref<1024xf32, #tpu.memory_space<hbm>>
    %dma_wait3A_118 = tpu.memref_slice %arg9[%dma_wait3A_111] : memref<2x!tpu.dma_semaphore, #tpu.memory_space<semaphore_mem>> -> memref<1x!tpu.dma_semaphore, #tpu.memory_space<semaphore_mem>>
    %dma_wait3A_119 = tpu.memref_squeeze %dma_wait3A_118 : memref<1x!tpu.dma_semaphore, #tpu.memory_space<semaphore_mem>> -> memref<!tpu.dma_semaphore, #tpu.memory_space<semaphore_mem>>
    %dma_wait3A_120 = arith.constant 0 : i32
    %dma_wait3A_121 = tpu.memref_slice %arg4[%dma_wait3A_108, %dma_wait3A_109, %dma_wait3A_110, %dma_wait3A_120] : memref<220x4x32x1024xf32, #tpu.memory_space<hbm>> -> memref<1x1x1x1024xf32, #tpu.memory_space<hbm>>
    %dma_wait3A_122 = tpu.memref_squeeze %dma_wait3A_121 : memref<1x1x1x1024xf32, #tpu.memory_space<hbm>> -> memref<1024xf32, #tpu.memory_space<hbm>>
    %dma_wait3A_123 = arith.constant 2048 : i32
    %dma_wait3A_124 = tpu.memref_slice %arg7[%dma_wait3A_107, %dma_wait3A_123] : memref<2x4096xf32, #tpu.memory_space<vmem>> -> memref<1x1024xf32, #tpu.memory_space<vmem>>
    %dma_wait3A_125 = tpu.memref_squeeze %dma_wait3A_124 : memref<1x1024xf32, #tpu.memory_space<vmem>> -> memref<1024xf32, #tpu.memory_space<vmem>>
    tpu.wait_dma2 semaphore(%dma_wait3A_119 : memref<!tpu.dma_semaphore, #tpu.memory_space<semaphore_mem>>) src(%dma_wait3A_125 : memref<1024xf32, #tpu.memory_space<vmem>>) dst(%dma_wait3A_122 : memref<1024xf32, #tpu.memory_space<hbm>>)
    %dma_wait3A_126 = arith.constant 0 : i32
    %dma_wait3A_127 = arith.constant 0 : i32
    %dma_wait3A_128 = arith.constant 3 : i32
    %dma_wait3A_129 = arith.constant 0 : i32
    %dma_wait3A_130 = arith.constant 0 : i32
    %dma_wait3A_131 = arith.constant 3072 : i32
    %dma_wait3A_132 = tpu.memref_slice %arg7[%dma_wait3A_126, %dma_wait3A_131] : memref<2x4096xf32, #tpu.memory_space<vmem>> -> memref<1x1024xf32, #tpu.memory_space<vmem>>
    %dma_wait3A_133 = tpu.memref_squeeze %dma_wait3A_132 : memref<1x1024xf32, #tpu.memory_space<vmem>> -> memref<1024xf32, #tpu.memory_space<vmem>>
    %dma_wait3A_134 = arith.constant 0 : i32
    %dma_wait3A_135 = tpu.memref_slice %arg4[%dma_wait3A_127, %dma_wait3A_128, %dma_wait3A_129, %dma_wait3A_134] : memref<220x4x32x1024xf32, #tpu.memory_space<hbm>> -> memref<1x1x1x1024xf32, #tpu.memory_space<hbm>>
    %dma_wait3A_136 = tpu.memref_squeeze %dma_wait3A_135 : memref<1x1x1x1024xf32, #tpu.memory_space<hbm>> -> memref<1024xf32, #tpu.memory_space<hbm>>
    %dma_wait3A_137 = tpu.memref_slice %arg9[%dma_wait3A_130] : memref<2x!tpu.dma_semaphore, #tpu.memory_space<semaphore_mem>> -> memref<1x!tpu.dma_semaphore, #tpu.memory_space<semaphore_mem>>
    %dma_wait3A_138 = tpu.memref_squeeze %dma_wait3A_137 : memref<1x!tpu.dma_semaphore, #tpu.memory_space<semaphore_mem>> -> memref<!tpu.dma_semaphore, #tpu.memory_space<semaphore_mem>>
    %dma_wait3A_139 = arith.constant 0 : i32
    %dma_wait3A_140 = tpu.memref_slice %arg4[%dma_wait3A_127, %dma_wait3A_128, %dma_wait3A_129, %dma_wait3A_139] : memref<220x4x32x1024xf32, #tpu.memory_space<hbm>> -> memref<1x1x1x1024xf32, #tpu.memory_space<hbm>>
    %dma_wait3A_141 = tpu.memref_squeeze %dma_wait3A_140 : memref<1x1x1x1024xf32, #tpu.memory_space<hbm>> -> memref<1024xf32, #tpu.memory_space<hbm>>
    %dma_wait3A_142 = arith.constant 3072 : i32
    %dma_wait3A_143 = tpu.memref_slice %arg7[%dma_wait3A_126, %dma_wait3A_142] : memref<2x4096xf32, #tpu.memory_space<vmem>> -> memref<1x1024xf32, #tpu.memory_space<vmem>>
    %dma_wait3A_144 = tpu.memref_squeeze %dma_wait3A_143 : memref<1x1024xf32, #tpu.memory_space<vmem>> -> memref<1024xf32, #tpu.memory_space<vmem>>
    tpu.wait_dma2 semaphore(%dma_wait3A_138 : memref<!tpu.dma_semaphore, #tpu.memory_space<semaphore_mem>>) src(%dma_wait3A_144 : memref<1024xf32, #tpu.memory_space<vmem>>) dst(%dma_wait3A_141 : memref<1024xf32, #tpu.memory_space<hbm>>)
    %dma_wait3A_145 = arith.constant 1 : i32
    %dma_wait3A_146 = arith.constant 0 : i32
    %dma_wait3A_147 = arith.constant 0 : i32
    %dma_wait3A_148 = arith.constant 0 : i32
    %dma_wait3A_149 = arith.constant 1 : i32
    %dma_wait3A_150 = arith.constant 0 : i32
    %dma_wait3A_151 = tpu.memref_slice %arg7[%dma_wait3A_145, %dma_wait3A_150] : memref<2x4096xf32, #tpu.memory_space<vmem>> -> memref<1x1024xf32, #tpu.memory_space<vmem>>
    %dma_wait3A_152 = tpu.memref_squeeze %dma_wait3A_151 : memref<1x1024xf32, #tpu.memory_space<vmem>> -> memref<1024xf32, #tpu.memory_space<vmem>>
    %dma_wait3A_153 = arith.constant 0 : i32
    %dma_wait3A_154 = tpu.memref_slice %arg4[%dma_wait3A_146, %dma_wait3A_147, %dma_wait3A_148, %dma_wait3A_153] : memref<220x4x32x1024xf32, #tpu.memory_space<hbm>> -> memref<1x1x1x1024xf32, #tpu.memory_space<hbm>>
    %dma_wait3A_155 = tpu.memref_squeeze %dma_wait3A_154 : memref<1x1x1x1024xf32, #tpu.memory_space<hbm>> -> memref<1024xf32, #tpu.memory_space<hbm>>
    %dma_wait3A_156 = tpu.memref_slice %arg9[%dma_wait3A_149] : memref<2x!tpu.dma_semaphore, #tpu.memory_space<semaphore_mem>> -> memref<1x!tpu.dma_semaphore, #tpu.memory_space<semaphore_mem>>
    %dma_wait3A_157 = tpu.memref_squeeze %dma_wait3A_156 : memref<1x!tpu.dma_semaphore, #tpu.memory_space<semaphore_mem>> -> memref<!tpu.dma_semaphore, #tpu.memory_space<semaphore_mem>>
    %dma_wait3A_158 = arith.constant 0 : i32
    %dma_wait3A_159 = tpu.memref_slice %arg4[%dma_wait3A_146, %dma_wait3A_147, %dma_wait3A_148, %dma_wait3A_158] : memref<220x4x32x1024xf32, #tpu.memory_space<hbm>> -> memref<1x1x1x1024xf32, #tpu.memory_space<hbm>>
    %dma_wait3A_160 = tpu.memref_squeeze %dma_wait3A_159 : memref<1x1x1x1024xf32, #tpu.memory_space<hbm>> -> memref<1024xf32, #tpu.memory_space<hbm>>
    %dma_wait3A_161 = arith.constant 0 : i32
    %dma_wait3A_162 = tpu.memref_slice %arg7[%dma_wait3A_145, %dma_wait3A_161] : memref<2x4096xf32, #tpu.memory_space<vmem>> -> memref<1x1024xf32, #tpu.memory_space<vmem>>
    %dma_wait3A_163 = tpu.memref_squeeze %dma_wait3A_162 : memref<1x1024xf32, #tpu.memory_space<vmem>> -> memref<1024xf32, #tpu.memory_space<vmem>>
    tpu.wait_dma2 semaphore(%dma_wait3A_157 : memref<!tpu.dma_semaphore, #tpu.memory_space<semaphore_mem>>) src(%dma_wait3A_163 : memref<1024xf32, #tpu.memory_space<vmem>>) dst(%dma_wait3A_160 : memref<1024xf32, #tpu.memory_space<hbm>>)
    %dma_wait3A_164 = arith.constant 1 : i32
    %dma_wait3A_165 = arith.constant 0 : i32
    %dma_wait3A_166 = arith.constant 1 : i32
    %dma_wait3A_167 = arith.constant 0 : i32
    %dma_wait3A_168 = arith.constant 1 : i32
    %dma_wait3A_169 = arith.constant 1024 : i32
    %dma_wait3A_170 = tpu.memref_slice %arg7[%dma_wait3A_164, %dma_wait3A_169] : memref<2x4096xf32, #tpu.memory_space<vmem>> -> memref<1x1024xf32, #tpu.memory_space<vmem>>
    %dma_wait3A_171 = tpu.memref_squeeze %dma_wait3A_170 : memref<1x1024xf32, #tpu.memory_space<vmem>> -> memref<1024xf32, #tpu.memory_space<vmem>>
    %dma_wait3A_172 = arith.constant 0 : i32
    %dma_wait3A_173 = tpu.memref_slice %arg4[%dma_wait3A_165, %dma_wait3A_166, %dma_wait3A_167, %dma_wait3A_172] : memref<220x4x32x1024xf32, #tpu.memory_space<hbm>> -> memref<1x1x1x1024xf32, #tpu.memory_space<hbm>>
    %dma_wait3A_174 = tpu.memref_squeeze %dma_wait3A_173 : memref<1x1x1x1024xf32, #tpu.memory_space<hbm>> -> memref<1024xf32, #tpu.memory_space<hbm>>
    %dma_wait3A_175 = tpu.memref_slice %arg9[%dma_wait3A_168] : memref<2x!tpu.dma_semaphore, #tpu.memory_space<semaphore_mem>> -> memref<1x!tpu.dma_semaphore, #tpu.memory_space<semaphore_mem>>
    %dma_wait3A_176 = tpu.memref_squeeze %dma_wait3A_175 : memref<1x!tpu.dma_semaphore, #tpu.memory_space<semaphore_mem>> -> memref<!tpu.dma_semaphore, #tpu.memory_space<semaphore_mem>>
    %dma_wait3A_177 = arith.constant 0 : i32
    %dma_wait3A_178 = tpu.memref_slice %arg4[%dma_wait3A_165, %dma_wait3A_166, %dma_wait3A_167, %dma_wait3A_177] : memref<220x4x32x1024xf32, #tpu.memory_space<hbm>> -> memref<1x1x1x1024xf32, #tpu.memory_space<hbm>>
    %dma_wait3A_179 = tpu.memref_squeeze %dma_wait3A_178 : memref<1x1x1x1024xf32, #tpu.memory_space<hbm>> -> memref<1024xf32, #tpu.memory_space<hbm>>
    %dma_wait3A_180 = arith.constant 1024 : i32
    %dma_wait3A_181 = tpu.memref_slice %arg7[%dma_wait3A_164, %dma_wait3A_180] : memref<2x4096xf32, #tpu.memory_space<vmem>> -> memref<1x1024xf32, #tpu.memory_space<vmem>>
    %dma_wait3A_182 = tpu.memref_squeeze %dma_wait3A_181 : memref<1x1024xf32, #tpu.memory_space<vmem>> -> memref<1024xf32, #tpu.memory_space<vmem>>
    tpu.wait_dma2 semaphore(%dma_wait3A_176 : memref<!tpu.dma_semaphore, #tpu.memory_space<semaphore_mem>>) src(%dma_wait3A_182 : memref<1024xf32, #tpu.memory_space<vmem>>) dst(%dma_wait3A_179 : memref<1024xf32, #tpu.memory_space<hbm>>)
    %dma_wait3A_183 = arith.constant 1 : i32
    %dma_wait3A_184 = arith.constant 0 : i32
    %dma_wait3A_185 = arith.constant 2 : i32
    %dma_wait3A_186 = arith.constant 0 : i32
    %dma_wait3A_187 = arith.constant 1 : i32
    %dma_wait3A_188 = arith.constant 2048 : i32
    %dma_wait3A_189 = tpu.memref_slice %arg7[%dma_wait3A_183, %dma_wait3A_188] : memref<2x4096xf32, #tpu.memory_space<vmem>> -> memref<1x1024xf32, #tpu.memory_space<vmem>>
    %dma_wait3A_190 = tpu.memref_squeeze %dma_wait3A_189 : memref<1x1024xf32, #tpu.memory_space<vmem>> -> memref<1024xf32, #tpu.memory_space<vmem>>
    %dma_wait3A_191 = arith.constant 0 : i32
    %dma_wait3A_192 = tpu.memref_slice %arg4[%dma_wait3A_184, %dma_wait3A_185, %dma_wait3A_186, %dma_wait3A_191] : memref<220x4x32x1024xf32, #tpu.memory_space<hbm>> -> memref<1x1x1x1024xf32, #tpu.memory_space<hbm>>
    %dma_wait3A_193 = tpu.memref_squeeze %dma_wait3A_192 : memref<1x1x1x1024xf32, #tpu.memory_space<hbm>> -> memref<1024xf32, #tpu.memory_space<hbm>>
    %dma_wait3A_194 = tpu.memref_slice %arg9[%dma_wait3A_187] : memref<2x!tpu.dma_semaphore, #tpu.memory_space<semaphore_mem>> -> memref<1x!tpu.dma_semaphore, #tpu.memory_space<semaphore_mem>>
    %dma_wait3A_195 = tpu.memref_squeeze %dma_wait3A_194 : memref<1x!tpu.dma_semaphore, #tpu.memory_space<semaphore_mem>> -> memref<!tpu.dma_semaphore, #tpu.memory_space<semaphore_mem>>
    %dma_wait3A_196 = arith.constant 0 : i32
    %dma_wait3A_197 = tpu.memref_slice %arg4[%dma_wait3A_184, %dma_wait3A_185, %dma_wait3A_186, %dma_wait3A_196] : memref<220x4x32x1024xf32, #tpu.memory_space<hbm>> -> memref<1x1x1x1024xf32, #tpu.memory_space<hbm>>
    %dma_wait3A_198 = tpu.memref_squeeze %dma_wait3A_197 : memref<1x1x1x1024xf32, #tpu.memory_space<hbm>> -> memref<1024xf32, #tpu.memory_space<hbm>>
    %dma_wait3A_199 = arith.constant 2048 : i32
    %dma_wait3A_200 = tpu.memref_slice %arg7[%dma_wait3A_183, %dma_wait3A_199] : memref<2x4096xf32, #tpu.memory_space<vmem>> -> memref<1x1024xf32, #tpu.memory_space<vmem>>
    %dma_wait3A_201 = tpu.memref_squeeze %dma_wait3A_200 : memref<1x1024xf32, #tpu.memory_space<vmem>> -> memref<1024xf32, #tpu.memory_space<vmem>>
    tpu.wait_dma2 semaphore(%dma_wait3A_195 : memref<!tpu.dma_semaphore, #tpu.memory_space<semaphore_mem>>) src(%dma_wait3A_201 : memref<1024xf32, #tpu.memory_space<vmem>>) dst(%dma_wait3A_198 : memref<1024xf32, #tpu.memory_space<hbm>>)
    %dma_wait3A_202 = arith.constant 1 : i32
    %dma_wait3A_203 = arith.constant 0 : i32
    %dma_wait3A_204 = arith.constant 3 : i32
    %dma_wait3A_205 = arith.constant 0 : i32
    %dma_wait3A_206 = arith.constant 1 : i32
    %dma_wait3A_207 = arith.constant 3072 : i32
    %dma_wait3A_208 = tpu.memref_slice %arg7[%dma_wait3A_202, %dma_wait3A_207] : memref<2x4096xf32, #tpu.memory_space<vmem>> -> memref<1x1024xf32, #tpu.memory_space<vmem>>
    %dma_wait3A_209 = tpu.memref_squeeze %dma_wait3A_208 : memref<1x1024xf32, #tpu.memory_space<vmem>> -> memref<1024xf32, #tpu.memory_space<vmem>>
    %dma_wait3A_210 = arith.constant 0 : i32
    %dma_wait3A_211 = tpu.memref_slice %arg4[%dma_wait3A_203, %dma_wait3A_204, %dma_wait3A_205, %dma_wait3A_210] : memref<220x4x32x1024xf32, #tpu.memory_space<hbm>> -> memref<1x1x1x1024xf32, #tpu.memory_space<hbm>>
    %dma_wait3A_212 = tpu.memref_squeeze %dma_wait3A_211 : memref<1x1x1x1024xf32, #tpu.memory_space<hbm>> -> memref<1024xf32, #tpu.memory_space<hbm>>
    %dma_wait3A_213 = tpu.memref_slice %arg9[%dma_wait3A_206] : memref<2x!tpu.dma_semaphore, #tpu.memory_space<semaphore_mem>> -> memref<1x!tpu.dma_semaphore, #tpu.memory_space<semaphore_mem>>
    %dma_wait3A_214 = tpu.memref_squeeze %dma_wait3A_213 : memref<1x!tpu.dma_semaphore, #tpu.memory_space<semaphore_mem>> -> memref<!tpu.dma_semaphore, #tpu.memory_space<semaphore_mem>>
    %dma_wait3A_215 = arith.constant 0 : i32
    %dma_wait3A_216 = tpu.memref_slice %arg4[%dma_wait3A_203, %dma_wait3A_204, %dma_wait3A_205, %dma_wait3A_215] : memref<220x4x32x1024xf32, #tpu.memory_space<hbm>> -> memref<1x1x1x1024xf32, #tpu.memory_space<hbm>>
    %dma_wait3A_217 = tpu.memref_squeeze %dma_wait3A_216 : memref<1x1x1x1024xf32, #tpu.memory_space<hbm>> -> memref<1024xf32, #tpu.memory_space<hbm>>
    %dma_wait3A_218 = arith.constant 3072 : i32
    %dma_wait3A_219 = tpu.memref_slice %arg7[%dma_wait3A_202, %dma_wait3A_218] : memref<2x4096xf32, #tpu.memory_space<vmem>> -> memref<1x1024xf32, #tpu.memory_space<vmem>>
    %dma_wait3A_220 = tpu.memref_squeeze %dma_wait3A_219 : memref<1x1024xf32, #tpu.memory_space<vmem>> -> memref<1024xf32, #tpu.memory_space<vmem>>
    tpu.wait_dma2 semaphore(%dma_wait3A_214 : memref<!tpu.dma_semaphore, #tpu.memory_space<semaphore_mem>>) src(%dma_wait3A_220 : memref<1024xf32, #tpu.memory_space<vmem>>) dst(%dma_wait3A_217 : memref<1024xf32, #tpu.memory_space<hbm>>)
    return
  }
}

</mosaic_0001>

<sc_bundles>
// kernel: kernel.3.cloned.1.call-start
scs
__scs_entry_jumppad:
0x0: {  	(pc) =	sbr.rel $0x88, $3  }
0x1: {  	(tag) =	ssettag $0x0;
	lr =	simm.s32 $0x1  }
0x2: {  	[smem:$0x3F9E] =	sst lr;
	_ =	strace $0xD0000000  }
0x3: {  	_ = 	snop  }
0x4: {  	_ = 	snop  }
0x5: {  	_ = 	snop  }
0x6: {  	_ = 	snop  }
0x7: {  	_ = 	snop  }
__scs_overlays_trampoline_lowered:
0x8: {  	[smem:$0x3FAD] =	sst s0  }
0x9: {  	[smem:$0x3FAE] =	sst s1  }
0xa: {  	[smem:$0x3FAF] =	sst s2  }
0xb: {  	[smem:$0x3FB0] =	sst s3  }
0xc: {  	[smem:$0x3FB1] =	sst s4  }
0xd: {  	[smem:$0x3FB2] =	sst s5  }
0xe: {  	[smem:$0x3FB3] =	sst s6  }
0xf: {  	[smem:$0x3FB4] =	sst s7  }
0x10: {  	[smem:$0x3FB5] =	sst s8  }
0x11: {  	[smem:$0x3FB6] =	sst s9;
	s0 =	simm.s32 @!p0 $0x0  }
0x12: {  	s1 =	sld [smem:$0x3F9C];
	s0 =	simm.s32 @p0 $0x1  }
0x13: {  	[smem:$0x3FB7] =	sst s0;
	s0 =	simm.s32 @!p1 $0x0  }
0x14: {  	s2 =	sld [smem:$0x3F9B];
	s0 =	simm.s32 @p1 $0x1  }
0x15: {  	[smem:$0x3FB8] =	sst s0;
	s0 =	simm.s32 @!p2 $0x0  }
0x16: {  	s3 =	sld [smem:$0x3FDB];
	s0 =	simm.s32 @p2 $0x1  }
0x17: {  	s4 =	simm.s32 $0x1BF5;
	[smem:$0x3FBA] =	sst s0  }
0x18: {  	s0 =	sld [smem:$0x3F9D];
	_ =	swait.ge [sflag:s4], $0x0  }
0x19: {  	s7 =	sld [smem:$0x3F9E]  }
0x1a: {  	s8 =	sadd.s32 $0xFFFFE003, lr  }
0x1b: {  	s9 =	sadd.s32 $0xFFFFFEF7, lr;
	s5 =	simm.s32 $0xFFFFFFFF;
	p2 =	slt.u32 s8, $0xFFFFF086  }
0x1c: {  	p1 =	slt.u32 s9, $0xF7A;
	s5 =	simm.s32 @!p2 $0x0  }
0x1d: {  	s5 =	simm.s32 @p1 $0x1;
	p0 =	seq.s32 s7, s2  }
0x1e: {  	s7 =	smul.u32 @!p0 $0xF7A, s2;
	p2 =	seq.s32 @!p0 s5, $0x0  }
0x1f: {  	s9 =	smul.u32 $0xF7A, s1;
	s8 =	simm.s32 @!p0 $0x1BF5;
	p2 =	por !p2, p0  }
0x20: {  	[sflag:s8] =	ssyncset.s32 @!p0 $0xFFFFF086;
	s6 =	sadd.s32 @!p0 s3, s7;
	s7 =	simm.s32 @!p0 $0x108  }
0x21: {  	s3 =	sadd.s32 s3, s9;
	s6 =	sadd.s32 @!p0 $0x88, s6;
	s7 =	simm.s32 @p2 $0x1082  }
0x22: {  	[simem:s7], [sflag:s8] =	dma.local @!p0 [hbm:s6], $0xF7A  }
0x23: {  	s9 =	sor.u32 $0xD0000000, s2;
	s6 =	simm.s32 $0x108;
	_ =	swait.ge @!p0 [sflag:s8], $0x0  }
0x24: {  	s3 =	sadd.s32 $0x88, s3;
	s6 =	simm.s32 @!p1 $0x1082;
	[sflag:s4] =	ssyncset.s32 $0xFFFFF086  }
0x25: {  	[simem:s6], [sflag:s4] =	dma.local [hbm:s3], $0xF7A  }
0x26: {  	[smem:$0x3F9E] =	sst s1;
	(tag) =	ssettag s2;
	_ =	strace s9  }
0x27: {  	s1 =	sld [smem:$0x3FAE]  }
0x28: {  	s2 =	sld [smem:$0x3FAF]  }
0x29: {  	s4 =	sld [smem:$0x3FB1]  }
0x2a: {  	p0 =	seq.s32 s5, $0x0;
	s5 =	sld [smem:$0x3FB2]  }
0x2b: {  	s6 =	sld [smem:$0x3FB3]  }
0x2c: {  	s7 =	sld [smem:$0x3FB4]  }
0x2d: {  	s3 =	simm.s32 $0x108;
	s8 =	sld [smem:$0x3FB5]  }
0x2e: {  	s3 =	simm.s32 @!p0 $0x1082;
	s9 =	sld [smem:$0x3FB6]  }
0x2f: {  	lr =	sadd.s32 s0, s3;
	s0 =	sld [smem:$0x3FAD]  }
0x30: {  	s3 =	sld [smem:$0x3FB0]  }
0x31: {  	[smem:$0x3FB9] =	sst s10  }
0x32: {  	s10 =	sld [smem:$0x3FB7];
	_ =	sdelay $0x3  }
0x33: {  	p0 =	seq.s32 s10, $0x1;
	s10 =	sld [smem:$0x3FB9];
	_ =	sdelay $0x3  }
0x34: {  	[smem:$0x3FB9] =	sst s10  }
0x35: {  	s10 =	sld [smem:$0x3FB8];
	_ =	sdelay $0x3  }
0x36: {  	p1 =	seq.s32 s10, $0x1;
	s10 =	sld [smem:$0x3FB9];
	_ =	sdelay $0x3  }
0x37: {  	[smem:$0x3FB9] =	sst s10  }
0x38: {  	s10 =	sld [smem:$0x3FBA]  }
0x39: {  	_ = 	snop;
	(pc) =	sbr.ind lr, $3  }
0x3a: {  	_ = 	snop  }
0x3b: {  	_ = 	snop  }
0x3c: {  	p2 =	seq.s32 s10, $0x1;
	s10 =	sld [smem:$0x3FB9]  }
0x3d: {  	_ =	shalt  }
0x3e: {  	_ =	shalt  }
0x3f: {  	_ =	shalt  }
0x40: {  	_ =	shalt  }
0x41: {  	_ =	shalt  }
0x42: {  	_ =	shalt  }
0x43: {  	_ =	shalt  }
0x44: {  	_ =	shalt  }
0x45: {  	_ =	shalt  }
0x46: {  	_ =	shalt  }
0x47: {  	_ =	shalt  }
0x48: {  	_ =	shalt  }
0x49: {  	_ =	shalt  }
0x4a: {  	_ =	shalt  }
0x4b: {  	_ =	shalt  }
0x4c: {  	_ =	shalt  }
0x4d: {  	_ =	shalt  }
0x4e: {  	_ =	shalt  }
0x4f: {  	_ =	shalt  }
0x50: {  	_ =	shalt  }
0x51: {  	_ =	shalt  }
0x52: {  	_ =	shalt  }
0x53: {  	_ =	shalt  }
0x54: {  	_ =	shalt  }
0x55: {  	_ =	shalt  }
0x56: {  	_ =	shalt  }
0x57: {  	_ =	shalt  }
0x58: {  	_ =	shalt  }
0x59: {  	_ =	shalt  }
0x5a: {  	_ =	shalt  }
0x5b: {  	_ =	shalt  }
0x5c: {  	_ =	shalt  }
0x5d: {  	_ =	shalt  }
0x5e: {  	_ =	shalt  }
0x5f: {  	_ =	shalt  }
0x60: {  	_ =	shalt  }
0x61: {  	_ =	shalt  }
0x62: {  	_ =	shalt  }
0x63: {  	_ =	shalt  }
0x64: {  	_ =	shalt  }
0x65: {  	_ =	shalt  }
0x66: {  	_ =	shalt  }
0x67: {  	_ =	shalt  }
0x68: {  	_ =	shalt  }
0x69: {  	_ =	shalt  }
0x6a: {  	_ =	shalt  }
0x6b: {  	_ =	shalt  }
0x6c: {  	_ =	shalt  }
0x6d: {  	_ =	shalt  }
0x6e: {  	_ =	shalt  }
0x6f: {  	_ =	shalt  }
0x70: {  	_ =	shalt  }
0x71: {  	_ =	shalt  }
0x72: {  	_ =	shalt  }
0x73: {  	_ =	shalt  }
0x74: {  	_ =	shalt  }
0x75: {  	_ =	shalt  }
0x76: {  	_ =	shalt  }
0x77: {  	_ =	shalt  }
0x78: {  	_ =	shalt  }
0x79: {  	_ =	shalt  }
0x7a: {  	_ =	shalt  }
0x7b: {  	_ =	shalt  }
0x7c: {  	_ =	shalt  }
0x7d: {  	_ =	shalt  }
0x7e: {  	_ =	shalt  }
0x7f: {  	_ =	shalt  }
0x80: {  	_ =	shalt  }
0x81: {  	_ =	shalt  }
0x82: {  	_ =	shalt  }
0x83: {  	_ =	shalt  }
0x84: {  	_ =	shalt  }
0x85: {  	_ =	shalt  }
0x86: {  	_ =	shalt  }
0x87: {  	_ =	shalt  }
.Lfunc_end0:
.L_simem_size_0:
called_computation_lowered:
.L_overlay_start_0:
0x88: {  	s2 =	sld [smem:$0x3FD9]  }
0x89: {  	s3 =	sld [smem:$0x3FFE];
	_ =	sdelay $0x1  }
0x8a: {  	s1 =	srdreg.scid  }
0x8b: {  	s0 =	sand.u32 $0x1, s1  }
0x8c: {  	s17 =	sshll.u32 s0, $0xA;
	s2 =	sadd.s32 s3, s2  }
0x8d: {  	s2 =	sadd.s32 s2, s17  }
0x8e: {  	[smem:$0x3FC5] =	sst s2  }
0x8f: {  	_ = 	snop  }
0x90: {  	s2 =	sld [smem:$0x3FD0];
	(tm) =	ssettm $0x1  }
0x91: {  	s18 =	sld [smem:$0x3FFB];
	_ =	sdelay $0x3  }
0x92: {  	_ =	strace s18  }
0x93: {  	s3 =	sld [smem:$0x3FFC];
	_ =	sdelay $0x3  }
0x94: {  	_ =	strace s3  }
0x95: {  	s3 =	sld [smem:$0x3FFD];
	_ =	sdelay $0x3  }
0x96: {  	_ =	strace s3  }
0x97: {  	_ =	strace $0x8FFFFFFF  }
0x98: {  	s19 =	sld [smem:$0x3FDB];
	_ =	sdelay $0x1  }
0x99: {  	s4 =	simm.s32 $_scs_section_size  }
0x9a: {  	s5 =	simm.s32 $_size__tile_overlayer_lowered;
	s6 =	simm.s32 $_tile_overlayer_lowered  }
0x9b: {  	s22 =	simm.s32 $0x1BFF;
	s21 =	sshll.u32 s6, $0x1;
	s3 =	sadd.s32 s4, s19  }
0x9c: {  	s7 =	simm.s32 $0x0;
	s20 =	sshll.u32 s5, $0x1;
	s5 =	sadd.s32 s21, s3  }
0x9d: {  	[timem:s7], [sflag:s22] =	dma.local [hbm:s5], s20  }
0x9e: {  	_ =	swait.ge [sflag:s22], s20  }
0x9f: {  	s4 =	ssub.s32 $0x0, s20;
	[sflag:s22] =	ssyncset.done $0x0  }
0xa0: {  	[sflag:s22] =	ssyncadd.s32 s4;
	_ =	sdelay $0x1  }
0xa1: {  	s23 =	simm.s32 $0x1B8B  }
0xa2: {  	_ =	swait.ge [sflag:s23], $0x1  }
0xa3: {  	[sflag:s23] =	ssyncset.done $0x0  }
0xa4: {  	s25 =	simm.s32 $0x1B8E;
	s24 =	sld [smem:$0x3FFE];
	[sflag:s23] =	ssyncadd.s32 $0xFFFFFFFF  }
0xa5: {  	s26 =	simm.s32 $execute0_lowered;
	[smem:$0x3FD2] =	sst s25  }
0xa6: {  	s5 =	sshll.u32 s26, $0x1;
	_ =	strace $0x80000046;
	[dreg:$0x1] =	wrdreg $0xFFFFFFFF  }
0xa7: {  	s28 =	simm.s32 $_size_execute0_lowered;
	s3 =	sadd.s32 s3, s5;
	[dreg:$0x0] =	wrdreg $0x0  }
0xa8: {  	s5 =	sshll.u32 s28, $0x1;
	[dreg:$0x2] =	wrdreg s3  }
0xa9: {  	[dreg:$0x3] =	wrdreg s5  }
0xaa: {  	[dreg:$0x4] =	wrdreg $0xC0  }
0xab: {  	_ =	task [dreg:s7], $0x5FFFF  }
0xac: {  	[dreg:$0x1] =	wrdreg $0xFFFFFFFF  }
0xad: {  	[dreg:$0x0] =	wrdreg $0x60  }
0xae: {  	[dreg:$0x2] =	wrdreg s24  }
0xaf: {  	[dreg:$0x3] =	wrdreg s2  }
0xb0: {  	[dreg:$0x4] =	wrdreg $0x9  }
0xb1: {  	_ =	task.clear_ibuf [dreg:s7], $0x5FFFF;
	_ =	strace $0x90000046  }
0xb2: {  	s29 =	simm.s32 $0x9;
	_ =	strace $0x80000048  }
0xb3: {  	_ =	swait.ge [sflag:s29], $0x1  }
0xb4: {  	[sflag:s29] =	ssyncadd.s32 $0xFFFFFFFF  }
0xb5: {  	_ =	strace $0x90000048  }
0xb6: {  	_ =	sfence  }
0xb7: {  	s30 =	sld [smem:$0x0];
	_ =	sdelay $0x2  }
0xb8: {  	s31 =	sshll.u32 s1, $0xD;
	s1 =	sshrl.u32 s1, $0x2  }
0xb9: {  	s3 =	sand.u32 $0x4000, s31;
	s1 =	sadd.s32 s1, s30  }
0xba: {  	s0 =	sor.u32 s3, s0;
	s1 =	sshll.u32 s1, $0x11  }
0xbb: {  	s0 =	sor.u32 s1, s0  }
0xbc: {  	s0 =	sadd.s32 $0x8F2B, s0  }
0xbd: {  	[sflag:s0] =	ssyncadd.remote.s32 $0x1  }
0xbe: {  	_ =	sfence.sel $0xFFFF  }
0xbf: {  	[dreg:$0x0] =	wrdreg $0xFFFFFFFF;
	(pc) =	sbr.abs _section_cstart, $3  }
0xc0: {  	[dreg:$0x1] =	wrdreg $0xFFFFFFFF  }
0xc1: {  	_ =	task.clear_ibuf [dreg:s7], $0x2FFFF;
	_ =	strace $0x9FFFFFFF  }
0xc2: {  	(tm) =	ssettm $0x7FFFFFFF  }
0xc3: {  	_ =	shalt  }
tec
execute0_lowered:
.L_overlay_start_1:
0x0: {  	(tag) =	ssettag $0x1  }
0x1: {  	s0 =	rddreg [dreg:$0x0];
	s1 =	srdreg.scid  }
0x2: {  	s3 =	stileid.u32;
	s2 =	rddreg [dreg:$0x1];
	s13 =	simm.s32 $0x6E00  }
0x3: {  	s14 =	simm.s32 $0x7E00;
	s16 =	simm.s32 $0x8E00;
	s18 =	simm.s32 $0x9E00  }
0x4: {  	s19 =	simm.s32 $0x1;
	s20 =	simm.s32 $0xAE00;
	s21 =	simm.s32 $0xB200  }
0x5: {  	s22 =	simm.s32 $0xB600;
	s23 =	simm.s32 $0xBA00;
	s24 =	simm.s32 $0x2  }
0x6: {  	s28 =	simm.s32 $0xC600;
	s29 =	simm.s32 $0xCA00;
	s30 =	simm.s32 $0x3  }
0x7: {  	s31 =	simm.s32 $0x5;
	s10 =	simm.s32 $0x0;
	s1 =	sand.u32 $0x1, s1  }
0x8: {  	s4 =	sshll.u32 s3, $0x1;
	s3 =	simm.s32 $0x0;
	s7 =	sadd.s32 $0x1000, s2  }
0x9: {  	s8 =	sadd.s32 $0x2000, s2;
	s9 =	sadd.s32 $0x3000, s2;
	s5 =	sor.u32 s1, s4  }
0xa: {  	v0 =	vlaneseq.u32;
	[smem:$0x7FF] =	sst s3;
	s1 =	ssub.s32 $0x2, s1;
	s6 =	smul.u32 $0xDC0, s5  }
.Ltmp0:
0xb: {  	v1 =	vmul.u32 $0x20, v0;
	v3 =	vor.u32 $0x10, v0;
	v5 =	vor.u32 $0x20, v0;
	s4 =	sadd.s32 $0xF42C00, s0;
	s25 =	sshrl.u32 s1, $0x1;
	(pc) =	sbr.rel .LBB2_1-.Ltmp0, $4  }
0xc: {  	v7 =	vor.u32 $0x30, v0;
	v9 =	vor.u32 $0x40, v0;
	v11 =	vor.u32 $0x50, v0;
	_ =	strace $0x80000047;
	s5 =	smul.u32 $0xDC, s5;
	s1 =	ssub.s32 s1, s25  }
0xd: {  	v13 =	vor.u32 $0x60, v0;
	v15 =	vor.u32 $0x70, v0;
	v2 =	vor.u32 $0x200, v1;
	s25 =	simm.s32 $0xBE00;
	s0 =	sadd.s32 s6, s0;
	s26 =	smax.u32 s1, $0x1  }
0xe: {  	v4 =	vor.u32 $0x400, v1;
	v6 =	vor.u32 $0x600, v1;
	v8 =	vor.u32 $0x800, v1;
	s1 =	simm.s32 $0x4;
	s0 =	sadd.s32 $0x800, s0;
	[dreg:$0x4] =	wrdreg s26  }
0xf: {  	v10 =	vor.u32 $0xA00, v1;
	v12 =	vor.u32 $0xC00, v1;
	v14 =	vor.u32 $0xE00, v1;
	s26 =	simm.s32 $0xC200;
	[dreg:$0x3] =	wrdreg s0;
	s0 =	simm.s32 $0x6  }
.LBB2_12:
0x10: {  	_ =	swait.ge [sflag:s31], $0x400  }
0x11: {  	[sflag:s31] =	ssyncset.done $0x0  }
0x12: {  	[sflag:s31] =	ssyncadd.s32 $0xFFFFFC00  }
0x13: {  	_ =	swait.ge [sflag:s31], $0x400  }
0x14: {  	[sflag:s31] =	ssyncset.done $0x0  }
0x15: {  	[sflag:s31] =	ssyncadd.s32 $0xFFFFFC00  }
0x16: {  	_ =	swait.ge [sflag:s31], $0x400  }
0x17: {  	[sflag:s31] =	ssyncset.done $0x0  }
0x18: {  	[sflag:s31] =	ssyncadd.s32 $0xFFFFFC00  }
0x19: {  	_ =	swait.ge [sflag:s31], $0x400  }
0x1a: {  	[sflag:s31] =	ssyncset.done $0x0  }
0x1b: {  	[sflag:s31] =	ssyncadd.s32 $0xFFFFFC00  }
0x1c: {  	_ =	swait.ge [sflag:s0], $0x400  }
0x1d: {  	[sflag:s0] =	ssyncset.done $0x0  }
0x1e: {  	[sflag:s0] =	ssyncadd.s32 $0xFFFFFC00  }
0x1f: {  	_ =	swait.ge [sflag:s0], $0x400  }
0x20: {  	[sflag:s0] =	ssyncset.done $0x0  }
0x21: {  	[sflag:s0] =	ssyncadd.s32 $0xFFFFFC00  }
0x22: {  	_ =	swait.ge [sflag:s0], $0x400  }
0x23: {  	[sflag:s0] =	ssyncset.done $0x0  }
0x24: {  	[sflag:s0] =	ssyncadd.s32 $0xFFFFFC00  }
0x25: {  	_ =	swait.ge [sflag:s0], $0x400  }
0x26: {  	s10 =	rddreg [dreg:$0x5]  }
0x27: {  	s6 =	rddreg [dreg:$0x4];
	s10 =	sadd.s32 $0x1, s10  }
0x28: {  	p0 =	sne.s32 s10, s6  }
.Ltmp1:
0x29: {  	_ = 	snop;
	(pc) =	sbr.rel @!p0 .LBB2_13-.Ltmp1, $3  }
0x2a: {  	_ =	sdelay $0x1  }
0x2b: {  	[sflag:s0] =	ssyncset.done $0x0  }
0x2c: {  	[sflag:s0] =	ssyncadd.s32 $0xFFFFFC00  }
.LBB2_1:
0x2d: {  	[dreg:$0x5] =	wrdreg s10  }
0x2e: {  	s6 =	rddreg [dreg:$0x3];
	s11 =	simm.s32 $0x7  }
0x2f: {  	[tilespmem:s3], [sflag:$0x7] =	stream.linear.gather [hbm4b:s6+s3], $0x6E00, $0x38;
	[tilespmem:$0xCE00] =	vst v63  }
0x30: {  	_ =	swait.ge [sflag:s11], $0x6E00  }
0x31: {  	[sflag:s11] =	ssyncset.done $0x0  }
0x32: {  	s12 =	simm.s32 $0x80;
	[sflag:s11] =	ssyncadd.s32 $0xFFFF9200  }
0x33: {  	[tilespmem:s13], [sflag:$0x1] =	stream.indirect.gather [hbm4b:s4+s12], $0x20, s3, s12, $0xb8;
	[tilespmem:$0xCE00] =	vst v63  }
0x34: {  	_ = 	snop  }
0x35: {  	[tilespmem:s14], [sflag:$0x2] =	stream.indirect.gather [hbm4b:s4+s12], $0x20, s12, s12, $0xb8;
	[tilespmem:$0xCE00] =	vst v63  }
0x36: {  	s15 =	simm.s32 $0x100  }
0x37: {  	[tilespmem:s16], [sflag:$0x3] =	stream.indirect.gather [hbm4b:s4+s12], $0x20, s15, s12, $0xb8;
	[tilespmem:$0xCE00] =	vst v63  }
0x38: {  	s17 =	simm.s32 $0x180  }
0x39: {  	[tilespmem:s18], [sflag:$0x4] =	stream.indirect.gather [hbm4b:s4+s12], $0x20, s17, s12, $0xb8;
	[tilespmem:$0xCE00] =	vst v63  }
0x3a: {  	s17 =	simm.s32 $0x0  }
.LBB2_2:
0x3b: {  	_ =	swait.ge [sflag:s19], $0x1000  }
0x3c: {  	p1 =	seq.s32 s17, $0x0;
	[sflag:s19] =	ssyncset.done $0x0  }
0x3d: {  	s6 =	simm.s32 @!p1 $0x5;
	[sflag:s19] =	ssyncadd.s32 $0xFFFFF000  }
0x3e: {  	_ =	swait.ge @!p1 [sflag:s6], $0x400  }
0x3f: {  	[sflag:s6] =	ssyncset.done @!p1 $0x0  }
0x40: {  	[sflag:s6] =	ssyncadd.s32 @!p1 $0xFFFFFC00  }
0x41: {  	_ =	swait.ge @!p1 [sflag:s6], $0x400  }
0x42: {  	s10 =	simm.s32 $0x0;
	[sflag:s6] =	ssyncset.done @!p1 $0x0  }
0x43: {  	v16 =	vadd.s32 s10, v0;
	[sflag:s6] =	ssyncadd.s32 @!p1 $0xFFFFFC00  }
0x44: {  	v17 =	vand.u32 $0xF, v16;
	_ =	swait.ge @!p1 [sflag:s6], $0x400  }
0x45: {  	v18 =	vor.u32 v1, v17;
	[sflag:s6] =	ssyncset.done @!p1 $0x0  }
0x46: {  	[sflag:s6] =	ssyncadd.s32 @!p1 $0xFFFFFC00  }
0x47: {  	_ =	swait.ge @!p1 [sflag:s6], $0x400  }
0x48: {  	v19 =	vshll.u32 v16, $0x7;
	[sflag:s6] =	ssyncset.done @!p1 $0x0  }
0x49: {  	v19 =	vand.u32 $0x780, v19;
	[sflag:s6] =	ssyncadd.s32 @!p1 $0xFFFFFC00  }
0x4a: {  	v20 =	vor.u32 v0, v19;
	v18 =	vld.idx.msk [tilespmem:v18+s13+$0x0], $0xffff  }
0x4b: {  	v21 =	vor.u32 v2, v17;
	_ =	sdelay $0x3  }
0x4c: {  	[tilespmem:v20+s20+$0x0] =	vst.idx.msk $0xffff, v18  }
0x4d: {  	v20 =	vor.u32 v3, v19;
	v18 =	vld.idx.msk [tilespmem:v21+s13+$0x0], $0xffff  }
0x4e: {  	v59 =	vor.u32 v4, v17;
	_ =	sdelay $0x3  }
0x4f: {  	[tilespmem:v20+s20+$0x0] =	vst.idx.msk $0xffff, v18  }
0x50: {  	v20 =	vor.u32 v5, v19;
	v18 =	vld.idx.msk [tilespmem:v59+s13+$0x0], $0xffff  }
0x51: {  	v60 =	vor.u32 v6, v17;
	_ =	sdelay $0x3  }
0x52: {  	[tilespmem:v20+s20+$0x0] =	vst.idx.msk $0xffff, v18  }
0x53: {  	v20 =	vor.u32 v7, v19;
	v18 =	vld.idx.msk [tilespmem:v60+s13+$0x0], $0xffff  }
0x54: {  	v61 =	vor.u32 v8, v17;
	_ =	sdelay $0x3  }
0x55: {  	[tilespmem:v20+s20+$0x0] =	vst.idx.msk $0xffff, v18  }
0x56: {  	v20 =	vor.u32 v9, v19;
	v18 =	vld.idx.msk [tilespmem:v61+s13+$0x0], $0xffff  }
0x57: {  	v62 =	vor.u32 v10, v17;
	_ =	sdelay $0x3  }
0x58: {  	[tilespmem:v20+s20+$0x0] =	vst.idx.msk $0xffff, v18  }
0x59: {  	v20 =	vor.u32 v11, v19;
	v18 =	vld.idx.msk [tilespmem:v62+s13+$0x0], $0xffff  }
0x5a: {  	v63 =	vor.u32 v12, v17;
	_ =	sdelay $0x3  }
0x5b: {  	[tilespmem:v20+s20+$0x0] =	vst.idx.msk $0xffff, v18  }
0x5c: {  	v20 =	vor.u32 v13, v19;
	v18 =	vld.idx.msk [tilespmem:v63+s13+$0x0], $0xffff  }
0x5d: {  	v17 =	vor.u32 v14, v17;
	_ =	sdelay $0x3  }
0x5e: {  	v16 =	vor.u32 $0x10, v16;
	[tilespmem:v20+s20+$0x0] =	vst.idx.msk $0xffff, v18  }
0x5f: {  	v18 =	vor.u32 v15, v19;
	v19 =	vand.u32 $0x1F, v16;
	v17 =	vld.idx.msk [tilespmem:v17+s13+$0x0], $0xffff  }
0x60: {  	v20 =	vor.u32 v1, v19;
	_ =	sdelay $0x3  }
0x61: {  	[tilespmem:v18+s20+$0x0] =	vst.idx.msk $0xffff, v17;
	v17 =	vshll.u32 v16, $0x7  }
0x62: {  	v16 =	vld.idx.msk [tilespmem:v20+s13+$0x0], $0xffff;
	v18 =	vor.u32 v0, v17  }
0x63: {  	v20 =	vor.u32 v2, v19;
	_ =	sdelay $0x3  }
0x64: {  	[tilespmem:v18+s20+$0x0] =	vst.idx.msk $0xffff, v16  }
0x65: {  	v18 =	vor.u32 v3, v17;
	v16 =	vld.idx.msk [tilespmem:v20+s13+$0x0], $0xffff  }
0x66: {  	v20 =	vor.u32 v4, v19;
	_ =	sdelay $0x3  }
0x67: {  	[tilespmem:v18+s20+$0x0] =	vst.idx.msk $0xffff, v16  }
0x68: {  	v18 =	vor.u32 v5, v17;
	v16 =	vld.idx.msk [tilespmem:v20+s13+$0x0], $0xffff  }
0x69: {  	v20 =	vor.u32 v6, v19;
	_ =	sdelay $0x3  }
0x6a: {  	[tilespmem:v18+s20+$0x0] =	vst.idx.msk $0xffff, v16  }
0x6b: {  	v18 =	vor.u32 v7, v17;
	v16 =	vld.idx.msk [tilespmem:v20+s13+$0x0], $0xffff  }
0x6c: {  	v20 =	vor.u32 v8, v19;
	_ =	sdelay $0x3  }
0x6d: {  	[tilespmem:v18+s20+$0x0] =	vst.idx.msk $0xffff, v16  }
0x6e: {  	v18 =	vor.u32 v9, v17;
	v16 =	vld.idx.msk [tilespmem:v20+s13+$0x0], $0xffff  }
0x6f: {  	v20 =	vor.u32 v10, v19;
	_ =	sdelay $0x3  }
0x70: {  	[tilespmem:v18+s20+$0x0] =	vst.idx.msk $0xffff, v16  }
0x71: {  	v18 =	vor.u32 v11, v17;
	v16 =	vld.idx.msk [tilespmem:v20+s13+$0x0], $0xffff  }
0x72: {  	v20 =	vor.u32 v12, v19;
	_ =	sdelay $0x3  }
0x73: {  	[tilespmem:v18+s20+$0x0] =	vst.idx.msk $0xffff, v16  }
0x74: {  	v18 =	vor.u32 v13, v17;
	v16 =	vld.idx.msk [tilespmem:v20+s13+$0x0], $0xffff  }
0x75: {  	v19 =	vor.u32 v14, v19;
	_ =	sdelay $0x3  }
0x76: {  	s15 =	simm.s32 $0x1;
	[tilespmem:v18+s20+$0x0] =	vst.idx.msk $0xffff, v16  }
0x77: {  	s10 =	simm.s32 $0x2;
	s6 =	sshll.u32 s17, $0x2;
	v16 =	vadd.s32 s15, v0;
	v18 =	vld.idx.msk [tilespmem:v19+s13+$0x0], $0xffff  }
.LBB2_3:
0x78: {  	p0 =	sne.s32 s10, $0xF;
	v19 =	vand.u32 $0xF, v16;
	v17 =	vor.u32 v15, v17  }
0x79: {  	v20 =	vor.u32 v1, v19;
	_ =	sdelay $0x3  }
0x7a: {  	v21 =	vshll.u32 v16, $0x7;
	[tilespmem:v17+s20+$0x0] =	vst.idx.msk $0xffff, v18  }
0x7b: {  	v17 =	vand.u32 $0x780, v21;
	v18 =	vld.idx.msk [tilespmem:v20+s13+$0x0], $0xffff  }
0x7c: {  	v20 =	vor.u32 v0, v17  }
0x7d: {  	v21 =	vor.u32 v2, v19;
	_ =	sdelay $0x3  }
0x7e: {  	[tilespmem:v20+s20+$0x0] =	vst.idx.msk $0xffff, v18  }
0x7f: {  	v18 =	vld.idx.msk [tilespmem:v21+s13+$0x0], $0xffff  }
0x80: {  	v20 =	vor.u32 v3, v17  }
0x81: {  	v21 =	vor.u32 v4, v19;
	_ =	sdelay $0x3  }
0x82: {  	[tilespmem:v20+s20+$0x0] =	vst.idx.msk $0xffff, v18  }
0x83: {  	v18 =	vld.idx.msk [tilespmem:v21+s13+$0x0], $0xffff  }
0x84: {  	v20 =	vor.u32 v5, v17  }
0x85: {  	v21 =	vor.u32 v6, v19;
	_ =	sdelay $0x3  }
0x86: {  	[tilespmem:v20+s20+$0x0] =	vst.idx.msk $0xffff, v18  }
0x87: {  	v18 =	vld.idx.msk [tilespmem:v21+s13+$0x0], $0xffff  }
0x88: {  	v20 =	vor.u32 v7, v17  }
0x89: {  	v21 =	vor.u32 v8, v19;
	_ =	sdelay $0x3  }
0x8a: {  	[tilespmem:v20+s20+$0x0] =	vst.idx.msk $0xffff, v18  }
0x8b: {  	v18 =	vld.idx.msk [tilespmem:v21+s13+$0x0], $0xffff  }
0x8c: {  	v20 =	vor.u32 v9, v17  }
0x8d: {  	v21 =	vor.u32 v10, v19;
	_ =	sdelay $0x3  }
0x8e: {  	[tilespmem:v20+s20+$0x0] =	vst.idx.msk $0xffff, v18  }
0x8f: {  	v18 =	vld.idx.msk [tilespmem:v21+s13+$0x0], $0xffff  }
0x90: {  	v20 =	vor.u32 v11, v17  }
0x91: {  	v21 =	vor.u32 v12, v19;
	_ =	sdelay $0x3  }
0x92: {  	[tilespmem:v20+s20+$0x0] =	vst.idx.msk $0xffff, v18  }
0x93: {  	v18 =	vld.idx.msk [tilespmem:v21+s13+$0x0], $0xffff  }
0x94: {  	v20 =	vor.u32 v13, v17  }
0x95: {  	v19 =	vor.u32 v14, v19;
	_ =	sdelay $0x3  }
0x96: {  	[tilespmem:v20+s20+$0x0] =	vst.idx.msk $0xffff, v18  }
0x97: {  	v16 =	vor.u32 $0x10, v16;
	v18 =	vld.idx.msk [tilespmem:v19+s13+$0x0], $0xffff  }
0x98: {  	v17 =	vor.u32 v15, v17;
	v19 =	vand.u32 $0x1F, v16  }
0x99: {  	v20 =	vor.u32 v1, v19;
	_ =	sdelay $0x3  }
0x9a: {  	[tilespmem:v17+s20+$0x0] =	vst.idx.msk $0xffff, v18  }
0x9b: {  	v17 =	vshll.u32 v16, $0x7;
	v16 =	vld.idx.msk [tilespmem:v20+s13+$0x0], $0xffff  }
0x9c: {  	v18 =	vor.u32 v0, v17  }
0x9d: {  	v20 =	vor.u32 v2, v19;
	_ =	sdelay $0x3  }
0x9e: {  	[tilespmem:v18+s20+$0x0] =	vst.idx.msk $0xffff, v16  }
0x9f: {  	v16 =	vld.idx.msk [tilespmem:v20+s13+$0x0], $0xffff  }
0xa0: {  	v18 =	vor.u32 v3, v17  }
0xa1: {  	v20 =	vor.u32 v4, v19;
	_ =	sdelay $0x3  }
0xa2: {  	[tilespmem:v18+s20+$0x0] =	vst.idx.msk $0xffff, v16  }
0xa3: {  	v16 =	vld.idx.msk [tilespmem:v20+s13+$0x0], $0xffff  }
0xa4: {  	v18 =	vor.u32 v5, v17  }
0xa5: {  	v20 =	vor.u32 v6, v19;
	_ =	sdelay $0x3  }
0xa6: {  	[tilespmem:v18+s20+$0x0] =	vst.idx.msk $0xffff, v16  }
0xa7: {  	v16 =	vld.idx.msk [tilespmem:v20+s13+$0x0], $0xffff  }
0xa8: {  	v18 =	vor.u32 v7, v17  }
0xa9: {  	v20 =	vor.u32 v8, v19;
	_ =	sdelay $0x3  }
0xaa: {  	[tilespmem:v18+s20+$0x0] =	vst.idx.msk $0xffff, v16  }
0xab: {  	v16 =	vld.idx.msk [tilespmem:v20+s13+$0x0], $0xffff  }
0xac: {  	v18 =	vor.u32 v9, v17  }
0xad: {  	v20 =	vor.u32 v10, v19;
	_ =	sdelay $0x3  }
0xae: {  	[tilespmem:v18+s20+$0x0] =	vst.idx.msk $0xffff, v16  }
0xaf: {  	v16 =	vld.idx.msk [tilespmem:v20+s13+$0x0], $0xffff  }
0xb0: {  	v18 =	vor.u32 v11, v17  }
0xb1: {  	v20 =	vor.u32 v12, v19;
	_ =	sdelay $0x3  }
0xb2: {  	[tilespmem:v18+s20+$0x0] =	vst.idx.msk $0xffff, v16  }
0xb3: {  	v16 =	vld.idx.msk [tilespmem:v20+s13+$0x0], $0xffff  }
0xb4: {  	v18 =	vor.u32 v13, v17  }
0xb5: {  	v19 =	vor.u32 v14, v19  }
.Ltmp2:
0xb6: {  	(pc) =	sbr.rel @p0 .LBB2_3-.Ltmp2, $3  }
0xb7: {  	_ =	sdelay $0x1  }
0xb8: {  	[tilespmem:v18+s20+$0x0] =	vst.idx.msk $0xffff, v16  }
0xb9: {  	v16 =	vadd.s32 s10, v0;
	s10 =	sadd.s32 $0x1, s10;
	v18 =	vld.idx.msk [tilespmem:v19+s13+$0x0], $0xffff  }
0xba: {  	v19 =	vand.u32 $0xF, v16;
	v17 =	vor.u32 v15, v17  }
0xbb: {  	v20 =	vor.u32 v1, v19;
	_ =	sdelay $0x2  }
0xbc: {  	v21 =	vshll.u32 v16, $0x7  }
0xbd: {  	[tilespmem:v17+s20+$0x0] =	vst.idx.msk $0xffff, v18;
	v17 =	vand.u32 $0x780, v21  }
0xbe: {  	v18 =	vld.idx.msk [tilespmem:v20+s13+$0x0], $0xffff;
	v20 =	vor.u32 v0, v17  }
0xbf: {  	v52 =	vor.u32 v2, v19;
	_ =	sdelay $0x3  }
0xc0: {  	[tilespmem:v20+s20+$0x0] =	vst.idx.msk $0xffff, v18  }
0xc1: {  	v20 =	vor.u32 v3, v17;
	v18 =	vld.idx.msk [tilespmem:v52+s13+$0x0], $0xffff  }
0xc2: {  	v53 =	vor.u32 v4, v19;
	_ =	sdelay $0x3  }
0xc3: {  	[tilespmem:v20+s20+$0x0] =	vst.idx.msk $0xffff, v18  }
0xc4: {  	v20 =	vor.u32 v5, v17;
	v18 =	vld.idx.msk [tilespmem:v53+s13+$0x0], $0xffff  }
0xc5: {  	v54 =	vor.u32 v6, v19;
	_ =	sdelay $0x3  }
0xc6: {  	[tilespmem:v20+s20+$0x0] =	vst.idx.msk $0xffff, v18  }
0xc7: {  	v20 =	vor.u32 v7, v17;
	v18 =	vld.idx.msk [tilespmem:v54+s13+$0x0], $0xffff  }
0xc8: {  	v55 =	vor.u32 v8, v19;
	_ =	sdelay $0x3  }
0xc9: {  	[tilespmem:v20+s20+$0x0] =	vst.idx.msk $0xffff, v18  }
0xca: {  	v20 =	vor.u32 v9, v17;
	v18 =	vld.idx.msk [tilespmem:v55+s13+$0x0], $0xffff  }
0xcb: {  	v56 =	vor.u32 v10, v19;
	_ =	sdelay $0x3  }
0xcc: {  	[tilespmem:v20+s20+$0x0] =	vst.idx.msk $0xffff, v18  }
0xcd: {  	v20 =	vor.u32 v11, v17;
	v18 =	vld.idx.msk [tilespmem:v56+s13+$0x0], $0xffff  }
0xce: {  	v57 =	vor.u32 v12, v19;
	_ =	sdelay $0x3  }
0xcf: {  	[tilespmem:v20+s20+$0x0] =	vst.idx.msk $0xffff, v18  }
0xd0: {  	v20 =	vor.u32 v13, v17;
	v18 =	vld.idx.msk [tilespmem:v57+s13+$0x0], $0xffff  }
0xd1: {  	v19 =	vor.u32 v14, v19;
	_ =	sdelay $0x3  }
0xd2: {  	v16 =	vor.u32 $0x10, v16;
	[tilespmem:v20+s20+$0x0] =	vst.idx.msk $0xffff, v18  }
0xd3: {  	v17 =	vor.u32 v15, v17;
	v18 =	vld.idx.msk [tilespmem:v19+s13+$0x0], $0xffff;
	v19 =	vand.u32 $0x1F, v16  }
0xd4: {  	v20 =	vor.u32 v1, v19;
	_ =	sdelay $0x3  }
0xd5: {  	v16 =	vshll.u32 v16, $0x7;
	[tilespmem:v17+s20+$0x0] =	vst.idx.msk $0xffff, v18  }
0xd6: {  	v18 =	vor.u32 v0, v16;
	v17 =	vld.idx.msk [tilespmem:v20+s13+$0x0], $0xffff  }
0xd7: {  	v20 =	vor.u32 v2, v19;
	_ =	sdelay $0x3  }
0xd8: {  	[tilespmem:v18+s20+$0x0] =	vst.idx.msk $0xffff, v17  }
0xd9: {  	v18 =	vor.u32 v3, v16;
	v17 =	vld.idx.msk [tilespmem:v20+s13+$0x0], $0xffff  }
0xda: {  	v20 =	vor.u32 v4, v19;
	_ =	sdelay $0x3  }
0xdb: {  	[tilespmem:v18+s20+$0x0] =	vst.idx.msk $0xffff, v17  }
0xdc: {  	v18 =	vor.u32 v5, v16;
	v17 =	vld.idx.msk [tilespmem:v20+s13+$0x0], $0xffff  }
0xdd: {  	v20 =	vor.u32 v6, v19;
	_ =	sdelay $0x3  }
0xde: {  	[tilespmem:v18+s20+$0x0] =	vst.idx.msk $0xffff, v17  }
0xdf: {  	v18 =	vor.u32 v7, v16;
	v17 =	vld.idx.msk [tilespmem:v20+s13+$0x0], $0xffff  }
0xe0: {  	v20 =	vor.u32 v8, v19;
	_ =	sdelay $0x3  }
0xe1: {  	[tilespmem:v18+s20+$0x0] =	vst.idx.msk $0xffff, v17  }
0xe2: {  	v18 =	vor.u32 v9, v16;
	v17 =	vld.idx.msk [tilespmem:v20+s13+$0x0], $0xffff  }
0xe3: {  	v20 =	vor.u32 v10, v19;
	_ =	sdelay $0x3  }
0xe4: {  	[tilespmem:v18+s20+$0x0] =	vst.idx.msk $0xffff, v17  }
0xe5: {  	v18 =	vor.u32 v11, v16;
	v17 =	vld.idx.msk [tilespmem:v20+s13+$0x0], $0xffff  }
0xe6: {  	v20 =	vor.u32 v12, v19;
	_ =	sdelay $0x3  }
0xe7: {  	[tilespmem:v18+s20+$0x0] =	vst.idx.msk $0xffff, v17  }
0xe8: {  	v18 =	vor.u32 v13, v16;
	v17 =	vld.idx.msk [tilespmem:v20+s13+$0x0], $0xffff  }
0xe9: {  	v19 =	vor.u32 v14, v19;
	_ =	sdelay $0x3  }
0xea: {  	[tilespmem:v18+s20+$0x0] =	vst.idx.msk $0xffff, v17  }
0xeb: {  	v16 =	vor.u32 v15, v16;
	v17 =	vld.idx.msk [tilespmem:v19+s13+$0x0], $0xffff  }
0xec: {  	s10 =	sadd.s32 s5, s6  }
0xed: {  	s11 =	sshll.u32 s10, $0x9;
	s10 =	sshll.u32 s10, $0x7  }
0xee: {  	s11 =	sand.u32 $0xFFFC000, s11;
	s10 =	sand.u32 $0xE00, s10  }
0xef: {  	s10 =	sor.u32 s10, s11  }
0xf0: {  	s11 =	sadd.s32 s2, s10;
	[tilespmem:v16+s20+$0x0] =	vst.idx.msk $0xffff, v17  }
0xf1: {  	[hbm4b:s11+s3] =	stream.linear.scatter [tilespmem:s20], [sflag:$0x5], $0x400, $0x38;
	[tilespmem:$0xCE00] =	vst v63  }
0xf2: {  	s15 =	sadd.s32 s10, s7  }
0xf3: {  	[hbm4b:s15+s3] =	stream.linear.scatter [tilespmem:s21], [sflag:$0x5], $0x400, $0x38;
	[tilespmem:$0xCE00] =	vst v63  }
0xf4: {  	s12 =	sadd.s32 s10, s8  }
0xf5: {  	[hbm4b:s12+s3] =	stream.linear.scatter [tilespmem:s22], [sflag:$0x5], $0x400, $0x38;
	[tilespmem:$0xCE00] =	vst v63  }
0xf6: {  	p0 =	seq.s32 s17, $0x36;
	s10 =	sadd.s32 s10, s9  }
0xf7: {  	[hbm4b:s10+s3] =	stream.linear.scatter [tilespmem:s23], [sflag:$0x5], $0x400, $0x38;
	[tilespmem:$0xCE00] =	vst v63  }
0xf8: {  	s10 =	sshll.u32 @!p0 s17, $0x9  }
0xf9: {  	s10 =	sand.u32 @!p0 $0x3FFFFE00, s10  }
0xfa: {  	s15 =	simm.s32 @!p0 $0x80;
	s12 =	simm.s32 @!p0 $0x6E00;
	s11 =	sadd.s32 @!p0 $0x200, s10  }
0xfb: {  	[tilespmem:s12], [sflag:$0x1] =	stream.indirect.gather @!p0 [hbm4b:s4+s15], $0x20, s11, s15, $0xb8;
	[tilespmem:$0xCE00] =	vst v63  }
0xfc: {  	_ =	swait.ge [sflag:s24], $0x1000  }
0xfd: {  	[sflag:s24] =	ssyncset.done $0x0  }
0xfe: {  	s11 =	simm.s32 @!p1 $0x6;
	[sflag:s24] =	ssyncadd.s32 $0xFFFFF000  }
0xff: {  	_ =	swait.ge @!p1 [sflag:s11], $0x400  }
0x100: {  	[sflag:s11] =	ssyncset.done @!p1 $0x0  }
0x101: {  	[sflag:s11] =	ssyncadd.s32 @!p1 $0xFFFFFC00  }
0x102: {  	_ =	swait.ge @!p1 [sflag:s11], $0x400  }
0x103: {  	s15 =	simm.s32 $0x0;
	[sflag:s11] =	ssyncset.done @!p1 $0x0  }
0x104: {  	v16 =	vadd.s32 s15, v0;
	[sflag:s11] =	ssyncadd.s32 @!p1 $0xFFFFFC00  }
0x105: {  	v17 =	vand.u32 $0xF, v16;
	_ =	swait.ge @!p1 [sflag:s11], $0x400  }
0x106: {  	v18 =	vor.u32 v1, v17;
	[sflag:s11] =	ssyncset.done @!p1 $0x0  }
0x107: {  	[sflag:s11] =	ssyncadd.s32 @!p1 $0xFFFFFC00  }
0x108: {  	_ =	swait.ge @!p1 [sflag:s11], $0x400  }
0x109: {  	v19 =	vshll.u32 v16, $0x7;
	[sflag:s11] =	ssyncset.done @!p1 $0x0  }
0x10a: {  	v19 =	vand.u32 $0x780, v19;
	[sflag:s11] =	ssyncadd.s32 @!p1 $0xFFFFFC00  }
0x10b: {  	v20 =	vor.u32 v0, v19;
	v18 =	vld.idx.msk [tilespmem:v18+s14+$0x0], $0xffff  }
0x10c: {  	v58 =	vor.u32 v2, v17;
	_ =	sdelay $0x3  }
0x10d: {  	[tilespmem:v20+s25+$0x0] =	vst.idx.msk $0xffff, v18  }
0x10e: {  	v20 =	vor.u32 v3, v19;
	v18 =	vld.idx.msk [tilespmem:v58+s14+$0x0], $0xffff  }
0x10f: {  	v59 =	vor.u32 v4, v17;
	_ =	sdelay $0x3  }
0x110: {  	[tilespmem:v20+s25+$0x0] =	vst.idx.msk $0xffff, v18  }
0x111: {  	v20 =	vor.u32 v5, v19;
	v18 =	vld.idx.msk [tilespmem:v59+s14+$0x0], $0xffff  }
0x112: {  	v60 =	vor.u32 v6, v17;
	_ =	sdelay $0x3  }
0x113: {  	[tilespmem:v20+s25+$0x0] =	vst.idx.msk $0xffff, v18  }
0x114: {  	v20 =	vor.u32 v7, v19;
	v18 =	vld.idx.msk [tilespmem:v60+s14+$0x0], $0xffff  }
0x115: {  	v61 =	vor.u32 v8, v17;
	_ =	sdelay $0x3  }
0x116: {  	[tilespmem:v20+s25+$0x0] =	vst.idx.msk $0xffff, v18  }
0x117: {  	v20 =	vor.u32 v9, v19;
	v18 =	vld.idx.msk [tilespmem:v61+s14+$0x0], $0xffff  }
0x118: {  	v62 =	vor.u32 v10, v17;
	_ =	sdelay $0x3  }
0x119: {  	[tilespmem:v20+s25+$0x0] =	vst.idx.msk $0xffff, v18  }
0x11a: {  	v20 =	vor.u32 v11, v19;
	v18 =	vld.idx.msk [tilespmem:v62+s14+$0x0], $0xffff  }
0x11b: {  	v63 =	vor.u32 v12, v17;
	_ =	sdelay $0x3  }
0x11c: {  	[tilespmem:v20+s25+$0x0] =	vst.idx.msk $0xffff, v18  }
0x11d: {  	v20 =	vor.u32 v13, v19;
	v18 =	vld.idx.msk [tilespmem:v63+s14+$0x0], $0xffff  }
0x11e: {  	v17 =	vor.u32 v14, v17;
	_ =	sdelay $0x3  }
0x11f: {  	v16 =	vor.u32 $0x10, v16;
	[tilespmem:v20+s25+$0x0] =	vst.idx.msk $0xffff, v18  }
0x120: {  	v18 =	vor.u32 v15, v19;
	v19 =	vand.u32 $0x1F, v16;
	v17 =	vld.idx.msk [tilespmem:v17+s14+$0x0], $0xffff  }
0x121: {  	v20 =	vor.u32 v1, v19;
	_ =	sdelay $0x3  }
0x122: {  	[tilespmem:v18+s25+$0x0] =	vst.idx.msk $0xffff, v17;
	v17 =	vshll.u32 v16, $0x7  }
0x123: {  	v16 =	vld.idx.msk [tilespmem:v20+s14+$0x0], $0xffff;
	v18 =	vor.u32 v0, v17  }
0x124: {  	v20 =	vor.u32 v2, v19;
	_ =	sdelay $0x3  }
0x125: {  	[tilespmem:v18+s25+$0x0] =	vst.idx.msk $0xffff, v16  }
0x126: {  	v18 =	vor.u32 v3, v17;
	v16 =	vld.idx.msk [tilespmem:v20+s14+$0x0], $0xffff  }
0x127: {  	v20 =	vor.u32 v4, v19;
	_ =	sdelay $0x3  }
0x128: {  	[tilespmem:v18+s25+$0x0] =	vst.idx.msk $0xffff, v16  }
0x129: {  	v18 =	vor.u32 v5, v17;
	v16 =	vld.idx.msk [tilespmem:v20+s14+$0x0], $0xffff  }
0x12a: {  	v20 =	vor.u32 v6, v19;
	_ =	sdelay $0x3  }
0x12b: {  	[tilespmem:v18+s25+$0x0] =	vst.idx.msk $0xffff, v16  }
0x12c: {  	v18 =	vor.u32 v7, v17;
	v16 =	vld.idx.msk [tilespmem:v20+s14+$0x0], $0xffff  }
0x12d: {  	v20 =	vor.u32 v8, v19;
	_ =	sdelay $0x3  }
0x12e: {  	[tilespmem:v18+s25+$0x0] =	vst.idx.msk $0xffff, v16  }
0x12f: {  	v18 =	vor.u32 v9, v17;
	v16 =	vld.idx.msk [tilespmem:v20+s14+$0x0], $0xffff  }
0x130: {  	v20 =	vor.u32 v10, v19;
	_ =	sdelay $0x3  }
0x131: {  	[tilespmem:v18+s25+$0x0] =	vst.idx.msk $0xffff, v16  }
0x132: {  	v18 =	vor.u32 v11, v17;
	v16 =	vld.idx.msk [tilespmem:v20+s14+$0x0], $0xffff  }
0x133: {  	v20 =	vor.u32 v12, v19;
	_ =	sdelay $0x3  }
0x134: {  	[tilespmem:v18+s25+$0x0] =	vst.idx.msk $0xffff, v16  }
0x135: {  	v18 =	vor.u32 v13, v17;
	v16 =	vld.idx.msk [tilespmem:v20+s14+$0x0], $0xffff  }
0x136: {  	v19 =	vor.u32 v14, v19;
	_ =	sdelay $0x3  }
0x137: {  	s15 =	simm.s32 $0x1;
	[tilespmem:v18+s25+$0x0] =	vst.idx.msk $0xffff, v16  }
0x138: {  	s11 =	sor.u32 $0x1, s6;
	v16 =	vadd.s32 s15, v0;
	s15 =	simm.s32 $0x2;
	v18 =	vld.idx.msk [tilespmem:v19+s14+$0x0], $0xffff  }
.LBB2_5:
0x139: {  	p1 =	sne.s32 s15, $0xF;
	v19 =	vand.u32 $0xF, v16;
	v17 =	vor.u32 v15, v17  }
0x13a: {  	v20 =	vor.u32 v1, v19;
	_ =	sdelay $0x3  }
0x13b: {  	v21 =	vshll.u32 v16, $0x7;
	[tilespmem:v17+s25+$0x0] =	vst.idx.msk $0xffff, v18  }
0x13c: {  	v17 =	vand.u32 $0x780, v21;
	v18 =	vld.idx.msk [tilespmem:v20+s14+$0x0], $0xffff  }
0x13d: {  	v20 =	vor.u32 v0, v17  }
0x13e: {  	v21 =	vor.u32 v2, v19;
	_ =	sdelay $0x3  }
0x13f: {  	[tilespmem:v20+s25+$0x0] =	vst.idx.msk $0xffff, v18  }
0x140: {  	v18 =	vld.idx.msk [tilespmem:v21+s14+$0x0], $0xffff  }
0x141: {  	v20 =	vor.u32 v3, v17  }
0x142: {  	v21 =	vor.u32 v4, v19;
	_ =	sdelay $0x3  }
0x143: {  	[tilespmem:v20+s25+$0x0] =	vst.idx.msk $0xffff, v18  }
0x144: {  	v18 =	vld.idx.msk [tilespmem:v21+s14+$0x0], $0xffff  }
0x145: {  	v20 =	vor.u32 v5, v17  }
0x146: {  	v21 =	vor.u32 v6, v19;
	_ =	sdelay $0x3  }
0x147: {  	[tilespmem:v20+s25+$0x0] =	vst.idx.msk $0xffff, v18  }
0x148: {  	v18 =	vld.idx.msk [tilespmem:v21+s14+$0x0], $0xffff  }
0x149: {  	v20 =	vor.u32 v7, v17  }
0x14a: {  	v21 =	vor.u32 v8, v19;
	_ =	sdelay $0x3  }
0x14b: {  	[tilespmem:v20+s25+$0x0] =	vst.idx.msk $0xffff, v18  }
0x14c: {  	v18 =	vld.idx.msk [tilespmem:v21+s14+$0x0], $0xffff  }
0x14d: {  	v20 =	vor.u32 v9, v17  }
0x14e: {  	v21 =	vor.u32 v10, v19;
	_ =	sdelay $0x3  }
0x14f: {  	[tilespmem:v20+s25+$0x0] =	vst.idx.msk $0xffff, v18  }
0x150: {  	v18 =	vld.idx.msk [tilespmem:v21+s14+$0x0], $0xffff  }
0x151: {  	v20 =	vor.u32 v11, v17  }
0x152: {  	v21 =	vor.u32 v12, v19;
	_ =	sdelay $0x3  }
0x153: {  	[tilespmem:v20+s25+$0x0] =	vst.idx.msk $0xffff, v18  }
0x154: {  	v18 =	vld.idx.msk [tilespmem:v21+s14+$0x0], $0xffff  }
0x155: {  	v20 =	vor.u32 v13, v17  }
0x156: {  	v19 =	vor.u32 v14, v19;
	_ =	sdelay $0x3  }
0x157: {  	[tilespmem:v20+s25+$0x0] =	vst.idx.msk $0xffff, v18  }
0x158: {  	v16 =	vor.u32 $0x10, v16;
	v18 =	vld.idx.msk [tilespmem:v19+s14+$0x0], $0xffff  }
0x159: {  	v17 =	vor.u32 v15, v17;
	v19 =	vand.u32 $0x1F, v16  }
0x15a: {  	v20 =	vor.u32 v1, v19;
	_ =	sdelay $0x3  }
0x15b: {  	[tilespmem:v17+s25+$0x0] =	vst.idx.msk $0xffff, v18  }
0x15c: {  	v17 =	vshll.u32 v16, $0x7;
	v16 =	vld.idx.msk [tilespmem:v20+s14+$0x0], $0xffff  }
0x15d: {  	v18 =	vor.u32 v0, v17  }
0x15e: {  	v20 =	vor.u32 v2, v19;
	_ =	sdelay $0x3  }
0x15f: {  	[tilespmem:v18+s25+$0x0] =	vst.idx.msk $0xffff, v16  }
0x160: {  	v16 =	vld.idx.msk [tilespmem:v20+s14+$0x0], $0xffff  }
0x161: {  	v18 =	vor.u32 v3, v17  }
0x162: {  	v20 =	vor.u32 v4, v19;
	_ =	sdelay $0x3  }
0x163: {  	[tilespmem:v18+s25+$0x0] =	vst.idx.msk $0xffff, v16  }
0x164: {  	v16 =	vld.idx.msk [tilespmem:v20+s14+$0x0], $0xffff  }
0x165: {  	v18 =	vor.u32 v5, v17  }
0x166: {  	v20 =	vor.u32 v6, v19;
	_ =	sdelay $0x3  }
0x167: {  	[tilespmem:v18+s25+$0x0] =	vst.idx.msk $0xffff, v16  }
0x168: {  	v16 =	vld.idx.msk [tilespmem:v20+s14+$0x0], $0xffff  }
0x169: {  	v18 =	vor.u32 v7, v17  }
0x16a: {  	v20 =	vor.u32 v8, v19;
	_ =	sdelay $0x3  }
0x16b: {  	[tilespmem:v18+s25+$0x0] =	vst.idx.msk $0xffff, v16  }
0x16c: {  	v16 =	vld.idx.msk [tilespmem:v20+s14+$0x0], $0xffff  }
0x16d: {  	v18 =	vor.u32 v9, v17  }
0x16e: {  	v20 =	vor.u32 v10, v19;
	_ =	sdelay $0x3  }
0x16f: {  	[tilespmem:v18+s25+$0x0] =	vst.idx.msk $0xffff, v16  }
0x170: {  	v16 =	vld.idx.msk [tilespmem:v20+s14+$0x0], $0xffff  }
0x171: {  	v18 =	vor.u32 v11, v17  }
0x172: {  	v20 =	vor.u32 v12, v19;
	_ =	sdelay $0x3  }
0x173: {  	[tilespmem:v18+s25+$0x0] =	vst.idx.msk $0xffff, v16  }
0x174: {  	v16 =	vld.idx.msk [tilespmem:v20+s14+$0x0], $0xffff  }
0x175: {  	v18 =	vor.u32 v13, v17  }
0x176: {  	v19 =	vor.u32 v14, v19  }
.Ltmp3:
0x177: {  	(pc) =	sbr.rel @p1 .LBB2_5-.Ltmp3, $3  }
0x178: {  	_ =	sdelay $0x1  }
0x179: {  	[tilespmem:v18+s25+$0x0] =	vst.idx.msk $0xffff, v16  }
0x17a: {  	v16 =	vadd.s32 s15, v0;
	s15 =	sadd.s32 $0x1, s15;
	v18 =	vld.idx.msk [tilespmem:v19+s14+$0x0], $0xffff  }
0x17b: {  	v19 =	vand.u32 $0xF, v16;
	v17 =	vor.u32 v15, v17  }
0x17c: {  	v20 =	vor.u32 v1, v19;
	_ =	sdelay $0x2  }
0x17d: {  	v21 =	vshll.u32 v16, $0x7  }
0x17e: {  	[tilespmem:v17+s25+$0x0] =	vst.idx.msk $0xffff, v18;
	v17 =	vand.u32 $0x780, v21  }
0x17f: {  	v18 =	vld.idx.msk [tilespmem:v20+s14+$0x0], $0xffff;
	v20 =	vor.u32 v0, v17  }
0x180: {  	v52 =	vor.u32 v2, v19;
	_ =	sdelay $0x3  }
0x181: {  	[tilespmem:v20+s25+$0x0] =	vst.idx.msk $0xffff, v18  }
0x182: {  	v20 =	vor.u32 v3, v17;
	v18 =	vld.idx.msk [tilespmem:v52+s14+$0x0], $0xffff  }
0x183: {  	v53 =	vor.u32 v4, v19;
	_ =	sdelay $0x3  }
0x184: {  	[tilespmem:v20+s25+$0x0] =	vst.idx.msk $0xffff, v18  }
0x185: {  	v20 =	vor.u32 v5, v17;
	v18 =	vld.idx.msk [tilespmem:v53+s14+$0x0], $0xffff  }
0x186: {  	v54 =	vor.u32 v6, v19;
	_ =	sdelay $0x3  }
0x187: {  	[tilespmem:v20+s25+$0x0] =	vst.idx.msk $0xffff, v18  }
0x188: {  	v20 =	vor.u32 v7, v17;
	v18 =	vld.idx.msk [tilespmem:v54+s14+$0x0], $0xffff  }
0x189: {  	v55 =	vor.u32 v8, v19;
	_ =	sdelay $0x3  }
0x18a: {  	[tilespmem:v20+s25+$0x0] =	vst.idx.msk $0xffff, v18  }
0x18b: {  	v20 =	vor.u32 v9, v17;
	v18 =	vld.idx.msk [tilespmem:v55+s14+$0x0], $0xffff  }
0x18c: {  	v56 =	vor.u32 v10, v19;
	_ =	sdelay $0x3  }
0x18d: {  	[tilespmem:v20+s25+$0x0] =	vst.idx.msk $0xffff, v18  }
0x18e: {  	v20 =	vor.u32 v11, v17;
	v18 =	vld.idx.msk [tilespmem:v56+s14+$0x0], $0xffff  }
0x18f: {  	v57 =	vor.u32 v12, v19;
	_ =	sdelay $0x3  }
0x190: {  	[tilespmem:v20+s25+$0x0] =	vst.idx.msk $0xffff, v18  }
0x191: {  	v20 =	vor.u32 v13, v17;
	v18 =	vld.idx.msk [tilespmem:v57+s14+$0x0], $0xffff  }
0x192: {  	v19 =	vor.u32 v14, v19;
	_ =	sdelay $0x3  }
0x193: {  	v16 =	vor.u32 $0x10, v16;
	[tilespmem:v20+s25+$0x0] =	vst.idx.msk $0xffff, v18  }
0x194: {  	v17 =	vor.u32 v15, v17;
	v18 =	vld.idx.msk [tilespmem:v19+s14+$0x0], $0xffff;
	v19 =	vand.u32 $0x1F, v16  }
0x195: {  	v20 =	vor.u32 v1, v19;
	_ =	sdelay $0x3  }
0x196: {  	v16 =	vshll.u32 v16, $0x7;
	[tilespmem:v17+s25+$0x0] =	vst.idx.msk $0xffff, v18  }
0x197: {  	v18 =	vor.u32 v0, v16;
	v17 =	vld.idx.msk [tilespmem:v20+s14+$0x0], $0xffff  }
0x198: {  	v20 =	vor.u32 v2, v19;
	_ =	sdelay $0x3  }
0x199: {  	[tilespmem:v18+s25+$0x0] =	vst.idx.msk $0xffff, v17  }
0x19a: {  	v18 =	vor.u32 v3, v16;
	v17 =	vld.idx.msk [tilespmem:v20+s14+$0x0], $0xffff  }
0x19b: {  	v20 =	vor.u32 v4, v19;
	_ =	sdelay $0x3  }
0x19c: {  	[tilespmem:v18+s25+$0x0] =	vst.idx.msk $0xffff, v17  }
0x19d: {  	v18 =	vor.u32 v5, v16;
	v17 =	vld.idx.msk [tilespmem:v20+s14+$0x0], $0xffff  }
0x19e: {  	v20 =	vor.u32 v6, v19;
	_ =	sdelay $0x3  }
0x19f: {  	[tilespmem:v18+s25+$0x0] =	vst.idx.msk $0xffff, v17  }
0x1a0: {  	v18 =	vor.u32 v7, v16;
	v17 =	vld.idx.msk [tilespmem:v20+s14+$0x0], $0xffff  }
0x1a1: {  	v20 =	vor.u32 v8, v19;
	_ =	sdelay $0x3  }
0x1a2: {  	[tilespmem:v18+s25+$0x0] =	vst.idx.msk $0xffff, v17  }
0x1a3: {  	v18 =	vor.u32 v9, v16;
	v17 =	vld.idx.msk [tilespmem:v20+s14+$0x0], $0xffff  }
0x1a4: {  	v20 =	vor.u32 v10, v19;
	_ =	sdelay $0x3  }
0x1a5: {  	[tilespmem:v18+s25+$0x0] =	vst.idx.msk $0xffff, v17  }
0x1a6: {  	v18 =	vor.u32 v11, v16;
	v17 =	vld.idx.msk [tilespmem:v20+s14+$0x0], $0xffff  }
0x1a7: {  	v20 =	vor.u32 v12, v19;
	_ =	sdelay $0x3  }
0x1a8: {  	[tilespmem:v18+s25+$0x0] =	vst.idx.msk $0xffff, v17  }
0x1a9: {  	v18 =	vor.u32 v13, v16;
	v17 =	vld.idx.msk [tilespmem:v20+s14+$0x0], $0xffff  }
0x1aa: {  	v19 =	vor.u32 v14, v19;
	_ =	sdelay $0x3  }
0x1ab: {  	[tilespmem:v18+s25+$0x0] =	vst.idx.msk $0xffff, v17  }
0x1ac: {  	v16 =	vor.u32 v15, v16;
	v17 =	vld.idx.msk [tilespmem:v19+s14+$0x0], $0xffff  }
0x1ad: {  	s11 =	sadd.s32 s5, s11  }
0x1ae: {  	s12 =	sshll.u32 s11, $0x9;
	s11 =	sshll.u32 s11, $0x7  }
0x1af: {  	s12 =	sand.u32 $0xFFFC000, s12;
	s11 =	sand.u32 $0xE80, s11  }
0x1b0: {  	s11 =	sor.u32 s11, s12  }
0x1b1: {  	s12 =	sadd.s32 s2, s11;
	[tilespmem:v16+s25+$0x0] =	vst.idx.msk $0xffff, v17  }
0x1b2: {  	[hbm4b:s12+s3] =	stream.linear.scatter [tilespmem:s25], [sflag:$0x6], $0x400, $0x38;
	[tilespmem:$0xCE00] =	vst v63  }
0x1b3: {  	s15 =	sadd.s32 s11, s7  }
0x1b4: {  	[hbm4b:s15+s3] =	stream.linear.scatter [tilespmem:s26], [sflag:$0x6], $0x400, $0x38;
	[tilespmem:$0xCE00] =	vst v63  }
0x1b5: {  	s15 =	sadd.s32 s11, s8  }
0x1b6: {  	[hbm4b:s15+s3] =	stream.linear.scatter [tilespmem:s28], [sflag:$0x6], $0x400, $0x38;
	[tilespmem:$0xCE00] =	vst v63  }
0x1b7: {  	s11 =	sadd.s32 s11, s9  }
0x1b8: {  	[hbm4b:s11+s3] =	stream.linear.scatter [tilespmem:s29], [sflag:$0x6], $0x400, $0x38;
	[tilespmem:$0xCE00] =	vst v63  }
0x1b9: {  	s12 =	simm.s32 @!p0 $0x80;
	s15 =	simm.s32 @!p0 $0x7E00;
	s11 =	sadd.s32 @!p0 $0x280, s10  }
0x1ba: {  	[tilespmem:s15], [sflag:$0x2] =	stream.indirect.gather @!p0 [hbm4b:s4+s12], $0x20, s11, s12, $0xb8;
	[tilespmem:$0xCE00] =	vst v63  }
0x1bb: {  	_ =	swait.ge [sflag:s30], $0x1000  }
0x1bc: {  	[sflag:s30] =	ssyncset.done $0x0  }
0x1bd: {  	[sflag:s30] =	ssyncadd.s32 $0xFFFFF000  }
0x1be: {  	_ =	swait.ge [sflag:s31], $0x400  }
0x1bf: {  	[sflag:s31] =	ssyncset.done $0x0  }
0x1c0: {  	[sflag:s31] =	ssyncadd.s32 $0xFFFFFC00  }
0x1c1: {  	_ =	swait.ge [sflag:s31], $0x400  }
0x1c2: {  	s12 =	simm.s32 $0x0;
	[sflag:s31] =	ssyncset.done $0x0  }
0x1c3: {  	v16 =	vadd.s32 s12, v0;
	[sflag:s31] =	ssyncadd.s32 $0xFFFFFC00  }
0x1c4: {  	v17 =	vand.u32 $0xF, v16;
	_ =	swait.ge [sflag:s31], $0x400  }
0x1c5: {  	v18 =	vor.u32 v1, v17;
	[sflag:s31] =	ssyncset.done $0x0  }
0x1c6: {  	[sflag:s31] =	ssyncadd.s32 $0xFFFFFC00  }
0x1c7: {  	_ =	swait.ge [sflag:s31], $0x400  }
0x1c8: {  	v19 =	vshll.u32 v16, $0x7;
	[sflag:s31] =	ssyncset.done $0x0  }
0x1c9: {  	v19 =	vand.u32 $0x780, v19;
	[sflag:s31] =	ssyncadd.s32 $0xFFFFFC00  }
0x1ca: {  	v20 =	vor.u32 v0, v19;
	v18 =	vld.idx.msk [tilespmem:v18+s16+$0x0], $0xffff  }
0x1cb: {  	v58 =	vor.u32 v2, v17;
	_ =	sdelay $0x3  }
0x1cc: {  	[tilespmem:v20+s20+$0x0] =	vst.idx.msk $0xffff, v18  }
0x1cd: {  	v20 =	vor.u32 v3, v19;
	v18 =	vld.idx.msk [tilespmem:v58+s16+$0x0], $0xffff  }
0x1ce: {  	v59 =	vor.u32 v4, v17;
	_ =	sdelay $0x3  }
0x1cf: {  	[tilespmem:v20+s20+$0x0] =	vst.idx.msk $0xffff, v18  }
0x1d0: {  	v20 =	vor.u32 v5, v19;
	v18 =	vld.idx.msk [tilespmem:v59+s16+$0x0], $0xffff  }
0x1d1: {  	v60 =	vor.u32 v6, v17;
	_ =	sdelay $0x3  }
0x1d2: {  	[tilespmem:v20+s20+$0x0] =	vst.idx.msk $0xffff, v18  }
0x1d3: {  	v20 =	vor.u32 v7, v19;
	v18 =	vld.idx.msk [tilespmem:v60+s16+$0x0], $0xffff  }
0x1d4: {  	v61 =	vor.u32 v8, v17;
	_ =	sdelay $0x3  }
0x1d5: {  	[tilespmem:v20+s20+$0x0] =	vst.idx.msk $0xffff, v18  }
0x1d6: {  	v20 =	vor.u32 v9, v19;
	v18 =	vld.idx.msk [tilespmem:v61+s16+$0x0], $0xffff  }
0x1d7: {  	v62 =	vor.u32 v10, v17;
	_ =	sdelay $0x3  }
0x1d8: {  	[tilespmem:v20+s20+$0x0] =	vst.idx.msk $0xffff, v18  }
0x1d9: {  	v20 =	vor.u32 v11, v19;
	v18 =	vld.idx.msk [tilespmem:v62+s16+$0x0], $0xffff  }
0x1da: {  	v63 =	vor.u32 v12, v17;
	_ =	sdelay $0x3  }
0x1db: {  	[tilespmem:v20+s20+$0x0] =	vst.idx.msk $0xffff, v18  }
0x1dc: {  	v20 =	vor.u32 v13, v19;
	v18 =	vld.idx.msk [tilespmem:v63+s16+$0x0], $0xffff  }
0x1dd: {  	v17 =	vor.u32 v14, v17;
	_ =	sdelay $0x3  }
0x1de: {  	v16 =	vor.u32 $0x10, v16;
	[tilespmem:v20+s20+$0x0] =	vst.idx.msk $0xffff, v18  }
0x1df: {  	v18 =	vor.u32 v15, v19;
	v19 =	vand.u32 $0x1F, v16;
	v17 =	vld.idx.msk [tilespmem:v17+s16+$0x0], $0xffff  }
0x1e0: {  	v20 =	vor.u32 v1, v19;
	_ =	sdelay $0x3  }
0x1e1: {  	[tilespmem:v18+s20+$0x0] =	vst.idx.msk $0xffff, v17;
	v17 =	vshll.u32 v16, $0x7  }
0x1e2: {  	v16 =	vld.idx.msk [tilespmem:v20+s16+$0x0], $0xffff;
	v18 =	vor.u32 v0, v17  }
0x1e3: {  	v20 =	vor.u32 v2, v19;
	_ =	sdelay $0x3  }
0x1e4: {  	[tilespmem:v18+s20+$0x0] =	vst.idx.msk $0xffff, v16  }
0x1e5: {  	v18 =	vor.u32 v3, v17;
	v16 =	vld.idx.msk [tilespmem:v20+s16+$0x0], $0xffff  }
0x1e6: {  	v20 =	vor.u32 v4, v19;
	_ =	sdelay $0x3  }
0x1e7: {  	[tilespmem:v18+s20+$0x0] =	vst.idx.msk $0xffff, v16  }
0x1e8: {  	v18 =	vor.u32 v5, v17;
	v16 =	vld.idx.msk [tilespmem:v20+s16+$0x0], $0xffff  }
0x1e9: {  	v20 =	vor.u32 v6, v19;
	_ =	sdelay $0x3  }
0x1ea: {  	[tilespmem:v18+s20+$0x0] =	vst.idx.msk $0xffff, v16  }
0x1eb: {  	v18 =	vor.u32 v7, v17;
	v16 =	vld.idx.msk [tilespmem:v20+s16+$0x0], $0xffff  }
0x1ec: {  	v20 =	vor.u32 v8, v19;
	_ =	sdelay $0x3  }
0x1ed: {  	[tilespmem:v18+s20+$0x0] =	vst.idx.msk $0xffff, v16  }
0x1ee: {  	v18 =	vor.u32 v9, v17;
	v16 =	vld.idx.msk [tilespmem:v20+s16+$0x0], $0xffff  }
0x1ef: {  	v20 =	vor.u32 v10, v19;
	_ =	sdelay $0x3  }
0x1f0: {  	[tilespmem:v18+s20+$0x0] =	vst.idx.msk $0xffff, v16  }
0x1f1: {  	v18 =	vor.u32 v11, v17;
	v16 =	vld.idx.msk [tilespmem:v20+s16+$0x0], $0xffff  }
0x1f2: {  	v20 =	vor.u32 v12, v19;
	_ =	sdelay $0x3  }
0x1f3: {  	[tilespmem:v18+s20+$0x0] =	vst.idx.msk $0xffff, v16  }
0x1f4: {  	v18 =	vor.u32 v13, v17;
	v16 =	vld.idx.msk [tilespmem:v20+s16+$0x0], $0xffff  }
0x1f5: {  	v19 =	vor.u32 v14, v19;
	_ =	sdelay $0x3  }
0x1f6: {  	s15 =	simm.s32 $0x1;
	[tilespmem:v18+s20+$0x0] =	vst.idx.msk $0xffff, v16  }
0x1f7: {  	s11 =	simm.s32 $0x2;
	v16 =	vadd.s32 s15, v0;
	v18 =	vld.idx.msk [tilespmem:v19+s16+$0x0], $0xffff  }
.LBB2_7:
0x1f8: {  	p1 =	sne.s32 s11, $0xF;
	v19 =	vand.u32 $0xF, v16;
	v17 =	vor.u32 v15, v17  }
0x1f9: {  	v20 =	vor.u32 v1, v19;
	_ =	sdelay $0x3  }
0x1fa: {  	v21 =	vshll.u32 v16, $0x7;
	[tilespmem:v17+s20+$0x0] =	vst.idx.msk $0xffff, v18  }
0x1fb: {  	v17 =	vand.u32 $0x780, v21;
	v18 =	vld.idx.msk [tilespmem:v20+s16+$0x0], $0xffff  }
0x1fc: {  	v20 =	vor.u32 v0, v17  }
0x1fd: {  	v21 =	vor.u32 v2, v19;
	_ =	sdelay $0x3  }
0x1fe: {  	[tilespmem:v20+s20+$0x0] =	vst.idx.msk $0xffff, v18  }
0x1ff: {  	v18 =	vld.idx.msk [tilespmem:v21+s16+$0x0], $0xffff  }
0x200: {  	v20 =	vor.u32 v3, v17  }
0x201: {  	v21 =	vor.u32 v4, v19;
	_ =	sdelay $0x3  }
0x202: {  	[tilespmem:v20+s20+$0x0] =	vst.idx.msk $0xffff, v18  }
0x203: {  	v18 =	vld.idx.msk [tilespmem:v21+s16+$0x0], $0xffff  }
0x204: {  	v20 =	vor.u32 v5, v17  }
0x205: {  	v21 =	vor.u32 v6, v19;
	_ =	sdelay $0x3  }
0x206: {  	[tilespmem:v20+s20+$0x0] =	vst.idx.msk $0xffff, v18  }
0x207: {  	v18 =	vld.idx.msk [tilespmem:v21+s16+$0x0], $0xffff  }
0x208: {  	v20 =	vor.u32 v7, v17  }
0x209: {  	v21 =	vor.u32 v8, v19;
	_ =	sdelay $0x3  }
0x20a: {  	[tilespmem:v20+s20+$0x0] =	vst.idx.msk $0xffff, v18  }
0x20b: {  	v18 =	vld.idx.msk [tilespmem:v21+s16+$0x0], $0xffff  }
0x20c: {  	v20 =	vor.u32 v9, v17  }
0x20d: {  	v21 =	vor.u32 v10, v19;
	_ =	sdelay $0x3  }
0x20e: {  	[tilespmem:v20+s20+$0x0] =	vst.idx.msk $0xffff, v18  }
0x20f: {  	v18 =	vld.idx.msk [tilespmem:v21+s16+$0x0], $0xffff  }
0x210: {  	v20 =	vor.u32 v11, v17  }
0x211: {  	v21 =	vor.u32 v12, v19;
	_ =	sdelay $0x3  }
0x212: {  	[tilespmem:v20+s20+$0x0] =	vst.idx.msk $0xffff, v18  }
0x213: {  	v18 =	vld.idx.msk [tilespmem:v21+s16+$0x0], $0xffff  }
0x214: {  	v20 =	vor.u32 v13, v17  }
0x215: {  	v19 =	vor.u32 v14, v19;
	_ =	sdelay $0x3  }
0x216: {  	[tilespmem:v20+s20+$0x0] =	vst.idx.msk $0xffff, v18  }
0x217: {  	v16 =	vor.u32 $0x10, v16;
	v18 =	vld.idx.msk [tilespmem:v19+s16+$0x0], $0xffff  }
0x218: {  	v17 =	vor.u32 v15, v17;
	v19 =	vand.u32 $0x1F, v16  }
0x219: {  	v20 =	vor.u32 v1, v19;
	_ =	sdelay $0x3  }
0x21a: {  	[tilespmem:v17+s20+$0x0] =	vst.idx.msk $0xffff, v18  }
0x21b: {  	v17 =	vshll.u32 v16, $0x7;
	v16 =	vld.idx.msk [tilespmem:v20+s16+$0x0], $0xffff  }
0x21c: {  	v18 =	vor.u32 v0, v17  }
0x21d: {  	v20 =	vor.u32 v2, v19;
	_ =	sdelay $0x3  }
0x21e: {  	[tilespmem:v18+s20+$0x0] =	vst.idx.msk $0xffff, v16  }
0x21f: {  	v16 =	vld.idx.msk [tilespmem:v20+s16+$0x0], $0xffff  }
0x220: {  	v18 =	vor.u32 v3, v17  }
0x221: {  	v20 =	vor.u32 v4, v19;
	_ =	sdelay $0x3  }
0x222: {  	[tilespmem:v18+s20+$0x0] =	vst.idx.msk $0xffff, v16  }
0x223: {  	v16 =	vld.idx.msk [tilespmem:v20+s16+$0x0], $0xffff  }
0x224: {  	v18 =	vor.u32 v5, v17  }
0x225: {  	v20 =	vor.u32 v6, v19;
	_ =	sdelay $0x3  }
0x226: {  	[tilespmem:v18+s20+$0x0] =	vst.idx.msk $0xffff, v16  }
0x227: {  	v16 =	vld.idx.msk [tilespmem:v20+s16+$0x0], $0xffff  }
0x228: {  	v18 =	vor.u32 v7, v17  }
0x229: {  	v20 =	vor.u32 v8, v19;
	_ =	sdelay $0x3  }
0x22a: {  	[tilespmem:v18+s20+$0x0] =	vst.idx.msk $0xffff, v16  }
0x22b: {  	v16 =	vld.idx.msk [tilespmem:v20+s16+$0x0], $0xffff  }
0x22c: {  	v18 =	vor.u32 v9, v17  }
0x22d: {  	v20 =	vor.u32 v10, v19;
	_ =	sdelay $0x3  }
0x22e: {  	[tilespmem:v18+s20+$0x0] =	vst.idx.msk $0xffff, v16  }
0x22f: {  	v16 =	vld.idx.msk [tilespmem:v20+s16+$0x0], $0xffff  }
0x230: {  	v18 =	vor.u32 v11, v17  }
0x231: {  	v20 =	vor.u32 v12, v19;
	_ =	sdelay $0x3  }
0x232: {  	[tilespmem:v18+s20+$0x0] =	vst.idx.msk $0xffff, v16  }
0x233: {  	v16 =	vld.idx.msk [tilespmem:v20+s16+$0x0], $0xffff  }
0x234: {  	v18 =	vor.u32 v13, v17  }
0x235: {  	v19 =	vor.u32 v14, v19  }
.Ltmp4:
0x236: {  	(pc) =	sbr.rel @p1 .LBB2_7-.Ltmp4, $3  }
0x237: {  	_ =	sdelay $0x1  }
0x238: {  	[tilespmem:v18+s20+$0x0] =	vst.idx.msk $0xffff, v16  }
0x239: {  	v16 =	vadd.s32 s11, v0;
	s11 =	sadd.s32 $0x1, s11;
	v18 =	vld.idx.msk [tilespmem:v19+s16+$0x0], $0xffff  }
0x23a: {  	v19 =	vand.u32 $0xF, v16;
	v17 =	vor.u32 v15, v17  }
0x23b: {  	v20 =	vor.u32 v1, v19;
	_ =	sdelay $0x2  }
0x23c: {  	v21 =	vshll.u32 v16, $0x7  }
0x23d: {  	[tilespmem:v17+s20+$0x0] =	vst.idx.msk $0xffff, v18;
	v17 =	vand.u32 $0x780, v21  }
0x23e: {  	v18 =	vld.idx.msk [tilespmem:v20+s16+$0x0], $0xffff;
	v20 =	vor.u32 v0, v17  }
0x23f: {  	v52 =	vor.u32 v2, v19;
	_ =	sdelay $0x3  }
0x240: {  	[tilespmem:v20+s20+$0x0] =	vst.idx.msk $0xffff, v18  }
0x241: {  	v20 =	vor.u32 v3, v17;
	v18 =	vld.idx.msk [tilespmem:v52+s16+$0x0], $0xffff  }
0x242: {  	v53 =	vor.u32 v4, v19;
	_ =	sdelay $0x3  }
0x243: {  	[tilespmem:v20+s20+$0x0] =	vst.idx.msk $0xffff, v18  }
0x244: {  	v20 =	vor.u32 v5, v17;
	v18 =	vld.idx.msk [tilespmem:v53+s16+$0x0], $0xffff  }
0x245: {  	v54 =	vor.u32 v6, v19;
	_ =	sdelay $0x3  }
0x246: {  	[tilespmem:v20+s20+$0x0] =	vst.idx.msk $0xffff, v18  }
0x247: {  	v20 =	vor.u32 v7, v17;
	v18 =	vld.idx.msk [tilespmem:v54+s16+$0x0], $0xffff  }
0x248: {  	v55 =	vor.u32 v8, v19;
	_ =	sdelay $0x3  }
0x249: {  	[tilespmem:v20+s20+$0x0] =	vst.idx.msk $0xffff, v18  }
0x24a: {  	v20 =	vor.u32 v9, v17;
	v18 =	vld.idx.msk [tilespmem:v55+s16+$0x0], $0xffff  }
0x24b: {  	v56 =	vor.u32 v10, v19;
	_ =	sdelay $0x3  }
0x24c: {  	[tilespmem:v20+s20+$0x0] =	vst.idx.msk $0xffff, v18  }
0x24d: {  	v20 =	vor.u32 v11, v17;
	v18 =	vld.idx.msk [tilespmem:v56+s16+$0x0], $0xffff  }
0x24e: {  	v57 =	vor.u32 v12, v19;
	_ =	sdelay $0x3  }
0x24f: {  	[tilespmem:v20+s20+$0x0] =	vst.idx.msk $0xffff, v18  }
0x250: {  	v20 =	vor.u32 v13, v17;
	v18 =	vld.idx.msk [tilespmem:v57+s16+$0x0], $0xffff  }
0x251: {  	v19 =	vor.u32 v14, v19;
	_ =	sdelay $0x3  }
0x252: {  	v16 =	vor.u32 $0x10, v16;
	[tilespmem:v20+s20+$0x0] =	vst.idx.msk $0xffff, v18  }
0x253: {  	v17 =	vor.u32 v15, v17;
	v18 =	vld.idx.msk [tilespmem:v19+s16+$0x0], $0xffff;
	v19 =	vand.u32 $0x1F, v16  }
0x254: {  	v20 =	vor.u32 v1, v19;
	_ =	sdelay $0x3  }
0x255: {  	v16 =	vshll.u32 v16, $0x7;
	[tilespmem:v17+s20+$0x0] =	vst.idx.msk $0xffff, v18  }
0x256: {  	v18 =	vor.u32 v0, v16;
	v17 =	vld.idx.msk [tilespmem:v20+s16+$0x0], $0xffff  }
0x257: {  	v20 =	vor.u32 v2, v19;
	_ =	sdelay $0x3  }
0x258: {  	[tilespmem:v18+s20+$0x0] =	vst.idx.msk $0xffff, v17  }
0x259: {  	v18 =	vor.u32 v3, v16;
	v17 =	vld.idx.msk [tilespmem:v20+s16+$0x0], $0xffff  }
0x25a: {  	v20 =	vor.u32 v4, v19;
	_ =	sdelay $0x3  }
0x25b: {  	[tilespmem:v18+s20+$0x0] =	vst.idx.msk $0xffff, v17  }
0x25c: {  	v18 =	vor.u32 v5, v16;
	v17 =	vld.idx.msk [tilespmem:v20+s16+$0x0], $0xffff  }
0x25d: {  	v20 =	vor.u32 v6, v19;
	_ =	sdelay $0x3  }
0x25e: {  	[tilespmem:v18+s20+$0x0] =	vst.idx.msk $0xffff, v17  }
0x25f: {  	v18 =	vor.u32 v7, v16;
	v17 =	vld.idx.msk [tilespmem:v20+s16+$0x0], $0xffff  }
0x260: {  	v20 =	vor.u32 v8, v19;
	_ =	sdelay $0x3  }
0x261: {  	[tilespmem:v18+s20+$0x0] =	vst.idx.msk $0xffff, v17  }
0x262: {  	v18 =	vor.u32 v9, v16;
	v17 =	vld.idx.msk [tilespmem:v20+s16+$0x0], $0xffff  }
0x263: {  	v20 =	vor.u32 v10, v19;
	_ =	sdelay $0x3  }
0x264: {  	[tilespmem:v18+s20+$0x0] =	vst.idx.msk $0xffff, v17  }
0x265: {  	v18 =	vor.u32 v11, v16;
	v17 =	vld.idx.msk [tilespmem:v20+s16+$0x0], $0xffff  }
0x266: {  	v20 =	vor.u32 v12, v19;
	_ =	sdelay $0x3  }
0x267: {  	[tilespmem:v18+s20+$0x0] =	vst.idx.msk $0xffff, v17  }
0x268: {  	v18 =	vor.u32 v13, v16;
	v17 =	vld.idx.msk [tilespmem:v20+s16+$0x0], $0xffff  }
0x269: {  	v19 =	vor.u32 v14, v19;
	_ =	sdelay $0x3  }
0x26a: {  	[tilespmem:v18+s20+$0x0] =	vst.idx.msk $0xffff, v17  }
0x26b: {  	s6 =	sadd.s32 s6, s5;
	v16 =	vor.u32 v15, v16;
	v17 =	vld.idx.msk [tilespmem:v19+s16+$0x0], $0xffff  }
0x26c: {  	s11 =	sadd.s32 $0x2, s6  }
0x26d: {  	s12 =	sshll.u32 s11, $0x9;
	s11 =	sshll.u32 s11, $0x7  }
0x26e: {  	s12 =	sand.u32 $0xFFFC000, s12;
	s11 =	sand.u32 $0xF00, s11  }
0x26f: {  	s11 =	sor.u32 s11, s12  }
0x270: {  	s12 =	sadd.s32 s2, s11;
	[tilespmem:v16+s20+$0x0] =	vst.idx.msk $0xffff, v17  }
0x271: {  	[hbm4b:s12+s3] =	stream.linear.scatter [tilespmem:s20], [sflag:$0x5], $0x400, $0x38;
	[tilespmem:$0xCE00] =	vst v63  }
0x272: {  	s15 =	sadd.s32 s11, s7  }
0x273: {  	[hbm4b:s15+s3] =	stream.linear.scatter [tilespmem:s21], [sflag:$0x5], $0x400, $0x38;
	[tilespmem:$0xCE00] =	vst v63  }
0x274: {  	s15 =	sadd.s32 s11, s8  }
0x275: {  	[hbm4b:s15+s3] =	stream.linear.scatter [tilespmem:s22], [sflag:$0x5], $0x400, $0x38;
	[tilespmem:$0xCE00] =	vst v63  }
0x276: {  	s11 =	sadd.s32 s11, s9  }
0x277: {  	[hbm4b:s11+s3] =	stream.linear.scatter [tilespmem:s23], [sflag:$0x5], $0x400, $0x38;
	[tilespmem:$0xCE00] =	vst v63  }
0x278: {  	s10 =	sadd.s32 @!p0 $0x300, s10;
	s12 =	simm.s32 @!p0 $0x8E00;
	s11 =	simm.s32 @!p0 $0x80  }
0x279: {  	[tilespmem:s12], [sflag:$0x3] =	stream.indirect.gather @!p0 [hbm4b:s4+s11], $0x20, s10, s11, $0xb8;
	[tilespmem:$0xCE00] =	vst v63  }
0x27a: {  	_ =	swait.ge [sflag:s1], $0x1000  }
0x27b: {  	[sflag:s1] =	ssyncset.done $0x0  }
0x27c: {  	[sflag:s1] =	ssyncadd.s32 $0xFFFFF000  }
0x27d: {  	_ =	swait.ge [sflag:s0], $0x400  }
0x27e: {  	[sflag:s0] =	ssyncset.done $0x0  }
0x27f: {  	[sflag:s0] =	ssyncadd.s32 $0xFFFFFC00  }
0x280: {  	_ =	swait.ge [sflag:s0], $0x400  }
0x281: {  	s12 =	simm.s32 $0x0;
	[sflag:s0] =	ssyncset.done $0x0  }
0x282: {  	v16 =	vadd.s32 s12, v0;
	[sflag:s0] =	ssyncadd.s32 $0xFFFFFC00  }
0x283: {  	v17 =	vand.u32 $0xF, v16;
	_ =	swait.ge [sflag:s0], $0x400  }
0x284: {  	v18 =	vor.u32 v1, v17;
	[sflag:s0] =	ssyncset.done $0x0  }
0x285: {  	[sflag:s0] =	ssyncadd.s32 $0xFFFFFC00  }
0x286: {  	_ =	swait.ge [sflag:s0], $0x400  }
0x287: {  	v19 =	vshll.u32 v16, $0x7;
	[sflag:s0] =	ssyncset.done $0x0  }
0x288: {  	v19 =	vand.u32 $0x780, v19;
	[sflag:s0] =	ssyncadd.s32 $0xFFFFFC00  }
0x289: {  	v20 =	vor.u32 v0, v19;
	v18 =	vld.idx.msk [tilespmem:v18+s18+$0x0], $0xffff  }
0x28a: {  	v58 =	vor.u32 v2, v17;
	_ =	sdelay $0x3  }
0x28b: {  	[tilespmem:v20+s25+$0x0] =	vst.idx.msk $0xffff, v18  }
0x28c: {  	v20 =	vor.u32 v3, v19;
	v18 =	vld.idx.msk [tilespmem:v58+s18+$0x0], $0xffff  }
0x28d: {  	v59 =	vor.u32 v4, v17;
	_ =	sdelay $0x3  }
0x28e: {  	[tilespmem:v20+s25+$0x0] =	vst.idx.msk $0xffff, v18  }
0x28f: {  	v20 =	vor.u32 v5, v19;
	v18 =	vld.idx.msk [tilespmem:v59+s18+$0x0], $0xffff  }
0x290: {  	v60 =	vor.u32 v6, v17;
	_ =	sdelay $0x3  }
0x291: {  	[tilespmem:v20+s25+$0x0] =	vst.idx.msk $0xffff, v18  }
0x292: {  	v20 =	vor.u32 v7, v19;
	v18 =	vld.idx.msk [tilespmem:v60+s18+$0x0], $0xffff  }
0x293: {  	v61 =	vor.u32 v8, v17;
	_ =	sdelay $0x3  }
0x294: {  	[tilespmem:v20+s25+$0x0] =	vst.idx.msk $0xffff, v18  }
0x295: {  	v20 =	vor.u32 v9, v19;
	v18 =	vld.idx.msk [tilespmem:v61+s18+$0x0], $0xffff  }
0x296: {  	v62 =	vor.u32 v10, v17;
	_ =	sdelay $0x3  }
0x297: {  	[tilespmem:v20+s25+$0x0] =	vst.idx.msk $0xffff, v18  }
0x298: {  	v20 =	vor.u32 v11, v19;
	v18 =	vld.idx.msk [tilespmem:v62+s18+$0x0], $0xffff  }
0x299: {  	v63 =	vor.u32 v12, v17;
	_ =	sdelay $0x3  }
0x29a: {  	[tilespmem:v20+s25+$0x0] =	vst.idx.msk $0xffff, v18  }
0x29b: {  	v20 =	vor.u32 v13, v19;
	v18 =	vld.idx.msk [tilespmem:v63+s18+$0x0], $0xffff  }
0x29c: {  	v17 =	vor.u32 v14, v17;
	_ =	sdelay $0x3  }
0x29d: {  	v16 =	vor.u32 $0x10, v16;
	[tilespmem:v20+s25+$0x0] =	vst.idx.msk $0xffff, v18  }
0x29e: {  	v18 =	vor.u32 v15, v19;
	v19 =	vand.u32 $0x1F, v16;
	v17 =	vld.idx.msk [tilespmem:v17+s18+$0x0], $0xffff  }
0x29f: {  	v20 =	vor.u32 v1, v19;
	_ =	sdelay $0x3  }
0x2a0: {  	[tilespmem:v18+s25+$0x0] =	vst.idx.msk $0xffff, v17;
	v17 =	vshll.u32 v16, $0x7  }
0x2a1: {  	v16 =	vld.idx.msk [tilespmem:v20+s18+$0x0], $0xffff;
	v18 =	vor.u32 v0, v17  }
0x2a2: {  	v20 =	vor.u32 v2, v19;
	_ =	sdelay $0x3  }
0x2a3: {  	[tilespmem:v18+s25+$0x0] =	vst.idx.msk $0xffff, v16  }
0x2a4: {  	v18 =	vor.u32 v3, v17;
	v16 =	vld.idx.msk [tilespmem:v20+s18+$0x0], $0xffff  }
0x2a5: {  	v20 =	vor.u32 v4, v19;
	_ =	sdelay $0x3  }
0x2a6: {  	[tilespmem:v18+s25+$0x0] =	vst.idx.msk $0xffff, v16  }
0x2a7: {  	v18 =	vor.u32 v5, v17;
	v16 =	vld.idx.msk [tilespmem:v20+s18+$0x0], $0xffff  }
0x2a8: {  	v20 =	vor.u32 v6, v19;
	_ =	sdelay $0x3  }
0x2a9: {  	[tilespmem:v18+s25+$0x0] =	vst.idx.msk $0xffff, v16  }
0x2aa: {  	v18 =	vor.u32 v7, v17;
	v16 =	vld.idx.msk [tilespmem:v20+s18+$0x0], $0xffff  }
0x2ab: {  	v20 =	vor.u32 v8, v19;
	_ =	sdelay $0x3  }
0x2ac: {  	[tilespmem:v18+s25+$0x0] =	vst.idx.msk $0xffff, v16  }
0x2ad: {  	v18 =	vor.u32 v9, v17;
	v16 =	vld.idx.msk [tilespmem:v20+s18+$0x0], $0xffff  }
0x2ae: {  	v20 =	vor.u32 v10, v19;
	_ =	sdelay $0x3  }
0x2af: {  	[tilespmem:v18+s25+$0x0] =	vst.idx.msk $0xffff, v16  }
0x2b0: {  	v18 =	vor.u32 v11, v17;
	v16 =	vld.idx.msk [tilespmem:v20+s18+$0x0], $0xffff  }
0x2b1: {  	v20 =	vor.u32 v12, v19;
	_ =	sdelay $0x3  }
0x2b2: {  	[tilespmem:v18+s25+$0x0] =	vst.idx.msk $0xffff, v16  }
0x2b3: {  	v18 =	vor.u32 v13, v17;
	v16 =	vld.idx.msk [tilespmem:v20+s18+$0x0], $0xffff  }
0x2b4: {  	v19 =	vor.u32 v14, v19;
	_ =	sdelay $0x3  }
0x2b5: {  	s15 =	simm.s32 $0x1;
	[tilespmem:v18+s25+$0x0] =	vst.idx.msk $0xffff, v16  }
0x2b6: {  	s10 =	simm.s32 $0x2;
	v16 =	vadd.s32 s15, v0;
	v18 =	vld.idx.msk [tilespmem:v19+s18+$0x0], $0xffff  }
.LBB2_9:
0x2b7: {  	p1 =	sne.s32 s10, $0xF;
	v19 =	vand.u32 $0xF, v16;
	v17 =	vor.u32 v15, v17  }
0x2b8: {  	v20 =	vor.u32 v1, v19;
	_ =	sdelay $0x3  }
0x2b9: {  	v21 =	vshll.u32 v16, $0x7;
	[tilespmem:v17+s25+$0x0] =	vst.idx.msk $0xffff, v18  }
0x2ba: {  	v17 =	vand.u32 $0x780, v21;
	v18 =	vld.idx.msk [tilespmem:v20+s18+$0x0], $0xffff  }
0x2bb: {  	v20 =	vor.u32 v0, v17  }
0x2bc: {  	v21 =	vor.u32 v2, v19;
	_ =	sdelay $0x3  }
0x2bd: {  	[tilespmem:v20+s25+$0x0] =	vst.idx.msk $0xffff, v18  }
0x2be: {  	v18 =	vld.idx.msk [tilespmem:v21+s18+$0x0], $0xffff  }
0x2bf: {  	v20 =	vor.u32 v3, v17  }
0x2c0: {  	v21 =	vor.u32 v4, v19;
	_ =	sdelay $0x3  }
0x2c1: {  	[tilespmem:v20+s25+$0x0] =	vst.idx.msk $0xffff, v18  }
0x2c2: {  	v18 =	vld.idx.msk [tilespmem:v21+s18+$0x0], $0xffff  }
0x2c3: {  	v20 =	vor.u32 v5, v17  }
0x2c4: {  	v21 =	vor.u32 v6, v19;
	_ =	sdelay $0x3  }
0x2c5: {  	[tilespmem:v20+s25+$0x0] =	vst.idx.msk $0xffff, v18  }
0x2c6: {  	v18 =	vld.idx.msk [tilespmem:v21+s18+$0x0], $0xffff  }
0x2c7: {  	v20 =	vor.u32 v7, v17  }
0x2c8: {  	v21 =	vor.u32 v8, v19;
	_ =	sdelay $0x3  }
0x2c9: {  	[tilespmem:v20+s25+$0x0] =	vst.idx.msk $0xffff, v18  }
0x2ca: {  	v18 =	vld.idx.msk [tilespmem:v21+s18+$0x0], $0xffff  }
0x2cb: {  	v20 =	vor.u32 v9, v17  }
0x2cc: {  	v21 =	vor.u32 v10, v19;
	_ =	sdelay $0x3  }
0x2cd: {  	[tilespmem:v20+s25+$0x0] =	vst.idx.msk $0xffff, v18  }
0x2ce: {  	v18 =	vld.idx.msk [tilespmem:v21+s18+$0x0], $0xffff  }
0x2cf: {  	v20 =	vor.u32 v11, v17  }
0x2d0: {  	v21 =	vor.u32 v12, v19;
	_ =	sdelay $0x3  }
0x2d1: {  	[tilespmem:v20+s25+$0x0] =	vst.idx.msk $0xffff, v18  }
0x2d2: {  	v18 =	vld.idx.msk [tilespmem:v21+s18+$0x0], $0xffff  }
0x2d3: {  	v20 =	vor.u32 v13, v17  }
0x2d4: {  	v19 =	vor.u32 v14, v19;
	_ =	sdelay $0x3  }
0x2d5: {  	[tilespmem:v20+s25+$0x0] =	vst.idx.msk $0xffff, v18  }
0x2d6: {  	v16 =	vor.u32 $0x10, v16;
	v18 =	vld.idx.msk [tilespmem:v19+s18+$0x0], $0xffff  }
0x2d7: {  	v17 =	vor.u32 v15, v17;
	v19 =	vand.u32 $0x1F, v16  }
0x2d8: {  	v20 =	vor.u32 v1, v19;
	_ =	sdelay $0x3  }
0x2d9: {  	[tilespmem:v17+s25+$0x0] =	vst.idx.msk $0xffff, v18  }
0x2da: {  	v17 =	vshll.u32 v16, $0x7;
	v16 =	vld.idx.msk [tilespmem:v20+s18+$0x0], $0xffff  }
0x2db: {  	v18 =	vor.u32 v0, v17  }
0x2dc: {  	v20 =	vor.u32 v2, v19;
	_ =	sdelay $0x3  }
0x2dd: {  	[tilespmem:v18+s25+$0x0] =	vst.idx.msk $0xffff, v16  }
0x2de: {  	v16 =	vld.idx.msk [tilespmem:v20+s18+$0x0], $0xffff  }
0x2df: {  	v18 =	vor.u32 v3, v17  }
0x2e0: {  	v20 =	vor.u32 v4, v19;
	_ =	sdelay $0x3  }
0x2e1: {  	[tilespmem:v18+s25+$0x0] =	vst.idx.msk $0xffff, v16  }
0x2e2: {  	v16 =	vld.idx.msk [tilespmem:v20+s18+$0x0], $0xffff  }
0x2e3: {  	v18 =	vor.u32 v5, v17  }
0x2e4: {  	v20 =	vor.u32 v6, v19;
	_ =	sdelay $0x3  }
0x2e5: {  	[tilespmem:v18+s25+$0x0] =	vst.idx.msk $0xffff, v16  }
0x2e6: {  	v16 =	vld.idx.msk [tilespmem:v20+s18+$0x0], $0xffff  }
0x2e7: {  	v18 =	vor.u32 v7, v17  }
0x2e8: {  	v20 =	vor.u32 v8, v19;
	_ =	sdelay $0x3  }
0x2e9: {  	[tilespmem:v18+s25+$0x0] =	vst.idx.msk $0xffff, v16  }
0x2ea: {  	v16 =	vld.idx.msk [tilespmem:v20+s18+$0x0], $0xffff  }
0x2eb: {  	v18 =	vor.u32 v9, v17  }
0x2ec: {  	v20 =	vor.u32 v10, v19;
	_ =	sdelay $0x3  }
0x2ed: {  	[tilespmem:v18+s25+$0x0] =	vst.idx.msk $0xffff, v16  }
0x2ee: {  	v16 =	vld.idx.msk [tilespmem:v20+s18+$0x0], $0xffff  }
0x2ef: {  	v18 =	vor.u32 v11, v17  }
0x2f0: {  	v20 =	vor.u32 v12, v19;
	_ =	sdelay $0x3  }
0x2f1: {  	[tilespmem:v18+s25+$0x0] =	vst.idx.msk $0xffff, v16  }
0x2f2: {  	v16 =	vld.idx.msk [tilespmem:v20+s18+$0x0], $0xffff  }
0x2f3: {  	v18 =	vor.u32 v13, v17  }
0x2f4: {  	v19 =	vor.u32 v14, v19  }
.Ltmp5:
0x2f5: {  	(pc) =	sbr.rel @p1 .LBB2_9-.Ltmp5, $3  }
0x2f6: {  	_ =	sdelay $0x1  }
0x2f7: {  	[tilespmem:v18+s25+$0x0] =	vst.idx.msk $0xffff, v16  }
0x2f8: {  	v16 =	vadd.s32 s10, v0;
	s10 =	sadd.s32 $0x1, s10;
	v18 =	vld.idx.msk [tilespmem:v19+s18+$0x0], $0xffff  }
0x2f9: {  	v19 =	vand.u32 $0xF, v16;
	v17 =	vor.u32 v15, v17  }
0x2fa: {  	v20 =	vor.u32 v1, v19;
	_ =	sdelay $0x2  }
0x2fb: {  	v21 =	vshll.u32 v16, $0x7  }
0x2fc: {  	[tilespmem:v17+s25+$0x0] =	vst.idx.msk $0xffff, v18;
	v17 =	vand.u32 $0x780, v21  }
0x2fd: {  	v18 =	vld.idx.msk [tilespmem:v20+s18+$0x0], $0xffff;
	v36 =	vor.u32 v0, v17  }
0x2fe: {  	v37 =	vor.u32 v2, v19;
	_ =	sdelay $0x3  }
0x2ff: {  	[tilespmem:v36+s25+$0x0] =	vst.idx.msk $0xffff, v18  }
0x300: {  	v38 =	vor.u32 v3, v17;
	v18 =	vld.idx.msk [tilespmem:v37+s18+$0x0], $0xffff  }
0x301: {  	v39 =	vor.u32 v4, v19;
	_ =	sdelay $0x3  }
0x302: {  	[tilespmem:v38+s25+$0x0] =	vst.idx.msk $0xffff, v18  }
0x303: {  	v40 =	vor.u32 v5, v17;
	v18 =	vld.idx.msk [tilespmem:v39+s18+$0x0], $0xffff  }
0x304: {  	v41 =	vor.u32 v6, v19;
	_ =	sdelay $0x3  }
0x305: {  	[tilespmem:v40+s25+$0x0] =	vst.idx.msk $0xffff, v18  }
0x306: {  	v42 =	vor.u32 v7, v17;
	v18 =	vld.idx.msk [tilespmem:v41+s18+$0x0], $0xffff  }
0x307: {  	v43 =	vor.u32 v8, v19;
	_ =	sdelay $0x3  }
0x308: {  	[tilespmem:v42+s25+$0x0] =	vst.idx.msk $0xffff, v18  }
0x309: {  	v44 =	vor.u32 v9, v17;
	v18 =	vld.idx.msk [tilespmem:v43+s18+$0x0], $0xffff  }
0x30a: {  	v45 =	vor.u32 v10, v19;
	_ =	sdelay $0x3  }
0x30b: {  	[tilespmem:v44+s25+$0x0] =	vst.idx.msk $0xffff, v18  }
0x30c: {  	v46 =	vor.u32 v11, v17;
	v18 =	vld.idx.msk [tilespmem:v45+s18+$0x0], $0xffff  }
0x30d: {  	v47 =	vor.u32 v12, v19;
	_ =	sdelay $0x3  }
0x30e: {  	[tilespmem:v46+s25+$0x0] =	vst.idx.msk $0xffff, v18  }
0x30f: {  	v48 =	vor.u32 v13, v17;
	v18 =	vld.idx.msk [tilespmem:v47+s18+$0x0], $0xffff  }
0x310: {  	v19 =	vor.u32 v14, v19;
	_ =	sdelay $0x3  }
0x311: {  	v16 =	vor.u32 $0x10, v16;
	[tilespmem:v48+s25+$0x0] =	vst.idx.msk $0xffff, v18  }
0x312: {  	v49 =	vand.u32 $0x1F, v16;
	v17 =	vor.u32 v15, v17;
	v18 =	vld.idx.msk [tilespmem:v19+s18+$0x0], $0xffff  }
0x313: {  	v50 =	vor.u32 v1, v49;
	_ =	sdelay $0x3  }
0x314: {  	v16 =	vshll.u32 v16, $0x7;
	[tilespmem:v17+s25+$0x0] =	vst.idx.msk $0xffff, v18  }
0x315: {  	v51 =	vor.u32 v0, v16;
	v17 =	vld.idx.msk [tilespmem:v50+s18+$0x0], $0xffff  }
0x316: {  	v52 =	vor.u32 v2, v49;
	_ =	sdelay $0x3  }
0x317: {  	[tilespmem:v51+s25+$0x0] =	vst.idx.msk $0xffff, v17  }
0x318: {  	v53 =	vor.u32 v3, v16;
	v17 =	vld.idx.msk [tilespmem:v52+s18+$0x0], $0xffff  }
0x319: {  	v54 =	vor.u32 v4, v49;
	_ =	sdelay $0x3  }
0x31a: {  	[tilespmem:v53+s25+$0x0] =	vst.idx.msk $0xffff, v17  }
0x31b: {  	v55 =	vor.u32 v5, v16;
	v17 =	vld.idx.msk [tilespmem:v54+s18+$0x0], $0xffff  }
0x31c: {  	v56 =	vor.u32 v6, v49;
	_ =	sdelay $0x3  }
0x31d: {  	[tilespmem:v55+s25+$0x0] =	vst.idx.msk $0xffff, v17  }
0x31e: {  	v57 =	vor.u32 v7, v16;
	v17 =	vld.idx.msk [tilespmem:v56+s18+$0x0], $0xffff  }
0x31f: {  	v58 =	vor.u32 v8, v49;
	_ =	sdelay $0x3  }
0x320: {  	[tilespmem:v57+s25+$0x0] =	vst.idx.msk $0xffff, v17  }
0x321: {  	v59 =	vor.u32 v9, v16;
	v17 =	vld.idx.msk [tilespmem:v58+s18+$0x0], $0xffff  }
0x322: {  	v60 =	vor.u32 v10, v49;
	_ =	sdelay $0x3  }
0x323: {  	[tilespmem:v59+s25+$0x0] =	vst.idx.msk $0xffff, v17  }
0x324: {  	v61 =	vor.u32 v11, v16;
	v17 =	vld.idx.msk [tilespmem:v60+s18+$0x0], $0xffff  }
0x325: {  	v62 =	vor.u32 v12, v49;
	_ =	sdelay $0x3  }
0x326: {  	[tilespmem:v61+s25+$0x0] =	vst.idx.msk $0xffff, v17  }
0x327: {  	v63 =	vor.u32 v13, v16;
	v17 =	vld.idx.msk [tilespmem:v62+s18+$0x0], $0xffff  }
0x328: {  	v19 =	vor.u32 v14, v49;
	_ =	sdelay $0x3  }
0x329: {  	[tilespmem:v63+s25+$0x0] =	vst.idx.msk $0xffff, v17  }
0x32a: {  	v16 =	vor.u32 v15, v16;
	v17 =	vld.idx.msk [tilespmem:v19+s18+$0x0], $0xffff  }
0x32b: {  	s6 =	sadd.s32 $0x3, s6  }
0x32c: {  	s10 =	sshll.u32 s6, $0x9;
	s6 =	sshll.u32 s6, $0x7  }
0x32d: {  	s10 =	sand.u32 $0xFFFC000, s10;
	s6 =	sand.u32 $0xF80, s6  }
0x32e: {  	s6 =	sor.u32 s6, s10  }
0x32f: {  	s10 =	sadd.s32 s2, s6;
	[tilespmem:v16+s25+$0x0] =	vst.idx.msk $0xffff, v17  }
0x330: {  	[hbm4b:s10+s3] =	stream.linear.scatter [tilespmem:s25], [sflag:$0x6], $0x400, $0x38;
	[tilespmem:$0xCE00] =	vst v63  }
0x331: {  	s12 =	sadd.s32 s6, s7  }
0x332: {  	[hbm4b:s12+s3] =	stream.linear.scatter [tilespmem:s26], [sflag:$0x6], $0x400, $0x38;
	[tilespmem:$0xCE00] =	vst v63  }
.Ltmp6:
0x333: {  	_ = 	snop;
	(pc) =	sbr.rel @p0 .LBB2_12-.Ltmp6, $4  }
0x334: {  	s15 =	sadd.s32 s6, s8  }
0x335: {  	[hbm4b:s15+s3] =	stream.linear.scatter [tilespmem:s28], [sflag:$0x6], $0x400, $0x38;
	[tilespmem:$0xCE00] =	vst v63  }
0x336: {  	s6 =	sadd.s32 s6, s9  }
0x337: {  	[hbm4b:s6+s3] =	stream.linear.scatter [tilespmem:s29], [sflag:$0x6], $0x400, $0x38;
	[tilespmem:$0xCE00] =	vst v63  }
.Ltmp7:
0x338: {  	(pc) =	sbr.rel .LBB2_2-.Ltmp7, $4  }
0x339: {  	s6 =	sshll.u32 s17, $0x9  }
0x33a: {  	s6 =	sand.u32 $0x3FFFFE00, s6  }
0x33b: {  	s10 =	simm.s32 $0x80;
	s17 =	sadd.s32 $0x1, s17;
	s6 =	sadd.s32 $0x380, s6  }
0x33c: {  	[tilespmem:s18], [sflag:$0x4] =	stream.indirect.gather [hbm4b:s4+s10], $0x20, s6, s10, $0xb8;
	[tilespmem:$0xCE00] =	vst v63  }
.LBB2_13:
0x33d: {  	_ =	sfence.sel $0x180000  }
0x33e: {  	[bflag:$0x0] =	sbarrier.arrive $0xFFFF  }
0x33f: {  	_ =	strace $0x90000047  }
0x340: {  	s0 =	stileid.u32;
	[bflag:$0x2] =	sbarrier.arrive $0xFFFF  }
0x341: {  	p0 =	sne.s32 s0, $0x0;
	s0 =	rddreg [dreg:$0x2]  }
0x342: {  	s0 =	sadd.s32 @!p0 $0x100000, s0  }
0x343: {  	[sflag:s0] =	ssyncadd.tile.s32 @!p0 $0x1;
	_ =	shalt  }
.Lfunc_end2:
_tile_overlayer_lowered:
.L_overlay_start_2:
0x344: {  	(tag) =	ssettag $0x2  }
0x345: {  	s0 =	rddreg [dreg:$0x0];
	s2 =	stileid.u32  }
0x346: {  	s1 =	rddreg [dreg:$0x1];
	p0 =	sne.s32 s2, $0x0  }
0x347: {  	s3 =	rddreg [dreg:$0x2];
	[bflag:$0x3] =	sbarrier.arrive $0xFFFF;
	s2 =	simm.s32 @!p0 $0x1C07  }
0x348: {  	[timem:s3], [sflag:s2] =	dma.local @!p0 [hbm:s0], s1  }
0x349: {  	s0 =	simm.s32 @!p0 $0x7  }
0x34a: {  	_ =	swait.ge @!p0 [sflag:s0], s1  }
0x34b: {  	s1 =	ssub.s32 @!p0 $0x0, s1;
	[sflag:s0] =	ssyncset.done @!p0 $0x0  }
0x34c: {  	[sflag:s0] =	ssyncadd.s32 @!p0 s1  }
0x34d: {  	[bflag:$0x3] =	sbarrier.arrive $0xFFFF  }
0x34e: {  	_ =	shalt  }

</sc_bundles>
